<compile_context>
chip_gen: v7x
topology: tpu7x:2x2x1
jax: 0.10.2.dev20260603
libtpu: 0.0.44.dev20260713+nightly
codegen_flags: <defaults>
</compile_context>

<pallas_src>
import functools

import jax
import jax.numpy as jnp
from jax import lax
from jax.experimental import pallas as pl
from jax.experimental.pallas import tpu as pltpu
from jax.experimental.pallas import tpu_sc as plsc

VOCAB = 1000000
EMBED_DIM = 64
BATCH = 16384
N_NEG = 20

NC = 2
NS = 16
NW = NC * NS
B_PER_W = BATCH // NW
BC = 32
N_CHUNKS = B_PER_W // BC
NEG_PER_CHUNK = BC * N_NEG

VB = 32768


def _tc_to_linear(w_t):
    grid = (VOCAB + VB - 1) // VB

    def body(in_ref, out_ref):
        x = in_ref[...]
        x2 = jnp.concatenate([x[:, : VB // 2], x[:, VB // 2:]], axis=0)
        out_ref[...] = x2.T

    return pl.pallas_call(
        body,
        grid=(grid,),
        in_specs=[pl.BlockSpec((EMBED_DIM, VB), lambda i: (0, i))],
        out_specs=pl.BlockSpec((VB // 2, 128), lambda i: (i, 0)),
        out_shape=jax.ShapeDtypeStruct((VOCAB // 2, 128), jnp.float32),
    )(w_t)


def _sc_mesh():
    return plsc.VectorSubcoreMesh(
        core_axis_name="c", subcore_axis_name="s", num_cores=NC,
        num_subcores=NS)


def _sc_negsum(neg_r, wc_lin):

    @functools.partial(
        pl.kernel,
        out_type=jax.ShapeDtypeStruct((BATCH, EMBED_DIM), jnp.float32),
        mesh=_sc_mesh(),
        compiler_params=pltpu.CompilerParams(use_tc_tiling_on_sc=False),
        scratch_types=[
            pltpu.VMEM((N_NEG, B_PER_W // 128, 128), jnp.int32),
            pltpu.VMEM((NEG_PER_CHUNK, EMBED_DIM), jnp.float32),
            pltpu.VMEM((NEG_PER_CHUNK, EMBED_DIM), jnp.float32),
            pltpu.VMEM((BC, EMBED_DIM), jnp.float32),
            pltpu.SemaphoreType.DMA,
            pltpu.SemaphoreType.DMA,
        ],
    )
    def k(neg_hbm, wc_hbm, s_hbm, nidx, nA, nB, sbuf, semA, semB):
        wid = lax.axis_index("s") * NC + lax.axis_index("c")
        base = wid * B_PER_W
        nrw = B_PER_W // 128

        pltpu.sync_copy(neg_hbm.at[:, pl.ds(wid * nrw, nrw)], nidx)

        def fire(ck, n_buf, sem):
            row = ck // 4
            off = (ck % 4) * BC

            def nfire(n, carry):
                pltpu.async_copy(
                    wc_hbm.at[nidx.at[n, row, pl.ds(off, BC)]],
                    n_buf.at[pl.ds(n * BC, BC)], sem)
                return carry

            lax.fori_loop(0, N_NEG, nfire, 0)

        def drain(n_buf, sem):
            pltpu.make_async_copy(
                wc_hbm.at[pl.ds(0, NEG_PER_CHUNK)], n_buf, sem).wait()

        def compute(ck, n_buf):
            def body_b(b, carry):
                def body_n(n, accs):
                    a0, a1, a2, a3 = accs
                    r = n * BC + b
                    return (a0 + n_buf[r, pl.ds(0, 16)],
                            a1 + n_buf[r, pl.ds(16, 16)],
                            a2 + n_buf[r, pl.ds(32, 16)],
                            a3 + n_buf[r, pl.ds(48, 16)])

                z = jnp.zeros((16,), jnp.float32)
                s0, s1, s2, s3 = lax.fori_loop(0, N_NEG, body_n,
                                               (z, z, z, z))
                sbuf[b, pl.ds(0, 16)] = s0
                sbuf[b, pl.ds(16, 16)] = s1
                sbuf[b, pl.ds(32, 16)] = s2
                sbuf[b, pl.ds(48, 16)] = s3
                return carry

            lax.fori_loop(0, BC, body_b, 0)
            pltpu.sync_copy(sbuf, s_hbm.at[pl.ds(base + ck * BC, BC)])

        fire(0, nA, semA)
        fire(1, nB, semB)

        def loop_body(i, carry):
            ck = 2 * i
            drain(nA, semA)
            compute(ck, nA)
            fire(ck + 2, nA, semA)
            drain(nB, semB)
            compute(ck + 1, nB)
            fire(ck + 3, nB, semB)
            return carry

        lax.fori_loop(0, N_CHUNKS // 2 - 1, loop_body, 0)
        drain(nA, semA)
        compute(N_CHUNKS - 2, nA)
        drain(nB, semB)
        compute(N_CHUNKS - 1, nB)

    return k(neg_r, wc_lin)


def _sc_dots(word_r, ctx_r, ww_lin, wc_lin, srow):

    @functools.partial(
        pl.kernel,
        out_type=[
            jax.ShapeDtypeStruct((BATCH // 8, 128), jnp.float32),
            jax.ShapeDtypeStruct((BATCH // 8, 128), jnp.float32),
        ],
        mesh=_sc_mesh(),
        compiler_params=pltpu.CompilerParams(use_tc_tiling_on_sc=False),
        scratch_types=[
            pltpu.VMEM((B_PER_W,), jnp.int32),
            pltpu.VMEM((B_PER_W,), jnp.int32),
            pltpu.VMEM((BC, EMBED_DIM), jnp.float32),
            pltpu.VMEM((BC, EMBED_DIM), jnp.float32),
            pltpu.VMEM((BC, EMBED_DIM), jnp.float32),
            pltpu.VMEM((BC, EMBED_DIM), jnp.float32),
            pltpu.VMEM((BC, EMBED_DIM), jnp.float32),
            pltpu.VMEM((BC, EMBED_DIM), jnp.float32),
            pltpu.VMEM((BC // 8, 128), jnp.float32),
            pltpu.VMEM((BC // 8, 128), jnp.float32),
            pltpu.SemaphoreType.DMA,
            pltpu.SemaphoreType.DMA,
        ],
    )
    def k(word_hbm, ctx_hbm, ww_hbm, wc_hbm, s_hbm,
          pos_hbm, neg_out_hbm,
          widx, cidx, wA, wB, cA, cB, sA, sB, pbuf, nbuf,
          semA, semB):
        wid = lax.axis_index("s") * NC + lax.axis_index("c")
        base = wid * B_PER_W

        pltpu.sync_copy(word_hbm.at[pl.ds(base, B_PER_W)], widx)
        pltpu.sync_copy(ctx_hbm.at[pl.ds(base, B_PER_W)], cidx)

        def fire(ck, w_buf, c_buf, s_buf, sem):
            pltpu.async_copy(
                ww_hbm.at[widx.at[pl.ds(ck * BC, BC)]], w_buf, sem)
            pltpu.async_copy(
                wc_hbm.at[cidx.at[pl.ds(ck * BC, BC)]], c_buf, sem)
            pltpu.async_copy(
                s_hbm.at[pl.ds(base + ck * BC, BC)], s_buf, sem)

        def drain(w_buf, c_buf, s_buf, sem):
            pltpu.make_async_copy(ww_hbm.at[pl.ds(0, BC)], w_buf, sem).wait()
            pltpu.make_async_copy(wc_hbm.at[pl.ds(0, BC)], c_buf, sem).wait()
            pltpu.make_async_copy(s_hbm.at[pl.ds(0, BC)], s_buf, sem).wait()

        def compute(ck, w_buf, c_buf, s_buf):
            def body_b(b, carry):
                w0 = w_buf[b, pl.ds(0, 16)]
                w1 = w_buf[b, pl.ds(16, 16)]
                w2 = w_buf[b, pl.ds(32, 16)]
                w3 = w_buf[b, pl.ds(48, 16)]
                pos = (w0 * c_buf[b, pl.ds(0, 16)]
                       + w1 * c_buf[b, pl.ds(16, 16)]
                       + w2 * c_buf[b, pl.ds(32, 16)]
                       + w3 * c_buf[b, pl.ds(48, 16)])
                neg = (w0 * s_buf[b, pl.ds(0, 16)]
                       + w1 * s_buf[b, pl.ds(16, 16)]
                       + w2 * s_buf[b, pl.ds(32, 16)]
                       + w3 * s_buf[b, pl.ds(48, 16)])
                row = b // 8
                off = (b % 8) * 16
                pbuf[row, pl.ds(off, 16)] = pos
                nbuf[row, pl.ds(off, 16)] = neg
                return carry

            lax.fori_loop(0, BC, body_b, 0)
            orow = wid * (B_PER_W // 8) + ck * (BC // 8)
            pltpu.sync_copy(pbuf, pos_hbm.at[pl.ds(orow, BC // 8)])
            pltpu.sync_copy(nbuf, neg_out_hbm.at[pl.ds(orow, BC // 8)])

        fire(0, wA, cA, sA, semA)
        fire(1, wB, cB, sB, semB)

        def loop_body(i, carry):
            ck = 2 * i
            drain(wA, cA, sA, semA)
            compute(ck, wA, cA, sA)
            fire(ck + 2, wA, cA, sA, semA)
            drain(wB, cB, sB, semB)
            compute(ck + 1, wB, cB, sB)
            fire(ck + 3, wB, cB, sB, semB)
            return carry

        lax.fori_loop(0, N_CHUNKS // 2 - 1, loop_body, 0)
        drain(wA, cA, sA, semA)
        compute(N_CHUNKS - 2, wA, cA, sA)
        drain(wB, cB, sB, semB)
        compute(N_CHUNKS - 1, wB, cB, sB)

    return k(word_r, ctx_r, ww_lin, wc_lin, srow)


def _tc_loss(pos2, neg2):
    def body(p_ref, n_ref, o_ref):
        p = p_ref[...]
        n = n_ref[...]
        j = lax.broadcasted_iota(jnp.int32, (128, 8), 0)
        k = lax.broadcasted_iota(jnp.int32, (128, 8), 1)
        m = (j // 16 == k).astype(jnp.float32)
        sp = jnp.dot(p, m, preferred_element_type=jnp.float32)
        sn = jnp.dot(n, m, preferred_element_type=jnp.float32)
        l = jax.nn.log_sigmoid(sp) + jax.nn.log_sigmoid(-sn)
        o_ref[...] = (-jnp.sum(l) / BATCH).reshape(1, 1)

    return pl.pallas_call(
        body,
        out_shape=jax.ShapeDtypeStruct((1, 1), jnp.float32),
    )(pos2, neg2)


def _perm(v):
    return v - (v % VB) + 2 * (v % (VB // 2)) + ((v // (VB // 2)) & 1)


def kernel(word, context, negative, W_word, W_context):
    word_r = _perm(word.astype(jnp.int32))
    ctx_r = _perm(context.astype(jnp.int32))
    neg_r = (_perm(negative.astype(jnp.int32)).T
             .reshape(N_NEG, BATCH // 128, 128))
    wc_lin = _tc_to_linear(W_context.T).reshape(VOCAB, EMBED_DIM)
    srow = _sc_negsum(neg_r, wc_lin)
    ww_lin = _tc_to_linear(W_word.T).reshape(VOCAB, EMBED_DIM)
    pos_part, neg_part = _sc_dots(word_r, ctx_r, ww_lin, wc_lin, srow)
    out = _tc_loss(pos_part, neg_part)
    return out.reshape(())

# --- scband reference (transcript-rebuilt; emitter-appended) ---
"""Pipeline reference for scband-skip-gram-16329465659513 (READ-ONLY COPY).

The authoritative reference and input builder live on the scoring server;
editing this copy changes nothing except your own understanding.
"""

import jax, jax.numpy as jnp
import numpy as np

VOCAB = 1000000
EMBED_DIM = 64
BATCH = 16384
N_NEG = 20

def setup_inputs(seed: int = 0) -> dict:
    key = jax.random.key(seed)
    k1, k2, k3, k4, k5 = jax.random.split(key, 5)
    word = jax.random.randint(k1, (BATCH,), 0, VOCAB, dtype=jnp.int64) if jax.config.jax_enable_x64 else jax.random.randint(k1, (BATCH,), 0, VOCAB, dtype=jnp.int32)
    context = jax.random.randint(k2, (BATCH,), 0, VOCAB, dtype=word.dtype)
    negative = jax.random.randint(k3, (BATCH, N_NEG), 0, VOCAB, dtype=word.dtype)
    bound = 1.0 / np.sqrt(EMBED_DIM)
    W_word = jax.random.uniform(k4, (VOCAB, EMBED_DIM), dtype=jnp.float32, minval=-bound, maxval=bound)
    W_context = jax.random.uniform(k5, (VOCAB, EMBED_DIM), dtype=jnp.float32, minval=-bound, maxval=bound)
    return {"word": word, "context": context, "negative": negative, "W_word": W_word, "W_context": W_context}

def reference(word, context, negative, W_word, W_context):
    # embW = embWord(word): gather from word table -> [B, D]
    embW = jnp.take(W_word, word, axis=0)
    # dotProd = sum(embW * embContext(context), dim=1) -> [B]
    embC = jnp.take(W_context, context, axis=0)
    dotProd = jnp.sum(embW * embC, axis=1)
    lossTarget = jax.nn.log_sigmoid(dotProd)
    # embContext(negative) -> [B, N_NEG, D]; bmm with embW[:, :, None] -> [B, N_NEG, 1]; sum dim=1 -> [B, 1]
    embN = jnp.take(W_context, negative, axis=0)
    negDotProd = jnp.sum(jnp.einsum('bnd,bd->bn', embN, embW), axis=1, keepdims=True)
    lossNegative = jnp.squeeze(jax.nn.log_sigmoid(-1.0 * negDotProd))
    return -jnp.mean(lossTarget + lossNegative)

if __name__ == "__main__":
    import jax
    _d = setup_inputs()
    print(jax.jit(kernel)(*tuple(_d.values())))

</pallas_src>

<mosaic_0001>
#map = affine_map<(d0, d1) -> (0, 0, 0)>
#map1 = affine_map<(d0, d1) -> (0, 0)>
module attributes {stable_mosaic.version = 14 : i64} {
  func.func @k(%arg0: i32, %arg1: i32, %arg2: memref<20x128x128xi32, #tpu.memory_space<hbm>>, %arg3: memref<1000000x64xf32, #tpu.memory_space<hbm>>, %arg4: memref<16384x64xf32, #tpu.memory_space<hbm>>, %arg5: memref<20x4x128xi32, #tpu.memory_space<vmem>>, %arg6: memref<640x64xf32, #tpu.memory_space<vmem>>, %arg7: memref<640x64xf32, #tpu.memory_space<vmem>>, %arg8: memref<32x64xf32, #tpu.memory_space<vmem>>, %arg9: memref<!tpu.dma_semaphore, #tpu.memory_space<semaphore_mem>>, %arg10: memref<!tpu.dma_semaphore, #tpu.memory_space<semaphore_mem>>) attributes {dimension_semantics = [#tpu.dimension_semantics<core_parallel>, #tpu.dimension_semantics<subcore_parallel>], iteration_bounds = array<i64: 2, 16>, scalar_prefetch = 0 : i64, scratch_operands = 6 : i64, tpu.core_type = #tpu.core_type<sc_vector_subcore>, window_params = [{transform_indices = #map}, {transform_indices = #map1}, {transform_indices = #map1}]} {
    %mul3A = arith.constant 2 : i32
    %mul3A_0 = arith.muli %arg1, %mul3A : i32
    %add3A = arith.addi %mul3A_0, %arg0 : i32
    %mul3A_1 = arith.constant 512 : i32
    %mul3A_2 = arith.muli %add3A, %mul3A_1 : i32
    %mul3A_3 = arith.constant 4 : i32
    %mul3A_4 = arith.muli %add3A, %mul3A_3 : i32
    "tpu.region"() ({
      %run_scoped3A = tpu.sem_alloc : memref<!tpu.dma_semaphore, #tpu.memory_space<semaphore_mem>>
      %dma_start3A = arith.constant 0 : i32
      %dma_start3A_49 = arith.constant 0 : i32
      %dma_start3A_50 = tpu.memref_slice %arg2[%dma_start3A, %mul3A_4, %dma_start3A_49] : memref<20x128x128xi32, #tpu.memory_space<hbm>> -> memref<20x4x128xi32, #tpu.memory_space<hbm>>
      %dma_start3A_51 = arith.constant 0 : i32
      %dma_start3A_52 = arith.constant 0 : i32
      %dma_start3A_53 = tpu.memref_slice %arg2[%dma_start3A_51, %mul3A_4, %dma_start3A_52] : memref<20x128x128xi32, #tpu.memory_space<hbm>> -> memref<20x4x128xi32, #tpu.memory_space<hbm>>
      tpu.enqueue_dma source(%dma_start3A_53 : memref<20x4x128xi32, #tpu.memory_space<hbm>>) target(%arg5 : memref<20x4x128xi32, #tpu.memory_space<vmem>>) target_semaphore(%run_scoped3A : memref<!tpu.dma_semaphore, #tpu.memory_space<semaphore_mem>>)
      %dma_wait3A_54 = arith.constant 0 : i32
      %dma_wait3A_55 = arith.constant 0 : i32
      %dma_wait3A_56 = tpu.memref_slice %arg2[%dma_wait3A_54, %mul3A_4, %dma_wait3A_55] : memref<20x128x128xi32, #tpu.memory_space<hbm>> -> memref<20x4x128xi32, #tpu.memory_space<hbm>>
      %dma_wait3A_57 = arith.constant 0 : i32
      %dma_wait3A_58 = arith.constant 0 : i32
      %dma_wait3A_59 = tpu.memref_slice %arg2[%dma_wait3A_57, %mul3A_4, %dma_wait3A_58] : memref<20x128x128xi32, #tpu.memory_space<hbm>> -> memref<20x4x128xi32, #tpu.memory_space<hbm>>
      tpu.wait_dma2 semaphore(%run_scoped3A : memref<!tpu.dma_semaphore, #tpu.memory_space<semaphore_mem>>) src(%dma_wait3A_59 : memref<20x4x128xi32, #tpu.memory_space<hbm>>) dst(%arg5 : memref<20x4x128xi32, #tpu.memory_space<vmem>>)
      tpu.yield
    }) : () -> ()
    %scan3A = arith.constant 0 : i32
    %scan3A_5 = arith.constant 0 : i32
    %scan3A_6 = arith.constant 20 : i32
    %scan3A_7 = arith.addi %scan3A_5, %scan3A_6 : i32
    %scan3A_8 = arith.constant 1 : i32
    scf.for %scan3A_49 = %scan3A_5 to %scan3A_7 step %scan3A_8  : i32 {
      %mul3A_50 = arith.constant 32 : i32
      %mul3A_51 = arith.muli %scan3A_49, %mul3A_50 : i32
      %dma_start3A = arith.constant 0 : i32
      %dma_start3A_52 = arith.constant 0 : i32
      %dma_start3A_53 = tpu.memref_slice %arg6[%mul3A_51, %dma_start3A_52] : memref<640x64xf32, #tpu.memory_space<vmem>> -> memref<32x64xf32, #tpu.memory_space<vmem>>
      %dma_start3A_54 = arith.constant 0 : i32
      %dma_start3A_55 = tpu.memref_slice %arg5[%scan3A_49, %dma_start3A, %dma_start3A_54] : memref<20x4x128xi32, #tpu.memory_space<vmem>> -> memref<1x1x32xi32, #tpu.memory_space<vmem>>
      %dma_start3A_56 = tpu.memref_squeeze %dma_start3A_55 : memref<1x1x32xi32, #tpu.memory_space<vmem>> -> memref<32xi32, #tpu.memory_space<vmem>>
      %dma_start3A_57 = arith.constant 0 : i32
      %dma_start3A_58 = arith.constant 0 : i32
      %dma_start3A_59 = tpu.memref_slice %arg3[%dma_start3A_57, %dma_start3A_58] : memref<1000000x64xf32, #tpu.memory_space<hbm>> -> memref<1000000x64xf32, #tpu.memory_space<hbm>>
      tpu.enqueue_indirect_dma source(%dma_start3A_59 : memref<1000000x64xf32, #tpu.memory_space<hbm>>) target(%dma_start3A_53 : memref<32x64xf32, #tpu.memory_space<vmem>>) offsets(%dma_start3A_56 : memref<32xi32, #tpu.memory_space<vmem>>) semaphore(%arg9 : memref<!tpu.dma_semaphore, #tpu.memory_space<semaphore_mem>>)
    }
    %scan3A_9 = arith.constant 20 : i32
    %scan3A_10 = arith.constant 0 : i32
    %scan3A_11 = arith.constant 0 : i32
    %scan3A_12 = arith.constant 20 : i32
    %scan3A_13 = arith.addi %scan3A_11, %scan3A_12 : i32
    %scan3A_14 = arith.constant 1 : i32
    scf.for %scan3A_49 = %scan3A_11 to %scan3A_13 step %scan3A_14  : i32 {
      %mul3A_50 = arith.constant 32 : i32
      %mul3A_51 = arith.muli %scan3A_49, %mul3A_50 : i32
      %dma_start3A = arith.constant 0 : i32
      %dma_start3A_52 = arith.constant 0 : i32
      %dma_start3A_53 = tpu.memref_slice %arg7[%mul3A_51, %dma_start3A_52] : memref<640x64xf32, #tpu.memory_space<vmem>> -> memref<32x64xf32, #tpu.memory_space<vmem>>
      %dma_start3A_54 = arith.constant 32 : i32
      %dma_start3A_55 = tpu.memref_slice %arg5[%scan3A_49, %dma_start3A, %dma_start3A_54] : memref<20x4x128xi32, #tpu.memory_space<vmem>> -> memref<1x1x32xi32, #tpu.memory_space<vmem>>
      %dma_start3A_56 = tpu.memref_squeeze %dma_start3A_55 : memref<1x1x32xi32, #tpu.memory_space<vmem>> -> memref<32xi32, #tpu.memory_space<vmem>>
      %dma_start3A_57 = arith.constant 0 : i32
      %dma_start3A_58 = arith.constant 0 : i32
      %dma_start3A_59 = tpu.memref_slice %arg3[%dma_start3A_57, %dma_start3A_58] : memref<1000000x64xf32, #tpu.memory_space<hbm>> -> memref<1000000x64xf32, #tpu.memory_space<hbm>>
      tpu.enqueue_indirect_dma source(%dma_start3A_59 : memref<1000000x64xf32, #tpu.memory_space<hbm>>) target(%dma_start3A_53 : memref<32x64xf32, #tpu.memory_space<vmem>>) offsets(%dma_start3A_56 : memref<32xi32, #tpu.memory_space<vmem>>) semaphore(%arg10 : memref<!tpu.dma_semaphore, #tpu.memory_space<semaphore_mem>>)
    }
    %scan3A_15 = arith.constant 20 : i32
    %scan3A_16 = arith.constant 0 : i32
    %scan3A_17 = arith.constant 0 : i32
    %scan3A_18 = arith.constant 7 : i32
    %scan3A_19 = arith.addi %scan3A_17, %scan3A_18 : i32
    %scan3A_20 = arith.constant 1 : i32
    scf.for %scan3A_49 = %scan3A_17 to %scan3A_19 step %scan3A_20  : i32 {
      %mul3A_50 = arith.constant 2 : i32
      %mul3A_51 = arith.muli %mul3A_50, %scan3A_49 : i32
      %dma_wait3A_52 = arith.constant 0 : i32
      %dma_wait3A_53 = arith.constant 0 : i32
      %dma_wait3A_54 = tpu.memref_slice %arg3[%dma_wait3A_52, %dma_wait3A_53] : memref<1000000x64xf32, #tpu.memory_space<hbm>> -> memref<640x64xf32, #tpu.memory_space<hbm>>
      %dma_wait3A_55 = arith.constant 0 : i32
      %dma_wait3A_56 = arith.constant 0 : i32
      %dma_wait3A_57 = tpu.memref_slice %arg3[%dma_wait3A_55, %dma_wait3A_56] : memref<1000000x64xf32, #tpu.memory_space<hbm>> -> memref<640x64xf32, #tpu.memory_space<hbm>>
      tpu.wait_dma2 semaphore(%arg9 : memref<!tpu.dma_semaphore, #tpu.memory_space<semaphore_mem>>) src(%dma_wait3A_57 : memref<640x64xf32, #tpu.memory_space<hbm>>) dst(%arg6 : memref<640x64xf32, #tpu.memory_space<vmem>>)
      %scan3A_58 = arith.constant 0 : i32
      %scan3A_59 = arith.constant 0 : i32
      %scan3A_60 = arith.constant 32 : i32
      %scan3A_61 = arith.addi %scan3A_59, %scan3A_60 : i32
      %scan3A_62 = arith.constant 1 : i32
      scf.for %scan3A_174 = %scan3A_59 to %scan3A_61 step %scan3A_62  : i32 {
        %broadcast_in_dim3A = arith.constant 0.000000e+00 : f32
        %broadcast_in_dim3A_175 = vector.broadcast %broadcast_in_dim3A : f32 to vector<16xf32>
        %scan3A_176 = arith.constant 0 : i32
        %scan3A_177 = arith.constant 20 : i32
        %scan3A_178 = arith.addi %scan3A_176, %scan3A_177 : i32
        %scan3A_179 = arith.constant 1 : i32
        %scan3A_180:4 = scf.for %scan3A_201 = %scan3A_176 to %scan3A_178 step %scan3A_179 iter_args(%scan3A_202 = %broadcast_in_dim3A_175, %scan3A_203 = %broadcast_in_dim3A_175, %scan3A_204 = %broadcast_in_dim3A_175, %scan3A_205 = %broadcast_in_dim3A_175) -> (vector<16xf32>, vector<16xf32>, vector<16xf32>, vector<16xf32>)  : i32 {
          %mul3A_206 = arith.constant 32 : i32
          %mul3A_207 = arith.muli %scan3A_201, %mul3A_206 : i32
          %add3A_208 = arith.addi %mul3A_207, %scan3A_174 : i32
          %get3A = arith.index_cast %add3A_208 : i32 to index
          %get3A_209 = arith.constant 0 : index
          %get3A_210 = tpu.vector_load %arg6[%get3A, %get3A_209] {strides = array<i32>} : memref<640x64xf32, #tpu.memory_space<vmem>>, vector<1x16xf32>,
          %get3A_211 = vector.shape_cast %get3A_210 : vector<1x16xf32> to vector<16xf32>
          %add3A_212 = arith.addf %scan3A_202, %get3A_211 : vector<16xf32>
          %get3A_213 = arith.index_cast %add3A_208 : i32 to index
          %get3A_214 = arith.constant 16 : index
          %get3A_215 = tpu.vector_load %arg6[%get3A_213, %get3A_214] {strides = array<i32>} : memref<640x64xf32, #tpu.memory_space<vmem>>, vector<1x16xf32>,
          %get3A_216 = vector.shape_cast %get3A_215 : vector<1x16xf32> to vector<16xf32>
          %add3A_217 = arith.addf %scan3A_203, %get3A_216 : vector<16xf32>
          %get3A_218 = arith.index_cast %add3A_208 : i32 to index
          %get3A_219 = arith.constant 32 : index
          %get3A_220 = tpu.vector_load %arg6[%get3A_218, %get3A_219] {strides = array<i32>} : memref<640x64xf32, #tpu.memory_space<vmem>>, vector<1x16xf32>,
          %get3A_221 = vector.shape_cast %get3A_220 : vector<1x16xf32> to vector<16xf32>
          %add3A_222 = arith.addf %scan3A_204, %get3A_221 : vector<16xf32>
          %get3A_223 = arith.index_cast %add3A_208 : i32 to index
          %get3A_224 = arith.constant 48 : index
          %get3A_225 = tpu.vector_load %arg6[%get3A_223, %get3A_224] {strides = array<i32>} : memref<640x64xf32, #tpu.memory_space<vmem>>, vector<1x16xf32>,
          %get3A_226 = vector.shape_cast %get3A_225 : vector<1x16xf32> to vector<16xf32>
          %add3A_227 = arith.addf %scan3A_205, %get3A_226 : vector<16xf32>
          scf.yield %add3A_212, %add3A_217, %add3A_222, %add3A_227 : vector<16xf32>, vector<16xf32>, vector<16xf32>, vector<16xf32>
        }
        %scan3A_181 = arith.constant 20 : i32
        %swap3A = arith.index_cast %scan3A_174 : i32 to index
        %swap3A_182 = arith.constant 0 : index
        %swap3A_183 = tpu.vector_load %arg8[%swap3A, %swap3A_182] {strides = array<i32>} : memref<32x64xf32, #tpu.memory_space<vmem>>, vector<1x16xf32>,
        %swap3A_184 = vector.shape_cast %swap3A_183 : vector<1x16xf32> to vector<16xf32>
        %swap3A_185 = vector.shape_cast %scan3A_180#0 : vector<16xf32> to vector<1x16xf32>
        tpu.vector_store %arg8[%swap3A, %swap3A_182], %swap3A_185 {strides = array<i32>} : memref<32x64xf32, #tpu.memory_space<vmem>>, vector<1x16xf32>,
        %swap3A_186 = arith.index_cast %scan3A_174 : i32 to index
        %swap3A_187 = arith.constant 16 : index
        %swap3A_188 = tpu.vector_load %arg8[%swap3A_186, %swap3A_187] {strides = array<i32>} : memref<32x64xf32, #tpu.memory_space<vmem>>, vector<1x16xf32>,
        %swap3A_189 = vector.shape_cast %swap3A_188 : vector<1x16xf32> to vector<16xf32>
        %swap3A_190 = vector.shape_cast %scan3A_180#1 : vector<16xf32> to vector<1x16xf32>
        tpu.vector_store %arg8[%swap3A_186, %swap3A_187], %swap3A_190 {strides = array<i32>} : memref<32x64xf32, #tpu.memory_space<vmem>>, vector<1x16xf32>,
        %swap3A_191 = arith.index_cast %scan3A_174 : i32 to index
        %swap3A_192 = arith.constant 32 : index
        %swap3A_193 = tpu.vector_load %arg8[%swap3A_191, %swap3A_192] {strides = array<i32>} : memref<32x64xf32, #tpu.memory_space<vmem>>, vector<1x16xf32>,
        %swap3A_194 = vector.shape_cast %swap3A_193 : vector<1x16xf32> to vector<16xf32>
        %swap3A_195 = vector.shape_cast %scan3A_180#2 : vector<16xf32> to vector<1x16xf32>
        tpu.vector_store %arg8[%swap3A_191, %swap3A_192], %swap3A_195 {strides = array<i32>} : memref<32x64xf32, #tpu.memory_space<vmem>>, vector<1x16xf32>,
        %swap3A_196 = arith.index_cast %scan3A_174 : i32 to index
        %swap3A_197 = arith.constant 48 : index
        %swap3A_198 = tpu.vector_load %arg8[%swap3A_196, %swap3A_197] {strides = array<i32>} : memref<32x64xf32, #tpu.memory_space<vmem>>, vector<1x16xf32>,
        %swap3A_199 = vector.shape_cast %swap3A_198 : vector<1x16xf32> to vector<16xf32>
        %swap3A_200 = vector.shape_cast %scan3A_180#3 : vector<16xf32> to vector<1x16xf32>
        tpu.vector_store %arg8[%swap3A_196, %swap3A_197], %swap3A_200 {strides = array<i32>} : memref<32x64xf32, #tpu.memory_space<vmem>>, vector<1x16xf32>,
      }
      %scan3A_63 = arith.constant 32 : i32
      %mul3A_64 = arith.constant 32 : i32
      %mul3A_65 = arith.muli %mul3A_51, %mul3A_64 : i32
      %add3A_66 = arith.addi %mul3A_2, %mul3A_65 : i32
      "tpu.region"() ({
        %run_scoped3A = tpu.sem_alloc : memref<!tpu.dma_semaphore, #tpu.memory_space<semaphore_mem>>
        %dma_start3A = arith.constant 0 : i32
        %dma_start3A_174 = tpu.memref_slice %arg4[%add3A_66, %dma_start3A] : memref<16384x64xf32, #tpu.memory_space<hbm>> -> memref<32x64xf32, #tpu.memory_space<hbm>>
        %dma_start3A_175 = arith.constant 0 : i32
        %dma_start3A_176 = tpu.memref_slice %arg4[%add3A_66, %dma_start3A_175] : memref<16384x64xf32, #tpu.memory_space<hbm>> -> memref<32x64xf32, #tpu.memory_space<hbm>>
        tpu.enqueue_dma source(%arg8 : memref<32x64xf32, #tpu.memory_space<vmem>>) target(%dma_start3A_176 : memref<32x64xf32, #tpu.memory_space<hbm>>) target_semaphore(%run_scoped3A : memref<!tpu.dma_semaphore, #tpu.memory_space<semaphore_mem>>)
        %dma_wait3A_177 = arith.constant 0 : i32
        %dma_wait3A_178 = tpu.memref_slice %arg4[%add3A_66, %dma_wait3A_177] : memref<16384x64xf32, #tpu.memory_space<hbm>> -> memref<32x64xf32, #tpu.memory_space<hbm>>
        %dma_wait3A_179 = arith.constant 0 : i32
        %dma_wait3A_180 = tpu.memref_slice %arg4[%add3A_66, %dma_wait3A_179] : memref<16384x64xf32, #tpu.memory_space<hbm>> -> memref<32x64xf32, #tpu.memory_space<hbm>>
        tpu.wait_dma2 semaphore(%run_scoped3A : memref<!tpu.dma_semaphore, #tpu.memory_space<semaphore_mem>>) src(%arg8 : memref<32x64xf32, #tpu.memory_space<vmem>>) dst(%dma_wait3A_180 : memref<32x64xf32, #tpu.memory_space<hbm>>)
        tpu.yield
      }) : () -> ()
      %add3A_67 = arith.constant 2 : i32
      %add3A_68 = arith.addi %mul3A_51, %add3A_67 : i32
      %jit3A = arith.constant 4 : i32
      %div3A = arith.divsi %add3A_68, %jit3A : i32
      %sign3A = arith.constant 0 : i32
      %sign3A_69 = arith.cmpi sgt, %add3A_68, %sign3A : i32
      %sign3A_70 = arith.extui %sign3A_69 : i1 to i32
      %sign3A_71 = arith.constant 0 : i32
      %sign3A_72 = arith.cmpi slt, %add3A_68, %sign3A_71 : i32
      %sign3A_73 = arith.extui %sign3A_72 : i1 to i32
      %sign3A_74 = arith.subi %sign3A_70, %sign3A_73 : i32
      %sign3A_75 = arith.constant 0 : i32
      %sign3A_76 = arith.cmpi sgt, %jit3A, %sign3A_75 : i32
      %sign3A_77 = arith.extui %sign3A_76 : i1 to i32
      %sign3A_78 = arith.constant 0 : i32
      %sign3A_79 = arith.cmpi slt, %jit3A, %sign3A_78 : i32
      %sign3A_80 = arith.extui %sign3A_79 : i1 to i32
      %sign3A_81 = arith.subi %sign3A_77, %sign3A_80 : i32
      %ne3A = arith.cmpi ne, %sign3A_74, %sign3A_81 : i32
      %rem3A = arith.remsi %add3A_68, %jit3A : i32
      %ne3A_82 = arith.constant 0 : i32
      %ne3A_83 = arith.cmpi ne, %rem3A, %ne3A_82 : i32
      %and3A = arith.andi %ne3A, %ne3A_83 : i1
      %sub3A = arith.constant 1 : i32
      %sub3A_84 = arith.subi %div3A, %sub3A : i32
      %select_n3A = arith.select %and3A, %sub3A_84, %div3A : i32
      %jit3A_85 = arith.constant 4 : i32
      %eq3A = arith.constant 0 : i32
      %eq3A_86 = arith.cmpi eq, %jit3A_85, %eq3A : i32
      %jit3A_87 = arith.constant 1 : i32
      %select_n3A_88 = arith.select %eq3A_86, %jit3A_87, %jit3A_85 : i32
      %rem3A_89 = arith.remsi %add3A_68, %select_n3A_88 : i32
      %ne3A_90 = arith.constant 0 : i32
      %ne3A_91 = arith.cmpi ne, %rem3A_89, %ne3A_90 : i32
      %lt3A = arith.constant 0 : i32
      %lt3A_92 = arith.cmpi slt, %rem3A_89, %lt3A : i32
      %lt3A_93 = arith.constant 0 : i32
      %lt3A_94 = arith.cmpi slt, %select_n3A_88, %lt3A_93 : i32
      %ne3A_95 = arith.xori %lt3A_92, %lt3A_94 : i1
      %and3A_96 = arith.andi %ne3A_95, %ne3A_91 : i1
      %add3A_97 = arith.addi %rem3A_89, %select_n3A_88 : i32
      %select_n3A_98 = arith.select %and3A_96, %add3A_97, %rem3A_89 : i32
      %mul3A_99 = arith.constant 32 : i32
      %mul3A_100 = arith.muli %select_n3A_98, %mul3A_99 : i32
      %scan3A_101 = arith.constant 0 : i32
      %scan3A_102 = arith.constant 0 : i32
      %scan3A_103 = arith.constant 20 : i32
      %scan3A_104 = arith.addi %scan3A_102, %scan3A_103 : i32
      %scan3A_105 = arith.constant 1 : i32
      scf.for %scan3A_174 = %scan3A_102 to %scan3A_104 step %scan3A_105  : i32 {
        %mul3A_175 = arith.constant 32 : i32
        %mul3A_176 = arith.muli %scan3A_174, %mul3A_175 : i32
        %dma_start3A = arith.constant 0 : i32
        %dma_start3A_177 = tpu.memref_slice %arg6[%mul3A_176, %dma_start3A] : memref<640x64xf32, #tpu.memory_space<vmem>> -> memref<32x64xf32, #tpu.memory_space<vmem>>
        %dma_start3A_178 = tpu.memref_slice %arg5[%scan3A_174, %select_n3A, %mul3A_100] : memref<20x4x128xi32, #tpu.memory_space<vmem>> -> memref<1x1x32xi32, #tpu.memory_space<vmem>>
        %dma_start3A_179 = tpu.memref_squeeze %dma_start3A_178 : memref<1x1x32xi32, #tpu.memory_space<vmem>> -> memref<32xi32, #tpu.memory_space<vmem>>
        %dma_start3A_180 = arith.constant 0 : i32
        %dma_start3A_181 = arith.constant 0 : i32
        %dma_start3A_182 = tpu.memref_slice %arg3[%dma_start3A_180, %dma_start3A_181] : memref<1000000x64xf32, #tpu.memory_space<hbm>> -> memref<1000000x64xf32, #tpu.memory_space<hbm>>
        tpu.enqueue_indirect_dma source(%dma_start3A_182 : memref<1000000x64xf32, #tpu.memory_space<hbm>>) target(%dma_start3A_177 : memref<32x64xf32, #tpu.memory_space<vmem>>) offsets(%dma_start3A_179 : memref<32xi32, #tpu.memory_space<vmem>>) semaphore(%arg9 : memref<!tpu.dma_semaphore, #tpu.memory_space<semaphore_mem>>)
      }
      %scan3A_106 = arith.constant 20 : i32
      %dma_wait3A_107 = arith.constant 0 : i32
      %dma_wait3A_108 = arith.constant 0 : i32
      %dma_wait3A_109 = tpu.memref_slice %arg3[%dma_wait3A_107, %dma_wait3A_108] : memref<1000000x64xf32, #tpu.memory_space<hbm>> -> memref<640x64xf32, #tpu.memory_space<hbm>>
      %dma_wait3A_110 = arith.constant 0 : i32
      %dma_wait3A_111 = arith.constant 0 : i32
      %dma_wait3A_112 = tpu.memref_slice %arg3[%dma_wait3A_110, %dma_wait3A_111] : memref<1000000x64xf32, #tpu.memory_space<hbm>> -> memref<640x64xf32, #tpu.memory_space<hbm>>
      tpu.wait_dma2 semaphore(%arg10 : memref<!tpu.dma_semaphore, #tpu.memory_space<semaphore_mem>>) src(%dma_wait3A_112 : memref<640x64xf32, #tpu.memory_space<hbm>>) dst(%arg7 : memref<640x64xf32, #tpu.memory_space<vmem>>)
      %add3A_113 = arith.constant 1 : i32
      %add3A_114 = arith.addi %mul3A_51, %add3A_113 : i32
      %scan3A_115 = arith.constant 0 : i32
      %scan3A_116 = arith.constant 0 : i32
      %scan3A_117 = arith.constant 32 : i32
      %scan3A_118 = arith.addi %scan3A_116, %scan3A_117 : i32
      %scan3A_119 = arith.constant 1 : i32
      scf.for %scan3A_174 = %scan3A_116 to %scan3A_118 step %scan3A_119  : i32 {
        %broadcast_in_dim3A = arith.constant 0.000000e+00 : f32
        %broadcast_in_dim3A_175 = vector.broadcast %broadcast_in_dim3A : f32 to vector<16xf32>
        %scan3A_176 = arith.constant 0 : i32
        %scan3A_177 = arith.constant 20 : i32
        %scan3A_178 = arith.addi %scan3A_176, %scan3A_177 : i32
        %scan3A_179 = arith.constant 1 : i32
        %scan3A_180:4 = scf.for %scan3A_201 = %scan3A_176 to %scan3A_178 step %scan3A_179 iter_args(%scan3A_202 = %broadcast_in_dim3A_175, %scan3A_203 = %broadcast_in_dim3A_175, %scan3A_204 = %broadcast_in_dim3A_175, %scan3A_205 = %broadcast_in_dim3A_175) -> (vector<16xf32>, vector<16xf32>, vector<16xf32>, vector<16xf32>)  : i32 {
          %mul3A_206 = arith.constant 32 : i32
          %mul3A_207 = arith.muli %scan3A_201, %mul3A_206 : i32
          %add3A_208 = arith.addi %mul3A_207, %scan3A_174 : i32
          %get3A = arith.index_cast %add3A_208 : i32 to index
          %get3A_209 = arith.constant 0 : index
          %get3A_210 = tpu.vector_load %arg7[%get3A, %get3A_209] {strides = array<i32>} : memref<640x64xf32, #tpu.memory_space<vmem>>, vector<1x16xf32>,
          %get3A_211 = vector.shape_cast %get3A_210 : vector<1x16xf32> to vector<16xf32>
          %add3A_212 = arith.addf %scan3A_202, %get3A_211 : vector<16xf32>
          %get3A_213 = arith.index_cast %add3A_208 : i32 to index
          %get3A_214 = arith.constant 16 : index
          %get3A_215 = tpu.vector_load %arg7[%get3A_213, %get3A_214] {strides = array<i32>} : memref<640x64xf32, #tpu.memory_space<vmem>>, vector<1x16xf32>,
          %get3A_216 = vector.shape_cast %get3A_215 : vector<1x16xf32> to vector<16xf32>
          %add3A_217 = arith.addf %scan3A_203, %get3A_216 : vector<16xf32>
          %get3A_218 = arith.index_cast %add3A_208 : i32 to index
          %get3A_219 = arith.constant 32 : index
          %get3A_220 = tpu.vector_load %arg7[%get3A_218, %get3A_219] {strides = array<i32>} : memref<640x64xf32, #tpu.memory_space<vmem>>, vector<1x16xf32>,
          %get3A_221 = vector.shape_cast %get3A_220 : vector<1x16xf32> to vector<16xf32>
          %add3A_222 = arith.addf %scan3A_204, %get3A_221 : vector<16xf32>
          %get3A_223 = arith.index_cast %add3A_208 : i32 to index
          %get3A_224 = arith.constant 48 : index
          %get3A_225 = tpu.vector_load %arg7[%get3A_223, %get3A_224] {strides = array<i32>} : memref<640x64xf32, #tpu.memory_space<vmem>>, vector<1x16xf32>,
          %get3A_226 = vector.shape_cast %get3A_225 : vector<1x16xf32> to vector<16xf32>
          %add3A_227 = arith.addf %scan3A_205, %get3A_226 : vector<16xf32>
          scf.yield %add3A_212, %add3A_217, %add3A_222, %add3A_227 : vector<16xf32>, vector<16xf32>, vector<16xf32>, vector<16xf32>
        }
        %scan3A_181 = arith.constant 20 : i32
        %swap3A = arith.index_cast %scan3A_174 : i32 to index
        %swap3A_182 = arith.constant 0 : index
        %swap3A_183 = tpu.vector_load %arg8[%swap3A, %swap3A_182] {strides = array<i32>} : memref<32x64xf32, #tpu.memory_space<vmem>>, vector<1x16xf32>,
        %swap3A_184 = vector.shape_cast %swap3A_183 : vector<1x16xf32> to vector<16xf32>
        %swap3A_185 = vector.shape_cast %scan3A_180#0 : vector<16xf32> to vector<1x16xf32>
        tpu.vector_store %arg8[%swap3A, %swap3A_182], %swap3A_185 {strides = array<i32>} : memref<32x64xf32, #tpu.memory_space<vmem>>, vector<1x16xf32>,
        %swap3A_186 = arith.index_cast %scan3A_174 : i32 to index
        %swap3A_187 = arith.constant 16 : index
        %swap3A_188 = tpu.vector_load %arg8[%swap3A_186, %swap3A_187] {strides = array<i32>} : memref<32x64xf32, #tpu.memory_space<vmem>>, vector<1x16xf32>,
        %swap3A_189 = vector.shape_cast %swap3A_188 : vector<1x16xf32> to vector<16xf32>
        %swap3A_190 = vector.shape_cast %scan3A_180#1 : vector<16xf32> to vector<1x16xf32>
        tpu.vector_store %arg8[%swap3A_186, %swap3A_187], %swap3A_190 {strides = array<i32>} : memref<32x64xf32, #tpu.memory_space<vmem>>, vector<1x16xf32>,
        %swap3A_191 = arith.index_cast %scan3A_174 : i32 to index
        %swap3A_192 = arith.constant 32 : index
        %swap3A_193 = tpu.vector_load %arg8[%swap3A_191, %swap3A_192] {strides = array<i32>} : memref<32x64xf32, #tpu.memory_space<vmem>>, vector<1x16xf32>,
        %swap3A_194 = vector.shape_cast %swap3A_193 : vector<1x16xf32> to vector<16xf32>
        %swap3A_195 = vector.shape_cast %scan3A_180#2 : vector<16xf32> to vector<1x16xf32>
        tpu.vector_store %arg8[%swap3A_191, %swap3A_192], %swap3A_195 {strides = array<i32>} : memref<32x64xf32, #tpu.memory_space<vmem>>, vector<1x16xf32>,
        %swap3A_196 = arith.index_cast %scan3A_174 : i32 to index
        %swap3A_197 = arith.constant 48 : index
        %swap3A_198 = tpu.vector_load %arg8[%swap3A_196, %swap3A_197] {strides = array<i32>} : memref<32x64xf32, #tpu.memory_space<vmem>>, vector<1x16xf32>,
        %swap3A_199 = vector.shape_cast %swap3A_198 : vector<1x16xf32> to vector<16xf32>
        %swap3A_200 = vector.shape_cast %scan3A_180#3 : vector<16xf32> to vector<1x16xf32>
        tpu.vector_store %arg8[%swap3A_196, %swap3A_197], %swap3A_200 {strides = array<i32>} : memref<32x64xf32, #tpu.memory_space<vmem>>, vector<1x16xf32>,
      }
      %scan3A_120 = arith.constant 32 : i32
      %mul3A_121 = arith.constant 32 : i32
      %mul3A_122 = arith.muli %add3A_114, %mul3A_121 : i32
      %add3A_123 = arith.addi %mul3A_2, %mul3A_122 : i32
      "tpu.region"() ({
        %run_scoped3A = tpu.sem_alloc : memref<!tpu.dma_semaphore, #tpu.memory_space<semaphore_mem>>
        %dma_start3A = arith.constant 0 : i32
        %dma_start3A_174 = tpu.memref_slice %arg4[%add3A_123, %dma_start3A] : memref<16384x64xf32, #tpu.memory_space<hbm>> -> memref<32x64xf32, #tpu.memory_space<hbm>>
        %dma_start3A_175 = arith.constant 0 : i32
        %dma_start3A_176 = tpu.memref_slice %arg4[%add3A_123, %dma_start3A_175] : memref<16384x64xf32, #tpu.memory_space<hbm>> -> memref<32x64xf32, #tpu.memory_space<hbm>>
        tpu.enqueue_dma source(%arg8 : memref<32x64xf32, #tpu.memory_space<vmem>>) target(%dma_start3A_176 : memref<32x64xf32, #tpu.memory_space<hbm>>) target_semaphore(%run_scoped3A : memref<!tpu.dma_semaphore, #tpu.memory_space<semaphore_mem>>)
        %dma_wait3A_177 = arith.constant 0 : i32
        %dma_wait3A_178 = tpu.memref_slice %arg4[%add3A_123, %dma_wait3A_177] : memref<16384x64xf32, #tpu.memory_space<hbm>> -> memref<32x64xf32, #tpu.memory_space<hbm>>
        %dma_wait3A_179 = arith.constant 0 : i32
        %dma_wait3A_180 = tpu.memref_slice %arg4[%add3A_123, %dma_wait3A_179] : memref<16384x64xf32, #tpu.memory_space<hbm>> -> memref<32x64xf32, #tpu.memory_space<hbm>>
        tpu.wait_dma2 semaphore(%run_scoped3A : memref<!tpu.dma_semaphore, #tpu.memory_space<semaphore_mem>>) src(%arg8 : memref<32x64xf32, #tpu.memory_space<vmem>>) dst(%dma_wait3A_180 : memref<32x64xf32, #tpu.memory_space<hbm>>)
        tpu.yield
      }) : () -> ()
      %add3A_124 = arith.constant 3 : i32
      %add3A_125 = arith.addi %mul3A_51, %add3A_124 : i32
      %jit3A_126 = arith.constant 4 : i32
      %div3A_127 = arith.divsi %add3A_125, %jit3A_126 : i32
      %sign3A_128 = arith.constant 0 : i32
      %sign3A_129 = arith.cmpi sgt, %add3A_125, %sign3A_128 : i32
      %sign3A_130 = arith.extui %sign3A_129 : i1 to i32
      %sign3A_131 = arith.constant 0 : i32
      %sign3A_132 = arith.cmpi slt, %add3A_125, %sign3A_131 : i32
      %sign3A_133 = arith.extui %sign3A_132 : i1 to i32
      %sign3A_134 = arith.subi %sign3A_130, %sign3A_133 : i32
      %sign3A_135 = arith.constant 0 : i32
      %sign3A_136 = arith.cmpi sgt, %jit3A_126, %sign3A_135 : i32
      %sign3A_137 = arith.extui %sign3A_136 : i1 to i32
      %sign3A_138 = arith.constant 0 : i32
      %sign3A_139 = arith.cmpi slt, %jit3A_126, %sign3A_138 : i32
      %sign3A_140 = arith.extui %sign3A_139 : i1 to i32
      %sign3A_141 = arith.subi %sign3A_137, %sign3A_140 : i32
      %ne3A_142 = arith.cmpi ne, %sign3A_134, %sign3A_141 : i32
      %rem3A_143 = arith.remsi %add3A_125, %jit3A_126 : i32
      %ne3A_144 = arith.constant 0 : i32
      %ne3A_145 = arith.cmpi ne, %rem3A_143, %ne3A_144 : i32
      %and3A_146 = arith.andi %ne3A_142, %ne3A_145 : i1
      %sub3A_147 = arith.constant 1 : i32
      %sub3A_148 = arith.subi %div3A_127, %sub3A_147 : i32
      %select_n3A_149 = arith.select %and3A_146, %sub3A_148, %div3A_127 : i32
      %jit3A_150 = arith.constant 4 : i32
      %eq3A_151 = arith.constant 0 : i32
      %eq3A_152 = arith.cmpi eq, %jit3A_150, %eq3A_151 : i32
      %jit3A_153 = arith.constant 1 : i32
      %select_n3A_154 = arith.select %eq3A_152, %jit3A_153, %jit3A_150 : i32
      %rem3A_155 = arith.remsi %add3A_125, %select_n3A_154 : i32
      %ne3A_156 = arith.constant 0 : i32
      %ne3A_157 = arith.cmpi ne, %rem3A_155, %ne3A_156 : i32
      %lt3A_158 = arith.constant 0 : i32
      %lt3A_159 = arith.cmpi slt, %rem3A_155, %lt3A_158 : i32
      %lt3A_160 = arith.constant 0 : i32
      %lt3A_161 = arith.cmpi slt, %select_n3A_154, %lt3A_160 : i32
      %ne3A_162 = arith.xori %lt3A_159, %lt3A_161 : i1
      %and3A_163 = arith.andi %ne3A_162, %ne3A_157 : i1
      %add3A_164 = arith.addi %rem3A_155, %select_n3A_154 : i32
      %select_n3A_165 = arith.select %and3A_163, %add3A_164, %rem3A_155 : i32
      %mul3A_166 = arith.constant 32 : i32
      %mul3A_167 = arith.muli %select_n3A_165, %mul3A_166 : i32
      %scan3A_168 = arith.constant 0 : i32
      %scan3A_169 = arith.constant 0 : i32
      %scan3A_170 = arith.constant 20 : i32
      %scan3A_171 = arith.addi %scan3A_169, %scan3A_170 : i32
      %scan3A_172 = arith.constant 1 : i32
      scf.for %scan3A_174 = %scan3A_169 to %scan3A_171 step %scan3A_172  : i32 {
        %mul3A_175 = arith.constant 32 : i32
        %mul3A_176 = arith.muli %scan3A_174, %mul3A_175 : i32
        %dma_start3A = arith.constant 0 : i32
        %dma_start3A_177 = tpu.memref_slice %arg7[%mul3A_176, %dma_start3A] : memref<640x64xf32, #tpu.memory_space<vmem>> -> memref<32x64xf32, #tpu.memory_space<vmem>>
        %dma_start3A_178 = tpu.memref_slice %arg5[%scan3A_174, %select_n3A_149, %mul3A_167] : memref<20x4x128xi32, #tpu.memory_space<vmem>> -> memref<1x1x32xi32, #tpu.memory_space<vmem>>
        %dma_start3A_179 = tpu.memref_squeeze %dma_start3A_178 : memref<1x1x32xi32, #tpu.memory_space<vmem>> -> memref<32xi32, #tpu.memory_space<vmem>>
        %dma_start3A_180 = arith.constant 0 : i32
        %dma_start3A_181 = arith.constant 0 : i32
        %dma_start3A_182 = tpu.memref_slice %arg3[%dma_start3A_180, %dma_start3A_181] : memref<1000000x64xf32, #tpu.memory_space<hbm>> -> memref<1000000x64xf32, #tpu.memory_space<hbm>>
        tpu.enqueue_indirect_dma source(%dma_start3A_182 : memref<1000000x64xf32, #tpu.memory_space<hbm>>) target(%dma_start3A_177 : memref<32x64xf32, #tpu.memory_space<vmem>>) offsets(%dma_start3A_179 : memref<32xi32, #tpu.memory_space<vmem>>) semaphore(%arg10 : memref<!tpu.dma_semaphore, #tpu.memory_space<semaphore_mem>>)
      }
      %scan3A_173 = arith.constant 20 : i32
    }
    %scan3A_21 = arith.constant 7 : i32
    %dma_wait3A = arith.constant 0 : i32
    %dma_wait3A_22 = arith.constant 0 : i32
    %dma_wait3A_23 = tpu.memref_slice %arg3[%dma_wait3A, %dma_wait3A_22] : memref<1000000x64xf32, #tpu.memory_space<hbm>> -> memref<640x64xf32, #tpu.memory_space<hbm>>
    %dma_wait3A_24 = arith.constant 0 : i32
    %dma_wait3A_25 = arith.constant 0 : i32
    %dma_wait3A_26 = tpu.memref_slice %arg3[%dma_wait3A_24, %dma_wait3A_25] : memref<1000000x64xf32, #tpu.memory_space<hbm>> -> memref<640x64xf32, #tpu.memory_space<hbm>>
    tpu.wait_dma2 semaphore(%arg9 : memref<!tpu.dma_semaphore, #tpu.memory_space<semaphore_mem>>) src(%dma_wait3A_26 : memref<640x64xf32, #tpu.memory_space<hbm>>) dst(%arg6 : memref<640x64xf32, #tpu.memory_space<vmem>>)
    %scan3A_27 = arith.constant 0 : i32
    %scan3A_28 = arith.constant 0 : i32
    %scan3A_29 = arith.constant 32 : i32
    %scan3A_30 = arith.addi %scan3A_28, %scan3A_29 : i32
    %scan3A_31 = arith.constant 1 : i32
    scf.for %scan3A_49 = %scan3A_28 to %scan3A_30 step %scan3A_31  : i32 {
      %broadcast_in_dim3A = arith.constant 0.000000e+00 : f32
      %broadcast_in_dim3A_50 = vector.broadcast %broadcast_in_dim3A : f32 to vector<16xf32>
      %scan3A_51 = arith.constant 0 : i32
      %scan3A_52 = arith.constant 20 : i32
      %scan3A_53 = arith.addi %scan3A_51, %scan3A_52 : i32
      %scan3A_54 = arith.constant 1 : i32
      %scan3A_55:4 = scf.for %scan3A_76 = %scan3A_51 to %scan3A_53 step %scan3A_54 iter_args(%scan3A_77 = %broadcast_in_dim3A_50, %scan3A_78 = %broadcast_in_dim3A_50, %scan3A_79 = %broadcast_in_dim3A_50, %scan3A_80 = %broadcast_in_dim3A_50) -> (vector<16xf32>, vector<16xf32>, vector<16xf32>, vector<16xf32>)  : i32 {
        %mul3A_81 = arith.constant 32 : i32
        %mul3A_82 = arith.muli %scan3A_76, %mul3A_81 : i32
        %add3A_83 = arith.addi %mul3A_82, %scan3A_49 : i32
        %get3A = arith.index_cast %add3A_83 : i32 to index
        %get3A_84 = arith.constant 0 : index
        %get3A_85 = tpu.vector_load %arg6[%get3A, %get3A_84] {strides = array<i32>} : memref<640x64xf32, #tpu.memory_space<vmem>>, vector<1x16xf32>,
        %get3A_86 = vector.shape_cast %get3A_85 : vector<1x16xf32> to vector<16xf32>
        %add3A_87 = arith.addf %scan3A_77, %get3A_86 : vector<16xf32>
        %get3A_88 = arith.index_cast %add3A_83 : i32 to index
        %get3A_89 = arith.constant 16 : index
        %get3A_90 = tpu.vector_load %arg6[%get3A_88, %get3A_89] {strides = array<i32>} : memref<640x64xf32, #tpu.memory_space<vmem>>, vector<1x16xf32>,
        %get3A_91 = vector.shape_cast %get3A_90 : vector<1x16xf32> to vector<16xf32>
        %add3A_92 = arith.addf %scan3A_78, %get3A_91 : vector<16xf32>
        %get3A_93 = arith.index_cast %add3A_83 : i32 to index
        %get3A_94 = arith.constant 32 : index
        %get3A_95 = tpu.vector_load %arg6[%get3A_93, %get3A_94] {strides = array<i32>} : memref<640x64xf32, #tpu.memory_space<vmem>>, vector<1x16xf32>,
        %get3A_96 = vector.shape_cast %get3A_95 : vector<1x16xf32> to vector<16xf32>
        %add3A_97 = arith.addf %scan3A_79, %get3A_96 : vector<16xf32>
        %get3A_98 = arith.index_cast %add3A_83 : i32 to index
        %get3A_99 = arith.constant 48 : index
        %get3A_100 = tpu.vector_load %arg6[%get3A_98, %get3A_99] {strides = array<i32>} : memref<640x64xf32, #tpu.memory_space<vmem>>, vector<1x16xf32>,
        %get3A_101 = vector.shape_cast %get3A_100 : vector<1x16xf32> to vector<16xf32>
        %add3A_102 = arith.addf %scan3A_80, %get3A_101 : vector<16xf32>
        scf.yield %add3A_87, %add3A_92, %add3A_97, %add3A_102 : vector<16xf32>, vector<16xf32>, vector<16xf32>, vector<16xf32>
      }
      %scan3A_56 = arith.constant 20 : i32
      %swap3A = arith.index_cast %scan3A_49 : i32 to index
      %swap3A_57 = arith.constant 0 : index
      %swap3A_58 = tpu.vector_load %arg8[%swap3A, %swap3A_57] {strides = array<i32>} : memref<32x64xf32, #tpu.memory_space<vmem>>, vector<1x16xf32>,
      %swap3A_59 = vector.shape_cast %swap3A_58 : vector<1x16xf32> to vector<16xf32>
      %swap3A_60 = vector.shape_cast %scan3A_55#0 : vector<16xf32> to vector<1x16xf32>
      tpu.vector_store %arg8[%swap3A, %swap3A_57], %swap3A_60 {strides = array<i32>} : memref<32x64xf32, #tpu.memory_space<vmem>>, vector<1x16xf32>,
      %swap3A_61 = arith.index_cast %scan3A_49 : i32 to index
      %swap3A_62 = arith.constant 16 : index
      %swap3A_63 = tpu.vector_load %arg8[%swap3A_61, %swap3A_62] {strides = array<i32>} : memref<32x64xf32, #tpu.memory_space<vmem>>, vector<1x16xf32>,
      %swap3A_64 = vector.shape_cast %swap3A_63 : vector<1x16xf32> to vector<16xf32>
      %swap3A_65 = vector.shape_cast %scan3A_55#1 : vector<16xf32> to vector<1x16xf32>
      tpu.vector_store %arg8[%swap3A_61, %swap3A_62], %swap3A_65 {strides = array<i32>} : memref<32x64xf32, #tpu.memory_space<vmem>>, vector<1x16xf32>,
      %swap3A_66 = arith.index_cast %scan3A_49 : i32 to index
      %swap3A_67 = arith.constant 32 : index
      %swap3A_68 = tpu.vector_load %arg8[%swap3A_66, %swap3A_67] {strides = array<i32>} : memref<32x64xf32, #tpu.memory_space<vmem>>, vector<1x16xf32>,
      %swap3A_69 = vector.shape_cast %swap3A_68 : vector<1x16xf32> to vector<16xf32>
      %swap3A_70 = vector.shape_cast %scan3A_55#2 : vector<16xf32> to vector<1x16xf32>
      tpu.vector_store %arg8[%swap3A_66, %swap3A_67], %swap3A_70 {strides = array<i32>} : memref<32x64xf32, #tpu.memory_space<vmem>>, vector<1x16xf32>,
      %swap3A_71 = arith.index_cast %scan3A_49 : i32 to index
      %swap3A_72 = arith.constant 48 : index
      %swap3A_73 = tpu.vector_load %arg8[%swap3A_71, %swap3A_72] {strides = array<i32>} : memref<32x64xf32, #tpu.memory_space<vmem>>, vector<1x16xf32>,
      %swap3A_74 = vector.shape_cast %swap3A_73 : vector<1x16xf32> to vector<16xf32>
      %swap3A_75 = vector.shape_cast %scan3A_55#3 : vector<16xf32> to vector<1x16xf32>
      tpu.vector_store %arg8[%swap3A_71, %swap3A_72], %swap3A_75 {strides = array<i32>} : memref<32x64xf32, #tpu.memory_space<vmem>>, vector<1x16xf32>,
    }
    %scan3A_32 = arith.constant 32 : i32
    %add3A_33 = arith.constant 448 : i32
    %add3A_34 = arith.addi %mul3A_2, %add3A_33 : i32
    "tpu.region"() ({
      %run_scoped3A = tpu.sem_alloc : memref<!tpu.dma_semaphore, #tpu.memory_space<semaphore_mem>>
      %dma_start3A = arith.constant 0 : i32
      %dma_start3A_49 = tpu.memref_slice %arg4[%add3A_34, %dma_start3A] : memref<16384x64xf32, #tpu.memory_space<hbm>> -> memref<32x64xf32, #tpu.memory_space<hbm>>
      %dma_start3A_50 = arith.constant 0 : i32
      %dma_start3A_51 = tpu.memref_slice %arg4[%add3A_34, %dma_start3A_50] : memref<16384x64xf32, #tpu.memory_space<hbm>> -> memref<32x64xf32, #tpu.memory_space<hbm>>
      tpu.enqueue_dma source(%arg8 : memref<32x64xf32, #tpu.memory_space<vmem>>) target(%dma_start3A_51 : memref<32x64xf32, #tpu.memory_space<hbm>>) target_semaphore(%run_scoped3A : memref<!tpu.dma_semaphore, #tpu.memory_space<semaphore_mem>>)
      %dma_wait3A_52 = arith.constant 0 : i32
      %dma_wait3A_53 = tpu.memref_slice %arg4[%add3A_34, %dma_wait3A_52] : memref<16384x64xf32, #tpu.memory_space<hbm>> -> memref<32x64xf32, #tpu.memory_space<hbm>>
      %dma_wait3A_54 = arith.constant 0 : i32
      %dma_wait3A_55 = tpu.memref_slice %arg4[%add3A_34, %dma_wait3A_54] : memref<16384x64xf32, #tpu.memory_space<hbm>> -> memref<32x64xf32, #tpu.memory_space<hbm>>
      tpu.wait_dma2 semaphore(%run_scoped3A : memref<!tpu.dma_semaphore, #tpu.memory_space<semaphore_mem>>) src(%arg8 : memref<32x64xf32, #tpu.memory_space<vmem>>) dst(%dma_wait3A_55 : memref<32x64xf32, #tpu.memory_space<hbm>>)
      tpu.yield
    }) : () -> ()
    %dma_wait3A_35 = arith.constant 0 : i32
    %dma_wait3A_36 = arith.constant 0 : i32
    %dma_wait3A_37 = tpu.memref_slice %arg3[%dma_wait3A_35, %dma_wait3A_36] : memref<1000000x64xf32, #tpu.memory_space<hbm>> -> memref<640x64xf32, #tpu.memory_space<hbm>>
    %dma_wait3A_38 = arith.constant 0 : i32
    %dma_wait3A_39 = arith.constant 0 : i32
    %dma_wait3A_40 = tpu.memref_slice %arg3[%dma_wait3A_38, %dma_wait3A_39] : memref<1000000x64xf32, #tpu.memory_space<hbm>> -> memref<640x64xf32, #tpu.memory_space<hbm>>
    tpu.wait_dma2 semaphore(%arg10 : memref<!tpu.dma_semaphore, #tpu.memory_space<semaphore_mem>>) src(%dma_wait3A_40 : memref<640x64xf32, #tpu.memory_space<hbm>>) dst(%arg7 : memref<640x64xf32, #tpu.memory_space<vmem>>)
    %scan3A_41 = arith.constant 0 : i32
    %scan3A_42 = arith.constant 0 : i32
    %scan3A_43 = arith.constant 32 : i32
    %scan3A_44 = arith.addi %scan3A_42, %scan3A_43 : i32
    %scan3A_45 = arith.constant 1 : i32
    scf.for %scan3A_49 = %scan3A_42 to %scan3A_44 step %scan3A_45  : i32 {
      %broadcast_in_dim3A = arith.constant 0.000000e+00 : f32
      %broadcast_in_dim3A_50 = vector.broadcast %broadcast_in_dim3A : f32 to vector<16xf32>
      %scan3A_51 = arith.constant 0 : i32
      %scan3A_52 = arith.constant 20 : i32
      %scan3A_53 = arith.addi %scan3A_51, %scan3A_52 : i32
      %scan3A_54 = arith.constant 1 : i32
      %scan3A_55:4 = scf.for %scan3A_76 = %scan3A_51 to %scan3A_53 step %scan3A_54 iter_args(%scan3A_77 = %broadcast_in_dim3A_50, %scan3A_78 = %broadcast_in_dim3A_50, %scan3A_79 = %broadcast_in_dim3A_50, %scan3A_80 = %broadcast_in_dim3A_50) -> (vector<16xf32>, vector<16xf32>, vector<16xf32>, vector<16xf32>)  : i32 {
        %mul3A_81 = arith.constant 32 : i32
        %mul3A_82 = arith.muli %scan3A_76, %mul3A_81 : i32
        %add3A_83 = arith.addi %mul3A_82, %scan3A_49 : i32
        %get3A = arith.index_cast %add3A_83 : i32 to index
        %get3A_84 = arith.constant 0 : index
        %get3A_85 = tpu.vector_load %arg7[%get3A, %get3A_84] {strides = array<i32>} : memref<640x64xf32, #tpu.memory_space<vmem>>, vector<1x16xf32>,
        %get3A_86 = vector.shape_cast %get3A_85 : vector<1x16xf32> to vector<16xf32>
        %add3A_87 = arith.addf %scan3A_77, %get3A_86 : vector<16xf32>
        %get3A_88 = arith.index_cast %add3A_83 : i32 to index
        %get3A_89 = arith.constant 16 : index
        %get3A_90 = tpu.vector_load %arg7[%get3A_88, %get3A_89] {strides = array<i32>} : memref<640x64xf32, #tpu.memory_space<vmem>>, vector<1x16xf32>,
        %get3A_91 = vector.shape_cast %get3A_90 : vector<1x16xf32> to vector<16xf32>
        %add3A_92 = arith.addf %scan3A_78, %get3A_91 : vector<16xf32>
        %get3A_93 = arith.index_cast %add3A_83 : i32 to index
        %get3A_94 = arith.constant 32 : index
        %get3A_95 = tpu.vector_load %arg7[%get3A_93, %get3A_94] {strides = array<i32>} : memref<640x64xf32, #tpu.memory_space<vmem>>, vector<1x16xf32>,
        %get3A_96 = vector.shape_cast %get3A_95 : vector<1x16xf32> to vector<16xf32>
        %add3A_97 = arith.addf %scan3A_79, %get3A_96 : vector<16xf32>
        %get3A_98 = arith.index_cast %add3A_83 : i32 to index
        %get3A_99 = arith.constant 48 : index
        %get3A_100 = tpu.vector_load %arg7[%get3A_98, %get3A_99] {strides = array<i32>} : memref<640x64xf32, #tpu.memory_space<vmem>>, vector<1x16xf32>,
        %get3A_101 = vector.shape_cast %get3A_100 : vector<1x16xf32> to vector<16xf32>
        %add3A_102 = arith.addf %scan3A_80, %get3A_101 : vector<16xf32>
        scf.yield %add3A_87, %add3A_92, %add3A_97, %add3A_102 : vector<16xf32>, vector<16xf32>, vector<16xf32>, vector<16xf32>
      }
      %scan3A_56 = arith.constant 20 : i32
      %swap3A = arith.index_cast %scan3A_49 : i32 to index
      %swap3A_57 = arith.constant 0 : index
      %swap3A_58 = tpu.vector_load %arg8[%swap3A, %swap3A_57] {strides = array<i32>} : memref<32x64xf32, #tpu.memory_space<vmem>>, vector<1x16xf32>,
      %swap3A_59 = vector.shape_cast %swap3A_58 : vector<1x16xf32> to vector<16xf32>
      %swap3A_60 = vector.shape_cast %scan3A_55#0 : vector<16xf32> to vector<1x16xf32>
      tpu.vector_store %arg8[%swap3A, %swap3A_57], %swap3A_60 {strides = array<i32>} : memref<32x64xf32, #tpu.memory_space<vmem>>, vector<1x16xf32>,
      %swap3A_61 = arith.index_cast %scan3A_49 : i32 to index
      %swap3A_62 = arith.constant 16 : index
      %swap3A_63 = tpu.vector_load %arg8[%swap3A_61, %swap3A_62] {strides = array<i32>} : memref<32x64xf32, #tpu.memory_space<vmem>>, vector<1x16xf32>,
      %swap3A_64 = vector.shape_cast %swap3A_63 : vector<1x16xf32> to vector<16xf32>
      %swap3A_65 = vector.shape_cast %scan3A_55#1 : vector<16xf32> to vector<1x16xf32>
      tpu.vector_store %arg8[%swap3A_61, %swap3A_62], %swap3A_65 {strides = array<i32>} : memref<32x64xf32, #tpu.memory_space<vmem>>, vector<1x16xf32>,
      %swap3A_66 = arith.index_cast %scan3A_49 : i32 to index
      %swap3A_67 = arith.constant 32 : index
      %swap3A_68 = tpu.vector_load %arg8[%swap3A_66, %swap3A_67] {strides = array<i32>} : memref<32x64xf32, #tpu.memory_space<vmem>>, vector<1x16xf32>,
      %swap3A_69 = vector.shape_cast %swap3A_68 : vector<1x16xf32> to vector<16xf32>
      %swap3A_70 = vector.shape_cast %scan3A_55#2 : vector<16xf32> to vector<1x16xf32>
      tpu.vector_store %arg8[%swap3A_66, %swap3A_67], %swap3A_70 {strides = array<i32>} : memref<32x64xf32, #tpu.memory_space<vmem>>, vector<1x16xf32>,
      %swap3A_71 = arith.index_cast %scan3A_49 : i32 to index
      %swap3A_72 = arith.constant 48 : index
      %swap3A_73 = tpu.vector_load %arg8[%swap3A_71, %swap3A_72] {strides = array<i32>} : memref<32x64xf32, #tpu.memory_space<vmem>>, vector<1x16xf32>,
      %swap3A_74 = vector.shape_cast %swap3A_73 : vector<1x16xf32> to vector<16xf32>
      %swap3A_75 = vector.shape_cast %scan3A_55#3 : vector<16xf32> to vector<1x16xf32>
      tpu.vector_store %arg8[%swap3A_71, %swap3A_72], %swap3A_75 {strides = array<i32>} : memref<32x64xf32, #tpu.memory_space<vmem>>, vector<1x16xf32>,
    }
    %scan3A_46 = arith.constant 32 : i32
    %add3A_47 = arith.constant 480 : i32
    %add3A_48 = arith.addi %mul3A_2, %add3A_47 : i32
    "tpu.region"() ({
      %run_scoped3A = tpu.sem_alloc : memref<!tpu.dma_semaphore, #tpu.memory_space<semaphore_mem>>
      %dma_start3A = arith.constant 0 : i32
      %dma_start3A_49 = tpu.memref_slice %arg4[%add3A_48, %dma_start3A] : memref<16384x64xf32, #tpu.memory_space<hbm>> -> memref<32x64xf32, #tpu.memory_space<hbm>>
      %dma_start3A_50 = arith.constant 0 : i32
      %dma_start3A_51 = tpu.memref_slice %arg4[%add3A_48, %dma_start3A_50] : memref<16384x64xf32, #tpu.memory_space<hbm>> -> memref<32x64xf32, #tpu.memory_space<hbm>>
      tpu.enqueue_dma source(%arg8 : memref<32x64xf32, #tpu.memory_space<vmem>>) target(%dma_start3A_51 : memref<32x64xf32, #tpu.memory_space<hbm>>) target_semaphore(%run_scoped3A : memref<!tpu.dma_semaphore, #tpu.memory_space<semaphore_mem>>)
      %dma_wait3A_52 = arith.constant 0 : i32
      %dma_wait3A_53 = tpu.memref_slice %arg4[%add3A_48, %dma_wait3A_52] : memref<16384x64xf32, #tpu.memory_space<hbm>> -> memref<32x64xf32, #tpu.memory_space<hbm>>
      %dma_wait3A_54 = arith.constant 0 : i32
      %dma_wait3A_55 = tpu.memref_slice %arg4[%add3A_48, %dma_wait3A_54] : memref<16384x64xf32, #tpu.memory_space<hbm>> -> memref<32x64xf32, #tpu.memory_space<hbm>>
      tpu.wait_dma2 semaphore(%run_scoped3A : memref<!tpu.dma_semaphore, #tpu.memory_space<semaphore_mem>>) src(%arg8 : memref<32x64xf32, #tpu.memory_space<vmem>>) dst(%dma_wait3A_55 : memref<32x64xf32, #tpu.memory_space<hbm>>)
      tpu.yield
    }) : () -> ()
    return
  }
}

#map = affine_map<(d0, d1) -> (0)>
#map1 = affine_map<(d0, d1) -> (0, 0)>
module attributes {stable_mosaic.version = 14 : i64} {
  func.func @k(%arg0: i32, %arg1: i32, %arg2: memref<16384xi32, #tpu.memory_space<hbm>>, %arg3: memref<16384xi32, #tpu.memory_space<hbm>>, %arg4: memref<1000000x64xf32, #tpu.memory_space<hbm>>, %arg5: memref<1000000x64xf32, #tpu.memory_space<hbm>>, %arg6: memref<16384x64xf32, #tpu.memory_space<hbm>>, %arg7: memref<2048x128xf32, #tpu.memory_space<hbm>>, %arg8: memref<2048x128xf32, #tpu.memory_space<hbm>>, %arg9: memref<512xi32, #tpu.memory_space<vmem>>, %arg10: memref<512xi32, #tpu.memory_space<vmem>>, %arg11: memref<32x64xf32, #tpu.memory_space<vmem>>, %arg12: memref<32x64xf32, #tpu.memory_space<vmem>>, %arg13: memref<32x64xf32, #tpu.memory_space<vmem>>, %arg14: memref<32x64xf32, #tpu.memory_space<vmem>>, %arg15: memref<32x64xf32, #tpu.memory_space<vmem>>, %arg16: memref<32x64xf32, #tpu.memory_space<vmem>>, %arg17: memref<4x128xf32, #tpu.memory_space<vmem>>, %arg18: memref<4x128xf32, #tpu.memory_space<vmem>>, %arg19: memref<!tpu.dma_semaphore, #tpu.memory_space<semaphore_mem>>, %arg20: memref<!tpu.dma_semaphore, #tpu.memory_space<semaphore_mem>>) attributes {dimension_semantics = [#tpu.dimension_semantics<core_parallel>, #tpu.dimension_semantics<subcore_parallel>], iteration_bounds = array<i64: 2, 16>, scalar_prefetch = 0 : i64, scratch_operands = 12 : i64, tpu.core_type = #tpu.core_type<sc_vector_subcore>, window_params = [{transform_indices = #map}, {transform_indices = #map}, {transform_indices = #map1}, {transform_indices = #map1}, {transform_indices = #map1}, {transform_indices = #map1}, {transform_indices = #map1}]} {
    %mul3A = arith.constant 2 : i32
    %mul3A_0 = arith.muli %arg1, %mul3A : i32
    %add3A = arith.addi %mul3A_0, %arg0 : i32
    %mul3A_1 = arith.constant 512 : i32
    %mul3A_2 = arith.muli %add3A, %mul3A_1 : i32
    "tpu.region"() ({
      %run_scoped3A = tpu.sem_alloc : memref<!tpu.dma_semaphore, #tpu.memory_space<semaphore_mem>>
      %dma_start3A_94 = tpu.memref_slice %arg2[%mul3A_2] : memref<16384xi32, #tpu.memory_space<hbm>> -> memref<512xi32, #tpu.memory_space<hbm>>
      %dma_start3A_95 = tpu.memref_slice %arg2[%mul3A_2] : memref<16384xi32, #tpu.memory_space<hbm>> -> memref<512xi32, #tpu.memory_space<hbm>>
      tpu.enqueue_dma source(%dma_start3A_95 : memref<512xi32, #tpu.memory_space<hbm>>) target(%arg9 : memref<512xi32, #tpu.memory_space<vmem>>) target_semaphore(%run_scoped3A : memref<!tpu.dma_semaphore, #tpu.memory_space<semaphore_mem>>)
      %dma_wait3A_96 = tpu.memref_slice %arg2[%mul3A_2] : memref<16384xi32, #tpu.memory_space<hbm>> -> memref<512xi32, #tpu.memory_space<hbm>>
      %dma_wait3A_97 = tpu.memref_slice %arg2[%mul3A_2] : memref<16384xi32, #tpu.memory_space<hbm>> -> memref<512xi32, #tpu.memory_space<hbm>>
      tpu.wait_dma2 semaphore(%run_scoped3A : memref<!tpu.dma_semaphore, #tpu.memory_space<semaphore_mem>>) src(%dma_wait3A_97 : memref<512xi32, #tpu.memory_space<hbm>>) dst(%arg9 : memref<512xi32, #tpu.memory_space<vmem>>)
      tpu.yield
    }) : () -> ()
    "tpu.region"() ({
      %run_scoped3A = tpu.sem_alloc : memref<!tpu.dma_semaphore, #tpu.memory_space<semaphore_mem>>
      %dma_start3A_94 = tpu.memref_slice %arg3[%mul3A_2] : memref<16384xi32, #tpu.memory_space<hbm>> -> memref<512xi32, #tpu.memory_space<hbm>>
      %dma_start3A_95 = tpu.memref_slice %arg3[%mul3A_2] : memref<16384xi32, #tpu.memory_space<hbm>> -> memref<512xi32, #tpu.memory_space<hbm>>
      tpu.enqueue_dma source(%dma_start3A_95 : memref<512xi32, #tpu.memory_space<hbm>>) target(%arg10 : memref<512xi32, #tpu.memory_space<vmem>>) target_semaphore(%run_scoped3A : memref<!tpu.dma_semaphore, #tpu.memory_space<semaphore_mem>>)
      %dma_wait3A_96 = tpu.memref_slice %arg3[%mul3A_2] : memref<16384xi32, #tpu.memory_space<hbm>> -> memref<512xi32, #tpu.memory_space<hbm>>
      %dma_wait3A_97 = tpu.memref_slice %arg3[%mul3A_2] : memref<16384xi32, #tpu.memory_space<hbm>> -> memref<512xi32, #tpu.memory_space<hbm>>
      tpu.wait_dma2 semaphore(%run_scoped3A : memref<!tpu.dma_semaphore, #tpu.memory_space<semaphore_mem>>) src(%dma_wait3A_97 : memref<512xi32, #tpu.memory_space<hbm>>) dst(%arg10 : memref<512xi32, #tpu.memory_space<vmem>>)
      tpu.yield
    }) : () -> ()
    %dma_start3A = arith.constant 0 : i32
    %dma_start3A_3 = tpu.memref_slice %arg9[%dma_start3A] : memref<512xi32, #tpu.memory_space<vmem>> -> memref<32xi32, #tpu.memory_space<vmem>>
    %dma_start3A_4 = arith.constant 0 : i32
    %dma_start3A_5 = arith.constant 0 : i32
    %dma_start3A_6 = tpu.memref_slice %arg4[%dma_start3A_4, %dma_start3A_5] : memref<1000000x64xf32, #tpu.memory_space<hbm>> -> memref<1000000x64xf32, #tpu.memory_space<hbm>>
    tpu.enqueue_indirect_dma source(%dma_start3A_6 : memref<1000000x64xf32, #tpu.memory_space<hbm>>) target(%arg11 : memref<32x64xf32, #tpu.memory_space<vmem>>) offsets(%dma_start3A_3 : memref<32xi32, #tpu.memory_space<vmem>>) semaphore(%arg19 : memref<!tpu.dma_semaphore, #tpu.memory_space<semaphore_mem>>)
    %dma_start3A_7 = arith.constant 0 : i32
    %dma_start3A_8 = tpu.memref_slice %arg10[%dma_start3A_7] : memref<512xi32, #tpu.memory_space<vmem>> -> memref<32xi32, #tpu.memory_space<vmem>>
    %dma_start3A_9 = arith.constant 0 : i32
    %dma_start3A_10 = arith.constant 0 : i32
    %dma_start3A_11 = tpu.memref_slice %arg5[%dma_start3A_9, %dma_start3A_10] : memref<1000000x64xf32, #tpu.memory_space<hbm>> -> memref<1000000x64xf32, #tpu.memory_space<hbm>>
    tpu.enqueue_indirect_dma source(%dma_start3A_11 : memref<1000000x64xf32, #tpu.memory_space<hbm>>) target(%arg13 : memref<32x64xf32, #tpu.memory_space<vmem>>) offsets(%dma_start3A_8 : memref<32xi32, #tpu.memory_space<vmem>>) semaphore(%arg19 : memref<!tpu.dma_semaphore, #tpu.memory_space<semaphore_mem>>)
    %add3A_12 = arith.constant 0 : i32
    %add3A_13 = arith.addi %mul3A_2, %add3A_12 : i32
    %dma_start3A_14 = arith.constant 0 : i32
    %dma_start3A_15 = tpu.memref_slice %arg6[%add3A_13, %dma_start3A_14] : memref<16384x64xf32, #tpu.memory_space<hbm>> -> memref<32x64xf32, #tpu.memory_space<hbm>>
    %dma_start3A_16 = arith.constant 0 : i32
    %dma_start3A_17 = tpu.memref_slice %arg6[%add3A_13, %dma_start3A_16] : memref<16384x64xf32, #tpu.memory_space<hbm>> -> memref<32x64xf32, #tpu.memory_space<hbm>>
    tpu.enqueue_dma source(%dma_start3A_17 : memref<32x64xf32, #tpu.memory_space<hbm>>) target(%arg15 : memref<32x64xf32, #tpu.memory_space<vmem>>) target_semaphore(%arg19 : memref<!tpu.dma_semaphore, #tpu.memory_space<semaphore_mem>>)
    %dma_start3A_18 = arith.constant 32 : i32
    %dma_start3A_19 = tpu.memref_slice %arg9[%dma_start3A_18] : memref<512xi32, #tpu.memory_space<vmem>> -> memref<32xi32, #tpu.memory_space<vmem>>
    %dma_start3A_20 = arith.constant 0 : i32
    %dma_start3A_21 = arith.constant 0 : i32
    %dma_start3A_22 = tpu.memref_slice %arg4[%dma_start3A_20, %dma_start3A_21] : memref<1000000x64xf32, #tpu.memory_space<hbm>> -> memref<1000000x64xf32, #tpu.memory_space<hbm>>
    tpu.enqueue_indirect_dma source(%dma_start3A_22 : memref<1000000x64xf32, #tpu.memory_space<hbm>>) target(%arg12 : memref<32x64xf32, #tpu.memory_space<vmem>>) offsets(%dma_start3A_19 : memref<32xi32, #tpu.memory_space<vmem>>) semaphore(%arg20 : memref<!tpu.dma_semaphore, #tpu.memory_space<semaphore_mem>>)
    %dma_start3A_23 = arith.constant 32 : i32
    %dma_start3A_24 = tpu.memref_slice %arg10[%dma_start3A_23] : memref<512xi32, #tpu.memory_space<vmem>> -> memref<32xi32, #tpu.memory_space<vmem>>
    %dma_start3A_25 = arith.constant 0 : i32
    %dma_start3A_26 = arith.constant 0 : i32
    %dma_start3A_27 = tpu.memref_slice %arg5[%dma_start3A_25, %dma_start3A_26] : memref<1000000x64xf32, #tpu.memory_space<hbm>> -> memref<1000000x64xf32, #tpu.memory_space<hbm>>
    tpu.enqueue_indirect_dma source(%dma_start3A_27 : memref<1000000x64xf32, #tpu.memory_space<hbm>>) target(%arg14 : memref<32x64xf32, #tpu.memory_space<vmem>>) offsets(%dma_start3A_24 : memref<32xi32, #tpu.memory_space<vmem>>) semaphore(%arg20 : memref<!tpu.dma_semaphore, #tpu.memory_space<semaphore_mem>>)
    %add3A_28 = arith.constant 32 : i32
    %add3A_29 = arith.addi %mul3A_2, %add3A_28 : i32
    %dma_start3A_30 = arith.constant 0 : i32
    %dma_start3A_31 = tpu.memref_slice %arg6[%add3A_29, %dma_start3A_30] : memref<16384x64xf32, #tpu.memory_space<hbm>> -> memref<32x64xf32, #tpu.memory_space<hbm>>
    %dma_start3A_32 = arith.constant 0 : i32
    %dma_start3A_33 = tpu.memref_slice %arg6[%add3A_29, %dma_start3A_32] : memref<16384x64xf32, #tpu.memory_space<hbm>> -> memref<32x64xf32, #tpu.memory_space<hbm>>
    tpu.enqueue_dma source(%dma_start3A_33 : memref<32x64xf32, #tpu.memory_space<hbm>>) target(%arg16 : memref<32x64xf32, #tpu.memory_space<vmem>>) target_semaphore(%arg20 : memref<!tpu.dma_semaphore, #tpu.memory_space<semaphore_mem>>)
    %scan3A = arith.constant 0 : i32
    %scan3A_34 = arith.constant 0 : i32
    %scan3A_35 = arith.constant 7 : i32
    %scan3A_36 = arith.addi %scan3A_34, %scan3A_35 : i32
    %scan3A_37 = arith.constant 1 : i32
    scf.for %scan3A_94 = %scan3A_34 to %scan3A_36 step %scan3A_37  : i32 {
      %mul3A_95 = arith.constant 2 : i32
      %mul3A_96 = arith.muli %mul3A_95, %scan3A_94 : i32
      %dma_wait3A_97 = arith.constant 0 : i32
      %dma_wait3A_98 = arith.constant 0 : i32
      %dma_wait3A_99 = tpu.memref_slice %arg4[%dma_wait3A_97, %dma_wait3A_98] : memref<1000000x64xf32, #tpu.memory_space<hbm>> -> memref<32x64xf32, #tpu.memory_space<hbm>>
      %dma_wait3A_100 = arith.constant 0 : i32
      %dma_wait3A_101 = arith.constant 0 : i32
      %dma_wait3A_102 = tpu.memref_slice %arg4[%dma_wait3A_100, %dma_wait3A_101] : memref<1000000x64xf32, #tpu.memory_space<hbm>> -> memref<32x64xf32, #tpu.memory_space<hbm>>
      tpu.wait_dma2 semaphore(%arg19 : memref<!tpu.dma_semaphore, #tpu.memory_space<semaphore_mem>>) src(%dma_wait3A_102 : memref<32x64xf32, #tpu.memory_space<hbm>>) dst(%arg11 : memref<32x64xf32, #tpu.memory_space<vmem>>)
      %dma_wait3A_103 = arith.constant 0 : i32
      %dma_wait3A_104 = arith.constant 0 : i32
      %dma_wait3A_105 = tpu.memref_slice %arg5[%dma_wait3A_103, %dma_wait3A_104] : memref<1000000x64xf32, #tpu.memory_space<hbm>> -> memref<32x64xf32, #tpu.memory_space<hbm>>
      %dma_wait3A_106 = arith.constant 0 : i32
      %dma_wait3A_107 = arith.constant 0 : i32
      %dma_wait3A_108 = tpu.memref_slice %arg5[%dma_wait3A_106, %dma_wait3A_107] : memref<1000000x64xf32, #tpu.memory_space<hbm>> -> memref<32x64xf32, #tpu.memory_space<hbm>>
      tpu.wait_dma2 semaphore(%arg19 : memref<!tpu.dma_semaphore, #tpu.memory_space<semaphore_mem>>) src(%dma_wait3A_108 : memref<32x64xf32, #tpu.memory_space<hbm>>) dst(%arg13 : memref<32x64xf32, #tpu.memory_space<vmem>>)
      %dma_wait3A_109 = arith.constant 0 : i32
      %dma_wait3A_110 = arith.constant 0 : i32
      %dma_wait3A_111 = tpu.memref_slice %arg6[%dma_wait3A_109, %dma_wait3A_110] : memref<16384x64xf32, #tpu.memory_space<hbm>> -> memref<32x64xf32, #tpu.memory_space<hbm>>
      %dma_wait3A_112 = arith.constant 0 : i32
      %dma_wait3A_113 = arith.constant 0 : i32
      %dma_wait3A_114 = tpu.memref_slice %arg6[%dma_wait3A_112, %dma_wait3A_113] : memref<16384x64xf32, #tpu.memory_space<hbm>> -> memref<32x64xf32, #tpu.memory_space<hbm>>
      tpu.wait_dma2 semaphore(%arg19 : memref<!tpu.dma_semaphore, #tpu.memory_space<semaphore_mem>>) src(%dma_wait3A_114 : memref<32x64xf32, #tpu.memory_space<hbm>>) dst(%arg15 : memref<32x64xf32, #tpu.memory_space<vmem>>)
      %scan3A_115 = arith.constant 0 : i32
      %scan3A_116 = arith.constant 0 : i32
      %scan3A_117 = arith.constant 32 : i32
      %scan3A_118 = arith.addi %scan3A_116, %scan3A_117 : i32
      %scan3A_119 = arith.constant 1 : i32
      scf.for %scan3A_199 = %scan3A_116 to %scan3A_118 step %scan3A_119  : i32 {
        %get3A = arith.index_cast %scan3A_199 : i32 to index
        %get3A_200 = arith.constant 0 : index
        %get3A_201 = tpu.vector_load %arg11[%get3A, %get3A_200] {strides = array<i32>} : memref<32x64xf32, #tpu.memory_space<vmem>>, vector<1x16xf32>,
        %get3A_202 = vector.shape_cast %get3A_201 : vector<1x16xf32> to vector<16xf32>
        %get3A_203 = arith.index_cast %scan3A_199 : i32 to index
        %get3A_204 = arith.constant 16 : index
        %get3A_205 = tpu.vector_load %arg11[%get3A_203, %get3A_204] {strides = array<i32>} : memref<32x64xf32, #tpu.memory_space<vmem>>, vector<1x16xf32>,
        %get3A_206 = vector.shape_cast %get3A_205 : vector<1x16xf32> to vector<16xf32>
        %get3A_207 = arith.index_cast %scan3A_199 : i32 to index
        %get3A_208 = arith.constant 32 : index
        %get3A_209 = tpu.vector_load %arg11[%get3A_207, %get3A_208] {strides = array<i32>} : memref<32x64xf32, #tpu.memory_space<vmem>>, vector<1x16xf32>,
        %get3A_210 = vector.shape_cast %get3A_209 : vector<1x16xf32> to vector<16xf32>
        %get3A_211 = arith.index_cast %scan3A_199 : i32 to index
        %get3A_212 = arith.constant 48 : index
        %get3A_213 = tpu.vector_load %arg11[%get3A_211, %get3A_212] {strides = array<i32>} : memref<32x64xf32, #tpu.memory_space<vmem>>, vector<1x16xf32>,
        %get3A_214 = vector.shape_cast %get3A_213 : vector<1x16xf32> to vector<16xf32>
        %get3A_215 = arith.index_cast %scan3A_199 : i32 to index
        %get3A_216 = arith.constant 0 : index
        %get3A_217 = tpu.vector_load %arg13[%get3A_215, %get3A_216] {strides = array<i32>} : memref<32x64xf32, #tpu.memory_space<vmem>>, vector<1x16xf32>,
        %get3A_218 = vector.shape_cast %get3A_217 : vector<1x16xf32> to vector<16xf32>
        %mul3A_219 = arith.mulf %get3A_202, %get3A_218 : vector<16xf32>
        %get3A_220 = arith.index_cast %scan3A_199 : i32 to index
        %get3A_221 = arith.constant 16 : index
        %get3A_222 = tpu.vector_load %arg13[%get3A_220, %get3A_221] {strides = array<i32>} : memref<32x64xf32, #tpu.memory_space<vmem>>, vector<1x16xf32>,
        %get3A_223 = vector.shape_cast %get3A_222 : vector<1x16xf32> to vector<16xf32>
        %mul3A_224 = arith.mulf %get3A_206, %get3A_223 : vector<16xf32>
        %add3A_225 = arith.addf %mul3A_219, %mul3A_224 : vector<16xf32>
        %get3A_226 = arith.index_cast %scan3A_199 : i32 to index
        %get3A_227 = arith.constant 32 : index
        %get3A_228 = tpu.vector_load %arg13[%get3A_226, %get3A_227] {strides = array<i32>} : memref<32x64xf32, #tpu.memory_space<vmem>>, vector<1x16xf32>,
        %get3A_229 = vector.shape_cast %get3A_228 : vector<1x16xf32> to vector<16xf32>
        %mul3A_230 = arith.mulf %get3A_210, %get3A_229 : vector<16xf32>
        %add3A_231 = arith.addf %add3A_225, %mul3A_230 : vector<16xf32>
        %get3A_232 = arith.index_cast %scan3A_199 : i32 to index
        %get3A_233 = arith.constant 48 : index
        %get3A_234 = tpu.vector_load %arg13[%get3A_232, %get3A_233] {strides = array<i32>} : memref<32x64xf32, #tpu.memory_space<vmem>>, vector<1x16xf32>,
        %get3A_235 = vector.shape_cast %get3A_234 : vector<1x16xf32> to vector<16xf32>
        %mul3A_236 = arith.mulf %get3A_214, %get3A_235 : vector<16xf32>
        %add3A_237 = arith.addf %add3A_231, %mul3A_236 : vector<16xf32>
        %get3A_238 = arith.index_cast %scan3A_199 : i32 to index
        %get3A_239 = arith.constant 0 : index
        %get3A_240 = tpu.vector_load %arg15[%get3A_238, %get3A_239] {strides = array<i32>} : memref<32x64xf32, #tpu.memory_space<vmem>>, vector<1x16xf32>,
        %get3A_241 = vector.shape_cast %get3A_240 : vector<1x16xf32> to vector<16xf32>
        %mul3A_242 = arith.mulf %get3A_202, %get3A_241 : vector<16xf32>
        %get3A_243 = arith.index_cast %scan3A_199 : i32 to index
        %get3A_244 = arith.constant 16 : index
        %get3A_245 = tpu.vector_load %arg15[%get3A_243, %get3A_244] {strides = array<i32>} : memref<32x64xf32, #tpu.memory_space<vmem>>, vector<1x16xf32>,
        %get3A_246 = vector.shape_cast %get3A_245 : vector<1x16xf32> to vector<16xf32>
        %mul3A_247 = arith.mulf %get3A_206, %get3A_246 : vector<16xf32>
        %add3A_248 = arith.addf %mul3A_242, %mul3A_247 : vector<16xf32>
        %get3A_249 = arith.index_cast %scan3A_199 : i32 to index
        %get3A_250 = arith.constant 32 : index
        %get3A_251 = tpu.vector_load %arg15[%get3A_249, %get3A_250] {strides = array<i32>} : memref<32x64xf32, #tpu.memory_space<vmem>>, vector<1x16xf32>,
        %get3A_252 = vector.shape_cast %get3A_251 : vector<1x16xf32> to vector<16xf32>
        %mul3A_253 = arith.mulf %get3A_210, %get3A_252 : vector<16xf32>
        %add3A_254 = arith.addf %add3A_248, %mul3A_253 : vector<16xf32>
        %get3A_255 = arith.index_cast %scan3A_199 : i32 to index
        %get3A_256 = arith.constant 48 : index
        %get3A_257 = tpu.vector_load %arg15[%get3A_255, %get3A_256] {strides = array<i32>} : memref<32x64xf32, #tpu.memory_space<vmem>>, vector<1x16xf32>,
        %get3A_258 = vector.shape_cast %get3A_257 : vector<1x16xf32> to vector<16xf32>
        %mul3A_259 = arith.mulf %get3A_214, %get3A_258 : vector<16xf32>
        %add3A_260 = arith.addf %add3A_254, %mul3A_259 : vector<16xf32>
        %jit3A = arith.constant 8 : i32
        %div3A = arith.divsi %scan3A_199, %jit3A : i32
        %sign3A = arith.constant 0 : i32
        %sign3A_261 = arith.cmpi sgt, %scan3A_199, %sign3A : i32
        %sign3A_262 = arith.extui %sign3A_261 : i1 to i32
        %sign3A_263 = arith.constant 0 : i32
        %sign3A_264 = arith.cmpi slt, %scan3A_199, %sign3A_263 : i32
        %sign3A_265 = arith.extui %sign3A_264 : i1 to i32
        %sign3A_266 = arith.subi %sign3A_262, %sign3A_265 : i32
        %sign3A_267 = arith.constant 0 : i32
        %sign3A_268 = arith.cmpi sgt, %jit3A, %sign3A_267 : i32
        %sign3A_269 = arith.extui %sign3A_268 : i1 to i32
        %sign3A_270 = arith.constant 0 : i32
        %sign3A_271 = arith.cmpi slt, %jit3A, %sign3A_270 : i32
        %sign3A_272 = arith.extui %sign3A_271 : i1 to i32
        %sign3A_273 = arith.subi %sign3A_269, %sign3A_272 : i32
        %ne3A = arith.cmpi ne, %sign3A_266, %sign3A_273 : i32
        %rem3A = arith.remsi %scan3A_199, %jit3A : i32
        %ne3A_274 = arith.constant 0 : i32
        %ne3A_275 = arith.cmpi ne, %rem3A, %ne3A_274 : i32
        %and3A = arith.andi %ne3A, %ne3A_275 : i1
        %sub3A = arith.constant 1 : i32
        %sub3A_276 = arith.subi %div3A, %sub3A : i32
        %select_n3A = arith.select %and3A, %sub3A_276, %div3A : i32
        %jit3A_277 = arith.constant 8 : i32
        %eq3A = arith.constant 0 : i32
        %eq3A_278 = arith.cmpi eq, %jit3A_277, %eq3A : i32
        %jit3A_279 = arith.constant 1 : i32
        %select_n3A_280 = arith.select %eq3A_278, %jit3A_279, %jit3A_277 : i32
        %rem3A_281 = arith.remsi %scan3A_199, %select_n3A_280 : i32
        %ne3A_282 = arith.constant 0 : i32
        %ne3A_283 = arith.cmpi ne, %rem3A_281, %ne3A_282 : i32
        %lt3A = arith.constant 0 : i32
        %lt3A_284 = arith.cmpi slt, %rem3A_281, %lt3A : i32
        %lt3A_285 = arith.constant 0 : i32
        %lt3A_286 = arith.cmpi slt, %select_n3A_280, %lt3A_285 : i32
        %ne3A_287 = arith.xori %lt3A_284, %lt3A_286 : i1
        %and3A_288 = arith.andi %ne3A_287, %ne3A_283 : i1
        %add3A_289 = arith.addi %rem3A_281, %select_n3A_280 : i32
        %select_n3A_290 = arith.select %and3A_288, %add3A_289, %rem3A_281 : i32
        %mul3A_291 = arith.constant 16 : i32
        %mul3A_292 = arith.muli %select_n3A_290, %mul3A_291 : i32
        %swap3A = arith.index_cast %select_n3A : i32 to index
        %swap3A_293 = arith.index_cast %mul3A_292 : i32 to index
        %swap3A_294 = tpu.vector_load %arg17[%swap3A, %swap3A_293] {strides = array<i32>} : memref<4x128xf32, #tpu.memory_space<vmem>>, vector<1x16xf32>,
        %swap3A_295 = vector.shape_cast %swap3A_294 : vector<1x16xf32> to vector<16xf32>
        %swap3A_296 = vector.shape_cast %add3A_237 : vector<16xf32> to vector<1x16xf32>
        tpu.vector_store %arg17[%swap3A, %swap3A_293], %swap3A_296 {strides = array<i32>} : memref<4x128xf32, #tpu.memory_space<vmem>>, vector<1x16xf32>,
        %swap3A_297 = arith.index_cast %select_n3A : i32 to index
        %swap3A_298 = arith.index_cast %mul3A_292 : i32 to index
        %swap3A_299 = tpu.vector_load %arg18[%swap3A_297, %swap3A_298] {strides = array<i32>} : memref<4x128xf32, #tpu.memory_space<vmem>>, vector<1x16xf32>,
        %swap3A_300 = vector.shape_cast %swap3A_299 : vector<1x16xf32> to vector<16xf32>
        %swap3A_301 = vector.shape_cast %add3A_260 : vector<16xf32> to vector<1x16xf32>
        tpu.vector_store %arg18[%swap3A_297, %swap3A_298], %swap3A_301 {strides = array<i32>} : memref<4x128xf32, #tpu.memory_space<vmem>>, vector<1x16xf32>,
      }
      %scan3A_120 = arith.constant 32 : i32
      %mul3A_121 = arith.constant 64 : i32
      %mul3A_122 = arith.muli %add3A, %mul3A_121 : i32
      %mul3A_123 = arith.constant 4 : i32
      %mul3A_124 = arith.muli %mul3A_96, %mul3A_123 : i32
      %add3A_125 = arith.addi %mul3A_122, %mul3A_124 : i32
      "tpu.region"() ({
        %run_scoped3A = tpu.sem_alloc : memref<!tpu.dma_semaphore, #tpu.memory_space<semaphore_mem>>
        %dma_start3A_199 = arith.constant 0 : i32
        %dma_start3A_200 = tpu.memref_slice %arg7[%add3A_125, %dma_start3A_199] : memref<2048x128xf32, #tpu.memory_space<hbm>> -> memref<4x128xf32, #tpu.memory_space<hbm>>
        %dma_start3A_201 = arith.constant 0 : i32
        %dma_start3A_202 = tpu.memref_slice %arg7[%add3A_125, %dma_start3A_201] : memref<2048x128xf32, #tpu.memory_space<hbm>> -> memref<4x128xf32, #tpu.memory_space<hbm>>
        tpu.enqueue_dma source(%arg17 : memref<4x128xf32, #tpu.memory_space<vmem>>) target(%dma_start3A_202 : memref<4x128xf32, #tpu.memory_space<hbm>>) target_semaphore(%run_scoped3A : memref<!tpu.dma_semaphore, #tpu.memory_space<semaphore_mem>>)
        %dma_wait3A_203 = arith.constant 0 : i32
        %dma_wait3A_204 = tpu.memref_slice %arg7[%add3A_125, %dma_wait3A_203] : memref<2048x128xf32, #tpu.memory_space<hbm>> -> memref<4x128xf32, #tpu.memory_space<hbm>>
        %dma_wait3A_205 = arith.constant 0 : i32
        %dma_wait3A_206 = tpu.memref_slice %arg7[%add3A_125, %dma_wait3A_205] : memref<2048x128xf32, #tpu.memory_space<hbm>> -> memref<4x128xf32, #tpu.memory_space<hbm>>
        tpu.wait_dma2 semaphore(%run_scoped3A : memref<!tpu.dma_semaphore, #tpu.memory_space<semaphore_mem>>) src(%arg17 : memref<4x128xf32, #tpu.memory_space<vmem>>) dst(%dma_wait3A_206 : memref<4x128xf32, #tpu.memory_space<hbm>>)
        tpu.yield
      }) : () -> ()
      "tpu.region"() ({
        %run_scoped3A = tpu.sem_alloc : memref<!tpu.dma_semaphore, #tpu.memory_space<semaphore_mem>>
        %dma_start3A_199 = arith.constant 0 : i32
        %dma_start3A_200 = tpu.memref_slice %arg8[%add3A_125, %dma_start3A_199] : memref<2048x128xf32, #tpu.memory_space<hbm>> -> memref<4x128xf32, #tpu.memory_space<hbm>>
        %dma_start3A_201 = arith.constant 0 : i32
        %dma_start3A_202 = tpu.memref_slice %arg8[%add3A_125, %dma_start3A_201] : memref<2048x128xf32, #tpu.memory_space<hbm>> -> memref<4x128xf32, #tpu.memory_space<hbm>>
        tpu.enqueue_dma source(%arg18 : memref<4x128xf32, #tpu.memory_space<vmem>>) target(%dma_start3A_202 : memref<4x128xf32, #tpu.memory_space<hbm>>) target_semaphore(%run_scoped3A : memref<!tpu.dma_semaphore, #tpu.memory_space<semaphore_mem>>)
        %dma_wait3A_203 = arith.constant 0 : i32
        %dma_wait3A_204 = tpu.memref_slice %arg8[%add3A_125, %dma_wait3A_203] : memref<2048x128xf32, #tpu.memory_space<hbm>> -> memref<4x128xf32, #tpu.memory_space<hbm>>
        %dma_wait3A_205 = arith.constant 0 : i32
        %dma_wait3A_206 = tpu.memref_slice %arg8[%add3A_125, %dma_wait3A_205] : memref<2048x128xf32, #tpu.memory_space<hbm>> -> memref<4x128xf32, #tpu.memory_space<hbm>>
        tpu.wait_dma2 semaphore(%run_scoped3A : memref<!tpu.dma_semaphore, #tpu.memory_space<semaphore_mem>>) src(%arg18 : memref<4x128xf32, #tpu.memory_space<vmem>>) dst(%dma_wait3A_206 : memref<4x128xf32, #tpu.memory_space<hbm>>)
        tpu.yield
      }) : () -> ()
      %add3A_126 = arith.constant 2 : i32
      %add3A_127 = arith.addi %mul3A_96, %add3A_126 : i32
      %mul3A_128 = arith.constant 32 : i32
      %mul3A_129 = arith.muli %add3A_127, %mul3A_128 : i32
      %dma_start3A_130 = tpu.memref_slice %arg9[%mul3A_129] : memref<512xi32, #tpu.memory_space<vmem>> -> memref<32xi32, #tpu.memory_space<vmem>>
      %dma_start3A_131 = arith.constant 0 : i32
      %dma_start3A_132 = arith.constant 0 : i32
      %dma_start3A_133 = tpu.memref_slice %arg4[%dma_start3A_131, %dma_start3A_132] : memref<1000000x64xf32, #tpu.memory_space<hbm>> -> memref<1000000x64xf32, #tpu.memory_space<hbm>>
      tpu.enqueue_indirect_dma source(%dma_start3A_133 : memref<1000000x64xf32, #tpu.memory_space<hbm>>) target(%arg11 : memref<32x64xf32, #tpu.memory_space<vmem>>) offsets(%dma_start3A_130 : memref<32xi32, #tpu.memory_space<vmem>>) semaphore(%arg19 : memref<!tpu.dma_semaphore, #tpu.memory_space<semaphore_mem>>)
      %mul3A_134 = arith.constant 32 : i32
      %mul3A_135 = arith.muli %add3A_127, %mul3A_134 : i32
      %dma_start3A_136 = tpu.memref_slice %arg10[%mul3A_135] : memref<512xi32, #tpu.memory_space<vmem>> -> memref<32xi32, #tpu.memory_space<vmem>>
      %dma_start3A_137 = arith.constant 0 : i32
      %dma_start3A_138 = arith.constant 0 : i32
      %dma_start3A_139 = tpu.memref_slice %arg5[%dma_start3A_137, %dma_start3A_138] : memref<1000000x64xf32, #tpu.memory_space<hbm>> -> memref<1000000x64xf32, #tpu.memory_space<hbm>>
      tpu.enqueue_indirect_dma source(%dma_start3A_139 : memref<1000000x64xf32, #tpu.memory_space<hbm>>) target(%arg13 : memref<32x64xf32, #tpu.memory_space<vmem>>) offsets(%dma_start3A_136 : memref<32xi32, #tpu.memory_space<vmem>>) semaphore(%arg19 : memref<!tpu.dma_semaphore, #tpu.memory_space<semaphore_mem>>)
      %mul3A_140 = arith.constant 32 : i32
      %mul3A_141 = arith.muli %add3A_127, %mul3A_140 : i32
      %add3A_142 = arith.addi %mul3A_2, %mul3A_141 : i32
      %dma_start3A_143 = arith.constant 0 : i32
      %dma_start3A_144 = tpu.memref_slice %arg6[%add3A_142, %dma_start3A_143] : memref<16384x64xf32, #tpu.memory_space<hbm>> -> memref<32x64xf32, #tpu.memory_space<hbm>>
      %dma_start3A_145 = arith.constant 0 : i32
      %dma_start3A_146 = tpu.memref_slice %arg6[%add3A_142, %dma_start3A_145] : memref<16384x64xf32, #tpu.memory_space<hbm>> -> memref<32x64xf32, #tpu.memory_space<hbm>>
      tpu.enqueue_dma source(%dma_start3A_146 : memref<32x64xf32, #tpu.memory_space<hbm>>) target(%arg15 : memref<32x64xf32, #tpu.memory_space<vmem>>) target_semaphore(%arg19 : memref<!tpu.dma_semaphore, #tpu.memory_space<semaphore_mem>>)
      %dma_wait3A_147 = arith.constant 0 : i32
      %dma_wait3A_148 = arith.constant 0 : i32
      %dma_wait3A_149 = tpu.memref_slice %arg4[%dma_wait3A_147, %dma_wait3A_148] : memref<1000000x64xf32, #tpu.memory_space<hbm>> -> memref<32x64xf32, #tpu.memory_space<hbm>>
      %dma_wait3A_150 = arith.constant 0 : i32
      %dma_wait3A_151 = arith.constant 0 : i32
      %dma_wait3A_152 = tpu.memref_slice %arg4[%dma_wait3A_150, %dma_wait3A_151] : memref<1000000x64xf32, #tpu.memory_space<hbm>> -> memref<32x64xf32, #tpu.memory_space<hbm>>
      tpu.wait_dma2 semaphore(%arg20 : memref<!tpu.dma_semaphore, #tpu.memory_space<semaphore_mem>>) src(%dma_wait3A_152 : memref<32x64xf32, #tpu.memory_space<hbm>>) dst(%arg12 : memref<32x64xf32, #tpu.memory_space<vmem>>)
      %dma_wait3A_153 = arith.constant 0 : i32
      %dma_wait3A_154 = arith.constant 0 : i32
      %dma_wait3A_155 = tpu.memref_slice %arg5[%dma_wait3A_153, %dma_wait3A_154] : memref<1000000x64xf32, #tpu.memory_space<hbm>> -> memref<32x64xf32, #tpu.memory_space<hbm>>
      %dma_wait3A_156 = arith.constant 0 : i32
      %dma_wait3A_157 = arith.constant 0 : i32
      %dma_wait3A_158 = tpu.memref_slice %arg5[%dma_wait3A_156, %dma_wait3A_157] : memref<1000000x64xf32, #tpu.memory_space<hbm>> -> memref<32x64xf32, #tpu.memory_space<hbm>>
      tpu.wait_dma2 semaphore(%arg20 : memref<!tpu.dma_semaphore, #tpu.memory_space<semaphore_mem>>) src(%dma_wait3A_158 : memref<32x64xf32, #tpu.memory_space<hbm>>) dst(%arg14 : memref<32x64xf32, #tpu.memory_space<vmem>>)
      %dma_wait3A_159 = arith.constant 0 : i32
      %dma_wait3A_160 = arith.constant 0 : i32
      %dma_wait3A_161 = tpu.memref_slice %arg6[%dma_wait3A_159, %dma_wait3A_160] : memref<16384x64xf32, #tpu.memory_space<hbm>> -> memref<32x64xf32, #tpu.memory_space<hbm>>
      %dma_wait3A_162 = arith.constant 0 : i32
      %dma_wait3A_163 = arith.constant 0 : i32
      %dma_wait3A_164 = tpu.memref_slice %arg6[%dma_wait3A_162, %dma_wait3A_163] : memref<16384x64xf32, #tpu.memory_space<hbm>> -> memref<32x64xf32, #tpu.memory_space<hbm>>
      tpu.wait_dma2 semaphore(%arg20 : memref<!tpu.dma_semaphore, #tpu.memory_space<semaphore_mem>>) src(%dma_wait3A_164 : memref<32x64xf32, #tpu.memory_space<hbm>>) dst(%arg16 : memref<32x64xf32, #tpu.memory_space<vmem>>)
      %add3A_165 = arith.constant 1 : i32
      %add3A_166 = arith.addi %mul3A_96, %add3A_165 : i32
      %scan3A_167 = arith.constant 0 : i32
      %scan3A_168 = arith.constant 0 : i32
      %scan3A_169 = arith.constant 32 : i32
      %scan3A_170 = arith.addi %scan3A_168, %scan3A_169 : i32
      %scan3A_171 = arith.constant 1 : i32
      scf.for %scan3A_199 = %scan3A_168 to %scan3A_170 step %scan3A_171  : i32 {
        %get3A = arith.index_cast %scan3A_199 : i32 to index
        %get3A_200 = arith.constant 0 : index
        %get3A_201 = tpu.vector_load %arg12[%get3A, %get3A_200] {strides = array<i32>} : memref<32x64xf32, #tpu.memory_space<vmem>>, vector<1x16xf32>,
        %get3A_202 = vector.shape_cast %get3A_201 : vector<1x16xf32> to vector<16xf32>
        %get3A_203 = arith.index_cast %scan3A_199 : i32 to index
        %get3A_204 = arith.constant 16 : index
        %get3A_205 = tpu.vector_load %arg12[%get3A_203, %get3A_204] {strides = array<i32>} : memref<32x64xf32, #tpu.memory_space<vmem>>, vector<1x16xf32>,
        %get3A_206 = vector.shape_cast %get3A_205 : vector<1x16xf32> to vector<16xf32>
        %get3A_207 = arith.index_cast %scan3A_199 : i32 to index
        %get3A_208 = arith.constant 32 : index
        %get3A_209 = tpu.vector_load %arg12[%get3A_207, %get3A_208] {strides = array<i32>} : memref<32x64xf32, #tpu.memory_space<vmem>>, vector<1x16xf32>,
        %get3A_210 = vector.shape_cast %get3A_209 : vector<1x16xf32> to vector<16xf32>
        %get3A_211 = arith.index_cast %scan3A_199 : i32 to index
        %get3A_212 = arith.constant 48 : index
        %get3A_213 = tpu.vector_load %arg12[%get3A_211, %get3A_212] {strides = array<i32>} : memref<32x64xf32, #tpu.memory_space<vmem>>, vector<1x16xf32>,
        %get3A_214 = vector.shape_cast %get3A_213 : vector<1x16xf32> to vector<16xf32>
        %get3A_215 = arith.index_cast %scan3A_199 : i32 to index
        %get3A_216 = arith.constant 0 : index
        %get3A_217 = tpu.vector_load %arg14[%get3A_215, %get3A_216] {strides = array<i32>} : memref<32x64xf32, #tpu.memory_space<vmem>>, vector<1x16xf32>,
        %get3A_218 = vector.shape_cast %get3A_217 : vector<1x16xf32> to vector<16xf32>
        %mul3A_219 = arith.mulf %get3A_202, %get3A_218 : vector<16xf32>
        %get3A_220 = arith.index_cast %scan3A_199 : i32 to index
        %get3A_221 = arith.constant 16 : index
        %get3A_222 = tpu.vector_load %arg14[%get3A_220, %get3A_221] {strides = array<i32>} : memref<32x64xf32, #tpu.memory_space<vmem>>, vector<1x16xf32>,
        %get3A_223 = vector.shape_cast %get3A_222 : vector<1x16xf32> to vector<16xf32>
        %mul3A_224 = arith.mulf %get3A_206, %get3A_223 : vector<16xf32>
        %add3A_225 = arith.addf %mul3A_219, %mul3A_224 : vector<16xf32>
        %get3A_226 = arith.index_cast %scan3A_199 : i32 to index
        %get3A_227 = arith.constant 32 : index
        %get3A_228 = tpu.vector_load %arg14[%get3A_226, %get3A_227] {strides = array<i32>} : memref<32x64xf32, #tpu.memory_space<vmem>>, vector<1x16xf32>,
        %get3A_229 = vector.shape_cast %get3A_228 : vector<1x16xf32> to vector<16xf32>
        %mul3A_230 = arith.mulf %get3A_210, %get3A_229 : vector<16xf32>
        %add3A_231 = arith.addf %add3A_225, %mul3A_230 : vector<16xf32>
        %get3A_232 = arith.index_cast %scan3A_199 : i32 to index
        %get3A_233 = arith.constant 48 : index
        %get3A_234 = tpu.vector_load %arg14[%get3A_232, %get3A_233] {strides = array<i32>} : memref<32x64xf32, #tpu.memory_space<vmem>>, vector<1x16xf32>,
        %get3A_235 = vector.shape_cast %get3A_234 : vector<1x16xf32> to vector<16xf32>
        %mul3A_236 = arith.mulf %get3A_214, %get3A_235 : vector<16xf32>
        %add3A_237 = arith.addf %add3A_231, %mul3A_236 : vector<16xf32>
        %get3A_238 = arith.index_cast %scan3A_199 : i32 to index
        %get3A_239 = arith.constant 0 : index
        %get3A_240 = tpu.vector_load %arg16[%get3A_238, %get3A_239] {strides = array<i32>} : memref<32x64xf32, #tpu.memory_space<vmem>>, vector<1x16xf32>,
        %get3A_241 = vector.shape_cast %get3A_240 : vector<1x16xf32> to vector<16xf32>
        %mul3A_242 = arith.mulf %get3A_202, %get3A_241 : vector<16xf32>
        %get3A_243 = arith.index_cast %scan3A_199 : i32 to index
        %get3A_244 = arith.constant 16 : index
        %get3A_245 = tpu.vector_load %arg16[%get3A_243, %get3A_244] {strides = array<i32>} : memref<32x64xf32, #tpu.memory_space<vmem>>, vector<1x16xf32>,
        %get3A_246 = vector.shape_cast %get3A_245 : vector<1x16xf32> to vector<16xf32>
        %mul3A_247 = arith.mulf %get3A_206, %get3A_246 : vector<16xf32>
        %add3A_248 = arith.addf %mul3A_242, %mul3A_247 : vector<16xf32>
        %get3A_249 = arith.index_cast %scan3A_199 : i32 to index
        %get3A_250 = arith.constant 32 : index
        %get3A_251 = tpu.vector_load %arg16[%get3A_249, %get3A_250] {strides = array<i32>} : memref<32x64xf32, #tpu.memory_space<vmem>>, vector<1x16xf32>,
        %get3A_252 = vector.shape_cast %get3A_251 : vector<1x16xf32> to vector<16xf32>
        %mul3A_253 = arith.mulf %get3A_210, %get3A_252 : vector<16xf32>
        %add3A_254 = arith.addf %add3A_248, %mul3A_253 : vector<16xf32>
        %get3A_255 = arith.index_cast %scan3A_199 : i32 to index
        %get3A_256 = arith.constant 48 : index
        %get3A_257 = tpu.vector_load %arg16[%get3A_255, %get3A_256] {strides = array<i32>} : memref<32x64xf32, #tpu.memory_space<vmem>>, vector<1x16xf32>,
        %get3A_258 = vector.shape_cast %get3A_257 : vector<1x16xf32> to vector<16xf32>
        %mul3A_259 = arith.mulf %get3A_214, %get3A_258 : vector<16xf32>
        %add3A_260 = arith.addf %add3A_254, %mul3A_259 : vector<16xf32>
        %jit3A = arith.constant 8 : i32
        %div3A = arith.divsi %scan3A_199, %jit3A : i32
        %sign3A = arith.constant 0 : i32
        %sign3A_261 = arith.cmpi sgt, %scan3A_199, %sign3A : i32
        %sign3A_262 = arith.extui %sign3A_261 : i1 to i32
        %sign3A_263 = arith.constant 0 : i32
        %sign3A_264 = arith.cmpi slt, %scan3A_199, %sign3A_263 : i32
        %sign3A_265 = arith.extui %sign3A_264 : i1 to i32
        %sign3A_266 = arith.subi %sign3A_262, %sign3A_265 : i32
        %sign3A_267 = arith.constant 0 : i32
        %sign3A_268 = arith.cmpi sgt, %jit3A, %sign3A_267 : i32
        %sign3A_269 = arith.extui %sign3A_268 : i1 to i32
        %sign3A_270 = arith.constant 0 : i32
        %sign3A_271 = arith.cmpi slt, %jit3A, %sign3A_270 : i32
        %sign3A_272 = arith.extui %sign3A_271 : i1 to i32
        %sign3A_273 = arith.subi %sign3A_269, %sign3A_272 : i32
        %ne3A = arith.cmpi ne, %sign3A_266, %sign3A_273 : i32
        %rem3A = arith.remsi %scan3A_199, %jit3A : i32
        %ne3A_274 = arith.constant 0 : i32
        %ne3A_275 = arith.cmpi ne, %rem3A, %ne3A_274 : i32
        %and3A = arith.andi %ne3A, %ne3A_275 : i1
        %sub3A = arith.constant 1 : i32
        %sub3A_276 = arith.subi %div3A, %sub3A : i32
        %select_n3A = arith.select %and3A, %sub3A_276, %div3A : i32
        %jit3A_277 = arith.constant 8 : i32
        %eq3A = arith.constant 0 : i32
        %eq3A_278 = arith.cmpi eq, %jit3A_277, %eq3A : i32
        %jit3A_279 = arith.constant 1 : i32
        %select_n3A_280 = arith.select %eq3A_278, %jit3A_279, %jit3A_277 : i32
        %rem3A_281 = arith.remsi %scan3A_199, %select_n3A_280 : i32
        %ne3A_282 = arith.constant 0 : i32
        %ne3A_283 = arith.cmpi ne, %rem3A_281, %ne3A_282 : i32
        %lt3A = arith.constant 0 : i32
        %lt3A_284 = arith.cmpi slt, %rem3A_281, %lt3A : i32
        %lt3A_285 = arith.constant 0 : i32
        %lt3A_286 = arith.cmpi slt, %select_n3A_280, %lt3A_285 : i32
        %ne3A_287 = arith.xori %lt3A_284, %lt3A_286 : i1
        %and3A_288 = arith.andi %ne3A_287, %ne3A_283 : i1
        %add3A_289 = arith.addi %rem3A_281, %select_n3A_280 : i32
        %select_n3A_290 = arith.select %and3A_288, %add3A_289, %rem3A_281 : i32
        %mul3A_291 = arith.constant 16 : i32
        %mul3A_292 = arith.muli %select_n3A_290, %mul3A_291 : i32
        %swap3A = arith.index_cast %select_n3A : i32 to index
        %swap3A_293 = arith.index_cast %mul3A_292 : i32 to index
        %swap3A_294 = tpu.vector_load %arg17[%swap3A, %swap3A_293] {strides = array<i32>} : memref<4x128xf32, #tpu.memory_space<vmem>>, vector<1x16xf32>,
        %swap3A_295 = vector.shape_cast %swap3A_294 : vector<1x16xf32> to vector<16xf32>
        %swap3A_296 = vector.shape_cast %add3A_237 : vector<16xf32> to vector<1x16xf32>
        tpu.vector_store %arg17[%swap3A, %swap3A_293], %swap3A_296 {strides = array<i32>} : memref<4x128xf32, #tpu.memory_space<vmem>>, vector<1x16xf32>,
        %swap3A_297 = arith.index_cast %select_n3A : i32 to index
        %swap3A_298 = arith.index_cast %mul3A_292 : i32 to index
        %swap3A_299 = tpu.vector_load %arg18[%swap3A_297, %swap3A_298] {strides = array<i32>} : memref<4x128xf32, #tpu.memory_space<vmem>>, vector<1x16xf32>,
        %swap3A_300 = vector.shape_cast %swap3A_299 : vector<1x16xf32> to vector<16xf32>
        %swap3A_301 = vector.shape_cast %add3A_260 : vector<16xf32> to vector<1x16xf32>
        tpu.vector_store %arg18[%swap3A_297, %swap3A_298], %swap3A_301 {strides = array<i32>} : memref<4x128xf32, #tpu.memory_space<vmem>>, vector<1x16xf32>,
      }
      %scan3A_172 = arith.constant 32 : i32
      %mul3A_173 = arith.constant 64 : i32
      %mul3A_174 = arith.muli %add3A, %mul3A_173 : i32
      %mul3A_175 = arith.constant 4 : i32
      %mul3A_176 = arith.muli %add3A_166, %mul3A_175 : i32
      %add3A_177 = arith.addi %mul3A_174, %mul3A_176 : i32
      "tpu.region"() ({
        %run_scoped3A = tpu.sem_alloc : memref<!tpu.dma_semaphore, #tpu.memory_space<semaphore_mem>>
        %dma_start3A_199 = arith.constant 0 : i32
        %dma_start3A_200 = tpu.memref_slice %arg7[%add3A_177, %dma_start3A_199] : memref<2048x128xf32, #tpu.memory_space<hbm>> -> memref<4x128xf32, #tpu.memory_space<hbm>>
        %dma_start3A_201 = arith.constant 0 : i32
        %dma_start3A_202 = tpu.memref_slice %arg7[%add3A_177, %dma_start3A_201] : memref<2048x128xf32, #tpu.memory_space<hbm>> -> memref<4x128xf32, #tpu.memory_space<hbm>>
        tpu.enqueue_dma source(%arg17 : memref<4x128xf32, #tpu.memory_space<vmem>>) target(%dma_start3A_202 : memref<4x128xf32, #tpu.memory_space<hbm>>) target_semaphore(%run_scoped3A : memref<!tpu.dma_semaphore, #tpu.memory_space<semaphore_mem>>)
        %dma_wait3A_203 = arith.constant 0 : i32
        %dma_wait3A_204 = tpu.memref_slice %arg7[%add3A_177, %dma_wait3A_203] : memref<2048x128xf32, #tpu.memory_space<hbm>> -> memref<4x128xf32, #tpu.memory_space<hbm>>
        %dma_wait3A_205 = arith.constant 0 : i32
        %dma_wait3A_206 = tpu.memref_slice %arg7[%add3A_177, %dma_wait3A_205] : memref<2048x128xf32, #tpu.memory_space<hbm>> -> memref<4x128xf32, #tpu.memory_space<hbm>>
        tpu.wait_dma2 semaphore(%run_scoped3A : memref<!tpu.dma_semaphore, #tpu.memory_space<semaphore_mem>>) src(%arg17 : memref<4x128xf32, #tpu.memory_space<vmem>>) dst(%dma_wait3A_206 : memref<4x128xf32, #tpu.memory_space<hbm>>)
        tpu.yield
      }) : () -> ()
      "tpu.region"() ({
        %run_scoped3A = tpu.sem_alloc : memref<!tpu.dma_semaphore, #tpu.memory_space<semaphore_mem>>
        %dma_start3A_199 = arith.constant 0 : i32
        %dma_start3A_200 = tpu.memref_slice %arg8[%add3A_177, %dma_start3A_199] : memref<2048x128xf32, #tpu.memory_space<hbm>> -> memref<4x128xf32, #tpu.memory_space<hbm>>
        %dma_start3A_201 = arith.constant 0 : i32
        %dma_start3A_202 = tpu.memref_slice %arg8[%add3A_177, %dma_start3A_201] : memref<2048x128xf32, #tpu.memory_space<hbm>> -> memref<4x128xf32, #tpu.memory_space<hbm>>
        tpu.enqueue_dma source(%arg18 : memref<4x128xf32, #tpu.memory_space<vmem>>) target(%dma_start3A_202 : memref<4x128xf32, #tpu.memory_space<hbm>>) target_semaphore(%run_scoped3A : memref<!tpu.dma_semaphore, #tpu.memory_space<semaphore_mem>>)
        %dma_wait3A_203 = arith.constant 0 : i32
        %dma_wait3A_204 = tpu.memref_slice %arg8[%add3A_177, %dma_wait3A_203] : memref<2048x128xf32, #tpu.memory_space<hbm>> -> memref<4x128xf32, #tpu.memory_space<hbm>>
        %dma_wait3A_205 = arith.constant 0 : i32
        %dma_wait3A_206 = tpu.memref_slice %arg8[%add3A_177, %dma_wait3A_205] : memref<2048x128xf32, #tpu.memory_space<hbm>> -> memref<4x128xf32, #tpu.memory_space<hbm>>
        tpu.wait_dma2 semaphore(%run_scoped3A : memref<!tpu.dma_semaphore, #tpu.memory_space<semaphore_mem>>) src(%arg18 : memref<4x128xf32, #tpu.memory_space<vmem>>) dst(%dma_wait3A_206 : memref<4x128xf32, #tpu.memory_space<hbm>>)
        tpu.yield
      }) : () -> ()
      %add3A_178 = arith.constant 3 : i32
      %add3A_179 = arith.addi %mul3A_96, %add3A_178 : i32
      %mul3A_180 = arith.constant 32 : i32
      %mul3A_181 = arith.muli %add3A_179, %mul3A_180 : i32
      %dma_start3A_182 = tpu.memref_slice %arg9[%mul3A_181] : memref<512xi32, #tpu.memory_space<vmem>> -> memref<32xi32, #tpu.memory_space<vmem>>
      %dma_start3A_183 = arith.constant 0 : i32
      %dma_start3A_184 = arith.constant 0 : i32
      %dma_start3A_185 = tpu.memref_slice %arg4[%dma_start3A_183, %dma_start3A_184] : memref<1000000x64xf32, #tpu.memory_space<hbm>> -> memref<1000000x64xf32, #tpu.memory_space<hbm>>
      tpu.enqueue_indirect_dma source(%dma_start3A_185 : memref<1000000x64xf32, #tpu.memory_space<hbm>>) target(%arg12 : memref<32x64xf32, #tpu.memory_space<vmem>>) offsets(%dma_start3A_182 : memref<32xi32, #tpu.memory_space<vmem>>) semaphore(%arg20 : memref<!tpu.dma_semaphore, #tpu.memory_space<semaphore_mem>>)
      %mul3A_186 = arith.constant 32 : i32
      %mul3A_187 = arith.muli %add3A_179, %mul3A_186 : i32
      %dma_start3A_188 = tpu.memref_slice %arg10[%mul3A_187] : memref<512xi32, #tpu.memory_space<vmem>> -> memref<32xi32, #tpu.memory_space<vmem>>
      %dma_start3A_189 = arith.constant 0 : i32
      %dma_start3A_190 = arith.constant 0 : i32
      %dma_start3A_191 = tpu.memref_slice %arg5[%dma_start3A_189, %dma_start3A_190] : memref<1000000x64xf32, #tpu.memory_space<hbm>> -> memref<1000000x64xf32, #tpu.memory_space<hbm>>
      tpu.enqueue_indirect_dma source(%dma_start3A_191 : memref<1000000x64xf32, #tpu.memory_space<hbm>>) target(%arg14 : memref<32x64xf32, #tpu.memory_space<vmem>>) offsets(%dma_start3A_188 : memref<32xi32, #tpu.memory_space<vmem>>) semaphore(%arg20 : memref<!tpu.dma_semaphore, #tpu.memory_space<semaphore_mem>>)
      %mul3A_192 = arith.constant 32 : i32
      %mul3A_193 = arith.muli %add3A_179, %mul3A_192 : i32
      %add3A_194 = arith.addi %mul3A_2, %mul3A_193 : i32
      %dma_start3A_195 = arith.constant 0 : i32
      %dma_start3A_196 = tpu.memref_slice %arg6[%add3A_194, %dma_start3A_195] : memref<16384x64xf32, #tpu.memory_space<hbm>> -> memref<32x64xf32, #tpu.memory_space<hbm>>
      %dma_start3A_197 = arith.constant 0 : i32
      %dma_start3A_198 = tpu.memref_slice %arg6[%add3A_194, %dma_start3A_197] : memref<16384x64xf32, #tpu.memory_space<hbm>> -> memref<32x64xf32, #tpu.memory_space<hbm>>
      tpu.enqueue_dma source(%dma_start3A_198 : memref<32x64xf32, #tpu.memory_space<hbm>>) target(%arg16 : memref<32x64xf32, #tpu.memory_space<vmem>>) target_semaphore(%arg20 : memref<!tpu.dma_semaphore, #tpu.memory_space<semaphore_mem>>)
    }
    %scan3A_38 = arith.constant 7 : i32
    %dma_wait3A = arith.constant 0 : i32
    %dma_wait3A_39 = arith.constant 0 : i32
    %dma_wait3A_40 = tpu.memref_slice %arg4[%dma_wait3A, %dma_wait3A_39] : memref<1000000x64xf32, #tpu.memory_space<hbm>> -> memref<32x64xf32, #tpu.memory_space<hbm>>
    %dma_wait3A_41 = arith.constant 0 : i32
    %dma_wait3A_42 = arith.constant 0 : i32
    %dma_wait3A_43 = tpu.memref_slice %arg4[%dma_wait3A_41, %dma_wait3A_42] : memref<1000000x64xf32, #tpu.memory_space<hbm>> -> memref<32x64xf32, #tpu.memory_space<hbm>>
    tpu.wait_dma2 semaphore(%arg19 : memref<!tpu.dma_semaphore, #tpu.memory_space<semaphore_mem>>) src(%dma_wait3A_43 : memref<32x64xf32, #tpu.memory_space<hbm>>) dst(%arg11 : memref<32x64xf32, #tpu.memory_space<vmem>>)
    %dma_wait3A_44 = arith.constant 0 : i32
    %dma_wait3A_45 = arith.constant 0 : i32
    %dma_wait3A_46 = tpu.memref_slice %arg5[%dma_wait3A_44, %dma_wait3A_45] : memref<1000000x64xf32, #tpu.memory_space<hbm>> -> memref<32x64xf32, #tpu.memory_space<hbm>>
    %dma_wait3A_47 = arith.constant 0 : i32
    %dma_wait3A_48 = arith.constant 0 : i32
    %dma_wait3A_49 = tpu.memref_slice %arg5[%dma_wait3A_47, %dma_wait3A_48] : memref<1000000x64xf32, #tpu.memory_space<hbm>> -> memref<32x64xf32, #tpu.memory_space<hbm>>
    tpu.wait_dma2 semaphore(%arg19 : memref<!tpu.dma_semaphore, #tpu.memory_space<semaphore_mem>>) src(%dma_wait3A_49 : memref<32x64xf32, #tpu.memory_space<hbm>>) dst(%arg13 : memref<32x64xf32, #tpu.memory_space<vmem>>)
    %dma_wait3A_50 = arith.constant 0 : i32
    %dma_wait3A_51 = arith.constant 0 : i32
    %dma_wait3A_52 = tpu.memref_slice %arg6[%dma_wait3A_50, %dma_wait3A_51] : memref<16384x64xf32, #tpu.memory_space<hbm>> -> memref<32x64xf32, #tpu.memory_space<hbm>>
    %dma_wait3A_53 = arith.constant 0 : i32
    %dma_wait3A_54 = arith.constant 0 : i32
    %dma_wait3A_55 = tpu.memref_slice %arg6[%dma_wait3A_53, %dma_wait3A_54] : memref<16384x64xf32, #tpu.memory_space<hbm>> -> memref<32x64xf32, #tpu.memory_space<hbm>>
    tpu.wait_dma2 semaphore(%arg19 : memref<!tpu.dma_semaphore, #tpu.memory_space<semaphore_mem>>) src(%dma_wait3A_55 : memref<32x64xf32, #tpu.memory_space<hbm>>) dst(%arg15 : memref<32x64xf32, #tpu.memory_space<vmem>>)
    %scan3A_56 = arith.constant 0 : i32
    %scan3A_57 = arith.constant 0 : i32
    %scan3A_58 = arith.constant 32 : i32
    %scan3A_59 = arith.addi %scan3A_57, %scan3A_58 : i32
    %scan3A_60 = arith.constant 1 : i32
    scf.for %scan3A_94 = %scan3A_57 to %scan3A_59 step %scan3A_60  : i32 {
      %get3A = arith.index_cast %scan3A_94 : i32 to index
      %get3A_95 = arith.constant 0 : index
      %get3A_96 = tpu.vector_load %arg11[%get3A, %get3A_95] {strides = array<i32>} : memref<32x64xf32, #tpu.memory_space<vmem>>, vector<1x16xf32>,
      %get3A_97 = vector.shape_cast %get3A_96 : vector<1x16xf32> to vector<16xf32>
      %get3A_98 = arith.index_cast %scan3A_94 : i32 to index
      %get3A_99 = arith.constant 16 : index
      %get3A_100 = tpu.vector_load %arg11[%get3A_98, %get3A_99] {strides = array<i32>} : memref<32x64xf32, #tpu.memory_space<vmem>>, vector<1x16xf32>,
      %get3A_101 = vector.shape_cast %get3A_100 : vector<1x16xf32> to vector<16xf32>
      %get3A_102 = arith.index_cast %scan3A_94 : i32 to index
      %get3A_103 = arith.constant 32 : index
      %get3A_104 = tpu.vector_load %arg11[%get3A_102, %get3A_103] {strides = array<i32>} : memref<32x64xf32, #tpu.memory_space<vmem>>, vector<1x16xf32>,
      %get3A_105 = vector.shape_cast %get3A_104 : vector<1x16xf32> to vector<16xf32>
      %get3A_106 = arith.index_cast %scan3A_94 : i32 to index
      %get3A_107 = arith.constant 48 : index
      %get3A_108 = tpu.vector_load %arg11[%get3A_106, %get3A_107] {strides = array<i32>} : memref<32x64xf32, #tpu.memory_space<vmem>>, vector<1x16xf32>,
      %get3A_109 = vector.shape_cast %get3A_108 : vector<1x16xf32> to vector<16xf32>
      %get3A_110 = arith.index_cast %scan3A_94 : i32 to index
      %get3A_111 = arith.constant 0 : index
      %get3A_112 = tpu.vector_load %arg13[%get3A_110, %get3A_111] {strides = array<i32>} : memref<32x64xf32, #tpu.memory_space<vmem>>, vector<1x16xf32>,
      %get3A_113 = vector.shape_cast %get3A_112 : vector<1x16xf32> to vector<16xf32>
      %mul3A_114 = arith.mulf %get3A_97, %get3A_113 : vector<16xf32>
      %get3A_115 = arith.index_cast %scan3A_94 : i32 to index
      %get3A_116 = arith.constant 16 : index
      %get3A_117 = tpu.vector_load %arg13[%get3A_115, %get3A_116] {strides = array<i32>} : memref<32x64xf32, #tpu.memory_space<vmem>>, vector<1x16xf32>,
      %get3A_118 = vector.shape_cast %get3A_117 : vector<1x16xf32> to vector<16xf32>
      %mul3A_119 = arith.mulf %get3A_101, %get3A_118 : vector<16xf32>
      %add3A_120 = arith.addf %mul3A_114, %mul3A_119 : vector<16xf32>
      %get3A_121 = arith.index_cast %scan3A_94 : i32 to index
      %get3A_122 = arith.constant 32 : index
      %get3A_123 = tpu.vector_load %arg13[%get3A_121, %get3A_122] {strides = array<i32>} : memref<32x64xf32, #tpu.memory_space<vmem>>, vector<1x16xf32>,
      %get3A_124 = vector.shape_cast %get3A_123 : vector<1x16xf32> to vector<16xf32>
      %mul3A_125 = arith.mulf %get3A_105, %get3A_124 : vector<16xf32>
      %add3A_126 = arith.addf %add3A_120, %mul3A_125 : vector<16xf32>
      %get3A_127 = arith.index_cast %scan3A_94 : i32 to index
      %get3A_128 = arith.constant 48 : index
      %get3A_129 = tpu.vector_load %arg13[%get3A_127, %get3A_128] {strides = array<i32>} : memref<32x64xf32, #tpu.memory_space<vmem>>, vector<1x16xf32>,
      %get3A_130 = vector.shape_cast %get3A_129 : vector<1x16xf32> to vector<16xf32>
      %mul3A_131 = arith.mulf %get3A_109, %get3A_130 : vector<16xf32>
      %add3A_132 = arith.addf %add3A_126, %mul3A_131 : vector<16xf32>
      %get3A_133 = arith.index_cast %scan3A_94 : i32 to index
      %get3A_134 = arith.constant 0 : index
      %get3A_135 = tpu.vector_load %arg15[%get3A_133, %get3A_134] {strides = array<i32>} : memref<32x64xf32, #tpu.memory_space<vmem>>, vector<1x16xf32>,
      %get3A_136 = vector.shape_cast %get3A_135 : vector<1x16xf32> to vector<16xf32>
      %mul3A_137 = arith.mulf %get3A_97, %get3A_136 : vector<16xf32>
      %get3A_138 = arith.index_cast %scan3A_94 : i32 to index
      %get3A_139 = arith.constant 16 : index
      %get3A_140 = tpu.vector_load %arg15[%get3A_138, %get3A_139] {strides = array<i32>} : memref<32x64xf32, #tpu.memory_space<vmem>>, vector<1x16xf32>,
      %get3A_141 = vector.shape_cast %get3A_140 : vector<1x16xf32> to vector<16xf32>
      %mul3A_142 = arith.mulf %get3A_101, %get3A_141 : vector<16xf32>
      %add3A_143 = arith.addf %mul3A_137, %mul3A_142 : vector<16xf32>
      %get3A_144 = arith.index_cast %scan3A_94 : i32 to index
      %get3A_145 = arith.constant 32 : index
      %get3A_146 = tpu.vector_load %arg15[%get3A_144, %get3A_145] {strides = array<i32>} : memref<32x64xf32, #tpu.memory_space<vmem>>, vector<1x16xf32>,
      %get3A_147 = vector.shape_cast %get3A_146 : vector<1x16xf32> to vector<16xf32>
      %mul3A_148 = arith.mulf %get3A_105, %get3A_147 : vector<16xf32>
      %add3A_149 = arith.addf %add3A_143, %mul3A_148 : vector<16xf32>
      %get3A_150 = arith.index_cast %scan3A_94 : i32 to index
      %get3A_151 = arith.constant 48 : index
      %get3A_152 = tpu.vector_load %arg15[%get3A_150, %get3A_151] {strides = array<i32>} : memref<32x64xf32, #tpu.memory_space<vmem>>, vector<1x16xf32>,
      %get3A_153 = vector.shape_cast %get3A_152 : vector<1x16xf32> to vector<16xf32>
      %mul3A_154 = arith.mulf %get3A_109, %get3A_153 : vector<16xf32>
      %add3A_155 = arith.addf %add3A_149, %mul3A_154 : vector<16xf32>
      %jit3A = arith.constant 8 : i32
      %div3A = arith.divsi %scan3A_94, %jit3A : i32
      %sign3A = arith.constant 0 : i32
      %sign3A_156 = arith.cmpi sgt, %scan3A_94, %sign3A : i32
      %sign3A_157 = arith.extui %sign3A_156 : i1 to i32
      %sign3A_158 = arith.constant 0 : i32
      %sign3A_159 = arith.cmpi slt, %scan3A_94, %sign3A_158 : i32
      %sign3A_160 = arith.extui %sign3A_159 : i1 to i32
      %sign3A_161 = arith.subi %sign3A_157, %sign3A_160 : i32
      %sign3A_162 = arith.constant 0 : i32
      %sign3A_163 = arith.cmpi sgt, %jit3A, %sign3A_162 : i32
      %sign3A_164 = arith.extui %sign3A_163 : i1 to i32
      %sign3A_165 = arith.constant 0 : i32
      %sign3A_166 = arith.cmpi slt, %jit3A, %sign3A_165 : i32
      %sign3A_167 = arith.extui %sign3A_166 : i1 to i32
      %sign3A_168 = arith.subi %sign3A_164, %sign3A_167 : i32
      %ne3A = arith.cmpi ne, %sign3A_161, %sign3A_168 : i32
      %rem3A = arith.remsi %scan3A_94, %jit3A : i32
      %ne3A_169 = arith.constant 0 : i32
      %ne3A_170 = arith.cmpi ne, %rem3A, %ne3A_169 : i32
      %and3A = arith.andi %ne3A, %ne3A_170 : i1
      %sub3A = arith.constant 1 : i32
      %sub3A_171 = arith.subi %div3A, %sub3A : i32
      %select_n3A = arith.select %and3A, %sub3A_171, %div3A : i32
      %jit3A_172 = arith.constant 8 : i32
      %eq3A = arith.constant 0 : i32
      %eq3A_173 = arith.cmpi eq, %jit3A_172, %eq3A : i32
      %jit3A_174 = arith.constant 1 : i32
      %select_n3A_175 = arith.select %eq3A_173, %jit3A_174, %jit3A_172 : i32
      %rem3A_176 = arith.remsi %scan3A_94, %select_n3A_175 : i32
      %ne3A_177 = arith.constant 0 : i32
      %ne3A_178 = arith.cmpi ne, %rem3A_176, %ne3A_177 : i32
      %lt3A = arith.constant 0 : i32
      %lt3A_179 = arith.cmpi slt, %rem3A_176, %lt3A : i32
      %lt3A_180 = arith.constant 0 : i32
      %lt3A_181 = arith.cmpi slt, %select_n3A_175, %lt3A_180 : i32
      %ne3A_182 = arith.xori %lt3A_179, %lt3A_181 : i1
      %and3A_183 = arith.andi %ne3A_182, %ne3A_178 : i1
      %add3A_184 = arith.addi %rem3A_176, %select_n3A_175 : i32
      %select_n3A_185 = arith.select %and3A_183, %add3A_184, %rem3A_176 : i32
      %mul3A_186 = arith.constant 16 : i32
      %mul3A_187 = arith.muli %select_n3A_185, %mul3A_186 : i32
      %swap3A = arith.index_cast %select_n3A : i32 to index
      %swap3A_188 = arith.index_cast %mul3A_187 : i32 to index
      %swap3A_189 = tpu.vector_load %arg17[%swap3A, %swap3A_188] {strides = array<i32>} : memref<4x128xf32, #tpu.memory_space<vmem>>, vector<1x16xf32>,
      %swap3A_190 = vector.shape_cast %swap3A_189 : vector<1x16xf32> to vector<16xf32>
      %swap3A_191 = vector.shape_cast %add3A_132 : vector<16xf32> to vector<1x16xf32>
      tpu.vector_store %arg17[%swap3A, %swap3A_188], %swap3A_191 {strides = array<i32>} : memref<4x128xf32, #tpu.memory_space<vmem>>, vector<1x16xf32>,
      %swap3A_192 = arith.index_cast %select_n3A : i32 to index
      %swap3A_193 = arith.index_cast %mul3A_187 : i32 to index
      %swap3A_194 = tpu.vector_load %arg18[%swap3A_192, %swap3A_193] {strides = array<i32>} : memref<4x128xf32, #tpu.memory_space<vmem>>, vector<1x16xf32>,
      %swap3A_195 = vector.shape_cast %swap3A_194 : vector<1x16xf32> to vector<16xf32>
      %swap3A_196 = vector.shape_cast %add3A_155 : vector<16xf32> to vector<1x16xf32>
      tpu.vector_store %arg18[%swap3A_192, %swap3A_193], %swap3A_196 {strides = array<i32>} : memref<4x128xf32, #tpu.memory_space<vmem>>, vector<1x16xf32>,
    }
    %scan3A_61 = arith.constant 32 : i32
    %mul3A_62 = arith.constant 64 : i32
    %mul3A_63 = arith.muli %add3A, %mul3A_62 : i32
    %add3A_64 = arith.constant 56 : i32
    %add3A_65 = arith.addi %mul3A_63, %add3A_64 : i32
    "tpu.region"() ({
      %run_scoped3A = tpu.sem_alloc : memref<!tpu.dma_semaphore, #tpu.memory_space<semaphore_mem>>
      %dma_start3A_94 = arith.constant 0 : i32
      %dma_start3A_95 = tpu.memref_slice %arg7[%add3A_65, %dma_start3A_94] : memref<2048x128xf32, #tpu.memory_space<hbm>> -> memref<4x128xf32, #tpu.memory_space<hbm>>
      %dma_start3A_96 = arith.constant 0 : i32
      %dma_start3A_97 = tpu.memref_slice %arg7[%add3A_65, %dma_start3A_96] : memref<2048x128xf32, #tpu.memory_space<hbm>> -> memref<4x128xf32, #tpu.memory_space<hbm>>
      tpu.enqueue_dma source(%arg17 : memref<4x128xf32, #tpu.memory_space<vmem>>) target(%dma_start3A_97 : memref<4x128xf32, #tpu.memory_space<hbm>>) target_semaphore(%run_scoped3A : memref<!tpu.dma_semaphore, #tpu.memory_space<semaphore_mem>>)
      %dma_wait3A_98 = arith.constant 0 : i32
      %dma_wait3A_99 = tpu.memref_slice %arg7[%add3A_65, %dma_wait3A_98] : memref<2048x128xf32, #tpu.memory_space<hbm>> -> memref<4x128xf32, #tpu.memory_space<hbm>>
      %dma_wait3A_100 = arith.constant 0 : i32
      %dma_wait3A_101 = tpu.memref_slice %arg7[%add3A_65, %dma_wait3A_100] : memref<2048x128xf32, #tpu.memory_space<hbm>> -> memref<4x128xf32, #tpu.memory_space<hbm>>
      tpu.wait_dma2 semaphore(%run_scoped3A : memref<!tpu.dma_semaphore, #tpu.memory_space<semaphore_mem>>) src(%arg17 : memref<4x128xf32, #tpu.memory_space<vmem>>) dst(%dma_wait3A_101 : memref<4x128xf32, #tpu.memory_space<hbm>>)
      tpu.yield
    }) : () -> ()
    "tpu.region"() ({
      %run_scoped3A = tpu.sem_alloc : memref<!tpu.dma_semaphore, #tpu.memory_space<semaphore_mem>>
      %dma_start3A_94 = arith.constant 0 : i32
      %dma_start3A_95 = tpu.memref_slice %arg8[%add3A_65, %dma_start3A_94] : memref<2048x128xf32, #tpu.memory_space<hbm>> -> memref<4x128xf32, #tpu.memory_space<hbm>>
      %dma_start3A_96 = arith.constant 0 : i32
      %dma_start3A_97 = tpu.memref_slice %arg8[%add3A_65, %dma_start3A_96] : memref<2048x128xf32, #tpu.memory_space<hbm>> -> memref<4x128xf32, #tpu.memory_space<hbm>>
      tpu.enqueue_dma source(%arg18 : memref<4x128xf32, #tpu.memory_space<vmem>>) target(%dma_start3A_97 : memref<4x128xf32, #tpu.memory_space<hbm>>) target_semaphore(%run_scoped3A : memref<!tpu.dma_semaphore, #tpu.memory_space<semaphore_mem>>)
      %dma_wait3A_98 = arith.constant 0 : i32
      %dma_wait3A_99 = tpu.memref_slice %arg8[%add3A_65, %dma_wait3A_98] : memref<2048x128xf32, #tpu.memory_space<hbm>> -> memref<4x128xf32, #tpu.memory_space<hbm>>
      %dma_wait3A_100 = arith.constant 0 : i32
      %dma_wait3A_101 = tpu.memref_slice %arg8[%add3A_65, %dma_wait3A_100] : memref<2048x128xf32, #tpu.memory_space<hbm>> -> memref<4x128xf32, #tpu.memory_space<hbm>>
      tpu.wait_dma2 semaphore(%run_scoped3A : memref<!tpu.dma_semaphore, #tpu.memory_space<semaphore_mem>>) src(%arg18 : memref<4x128xf32, #tpu.memory_space<vmem>>) dst(%dma_wait3A_101 : memref<4x128xf32, #tpu.memory_space<hbm>>)
      tpu.yield
    }) : () -> ()
    %dma_wait3A_66 = arith.constant 0 : i32
    %dma_wait3A_67 = arith.constant 0 : i32
    %dma_wait3A_68 = tpu.memref_slice %arg4[%dma_wait3A_66, %dma_wait3A_67] : memref<1000000x64xf32, #tpu.memory_space<hbm>> -> memref<32x64xf32, #tpu.memory_space<hbm>>
    %dma_wait3A_69 = arith.constant 0 : i32
    %dma_wait3A_70 = arith.constant 0 : i32
    %dma_wait3A_71 = tpu.memref_slice %arg4[%dma_wait3A_69, %dma_wait3A_70] : memref<1000000x64xf32, #tpu.memory_space<hbm>> -> memref<32x64xf32, #tpu.memory_space<hbm>>
    tpu.wait_dma2 semaphore(%arg20 : memref<!tpu.dma_semaphore, #tpu.memory_space<semaphore_mem>>) src(%dma_wait3A_71 : memref<32x64xf32, #tpu.memory_space<hbm>>) dst(%arg12 : memref<32x64xf32, #tpu.memory_space<vmem>>)
    %dma_wait3A_72 = arith.constant 0 : i32
    %dma_wait3A_73 = arith.constant 0 : i32
    %dma_wait3A_74 = tpu.memref_slice %arg5[%dma_wait3A_72, %dma_wait3A_73] : memref<1000000x64xf32, #tpu.memory_space<hbm>> -> memref<32x64xf32, #tpu.memory_space<hbm>>
    %dma_wait3A_75 = arith.constant 0 : i32
    %dma_wait3A_76 = arith.constant 0 : i32
    %dma_wait3A_77 = tpu.memref_slice %arg5[%dma_wait3A_75, %dma_wait3A_76] : memref<1000000x64xf32, #tpu.memory_space<hbm>> -> memref<32x64xf32, #tpu.memory_space<hbm>>
    tpu.wait_dma2 semaphore(%arg20 : memref<!tpu.dma_semaphore, #tpu.memory_space<semaphore_mem>>) src(%dma_wait3A_77 : memref<32x64xf32, #tpu.memory_space<hbm>>) dst(%arg14 : memref<32x64xf32, #tpu.memory_space<vmem>>)
    %dma_wait3A_78 = arith.constant 0 : i32
    %dma_wait3A_79 = arith.constant 0 : i32
    %dma_wait3A_80 = tpu.memref_slice %arg6[%dma_wait3A_78, %dma_wait3A_79] : memref<16384x64xf32, #tpu.memory_space<hbm>> -> memref<32x64xf32, #tpu.memory_space<hbm>>
    %dma_wait3A_81 = arith.constant 0 : i32
    %dma_wait3A_82 = arith.constant 0 : i32
    %dma_wait3A_83 = tpu.memref_slice %arg6[%dma_wait3A_81, %dma_wait3A_82] : memref<16384x64xf32, #tpu.memory_space<hbm>> -> memref<32x64xf32, #tpu.memory_space<hbm>>
    tpu.wait_dma2 semaphore(%arg20 : memref<!tpu.dma_semaphore, #tpu.memory_space<semaphore_mem>>) src(%dma_wait3A_83 : memref<32x64xf32, #tpu.memory_space<hbm>>) dst(%arg16 : memref<32x64xf32, #tpu.memory_space<vmem>>)
    %scan3A_84 = arith.constant 0 : i32
    %scan3A_85 = arith.constant 0 : i32
    %scan3A_86 = arith.constant 32 : i32
    %scan3A_87 = arith.addi %scan3A_85, %scan3A_86 : i32
    %scan3A_88 = arith.constant 1 : i32
    scf.for %scan3A_94 = %scan3A_85 to %scan3A_87 step %scan3A_88  : i32 {
      %get3A = arith.index_cast %scan3A_94 : i32 to index
      %get3A_95 = arith.constant 0 : index
      %get3A_96 = tpu.vector_load %arg12[%get3A, %get3A_95] {strides = array<i32>} : memref<32x64xf32, #tpu.memory_space<vmem>>, vector<1x16xf32>,
      %get3A_97 = vector.shape_cast %get3A_96 : vector<1x16xf32> to vector<16xf32>
      %get3A_98 = arith.index_cast %scan3A_94 : i32 to index
      %get3A_99 = arith.constant 16 : index
      %get3A_100 = tpu.vector_load %arg12[%get3A_98, %get3A_99] {strides = array<i32>} : memref<32x64xf32, #tpu.memory_space<vmem>>, vector<1x16xf32>,
      %get3A_101 = vector.shape_cast %get3A_100 : vector<1x16xf32> to vector<16xf32>
      %get3A_102 = arith.index_cast %scan3A_94 : i32 to index
      %get3A_103 = arith.constant 32 : index
      %get3A_104 = tpu.vector_load %arg12[%get3A_102, %get3A_103] {strides = array<i32>} : memref<32x64xf32, #tpu.memory_space<vmem>>, vector<1x16xf32>,
      %get3A_105 = vector.shape_cast %get3A_104 : vector<1x16xf32> to vector<16xf32>
      %get3A_106 = arith.index_cast %scan3A_94 : i32 to index
      %get3A_107 = arith.constant 48 : index
      %get3A_108 = tpu.vector_load %arg12[%get3A_106, %get3A_107] {strides = array<i32>} : memref<32x64xf32, #tpu.memory_space<vmem>>, vector<1x16xf32>,
      %get3A_109 = vector.shape_cast %get3A_108 : vector<1x16xf32> to vector<16xf32>
      %get3A_110 = arith.index_cast %scan3A_94 : i32 to index
      %get3A_111 = arith.constant 0 : index
      %get3A_112 = tpu.vector_load %arg14[%get3A_110, %get3A_111] {strides = array<i32>} : memref<32x64xf32, #tpu.memory_space<vmem>>, vector<1x16xf32>,
      %get3A_113 = vector.shape_cast %get3A_112 : vector<1x16xf32> to vector<16xf32>
      %mul3A_114 = arith.mulf %get3A_97, %get3A_113 : vector<16xf32>
      %get3A_115 = arith.index_cast %scan3A_94 : i32 to index
      %get3A_116 = arith.constant 16 : index
      %get3A_117 = tpu.vector_load %arg14[%get3A_115, %get3A_116] {strides = array<i32>} : memref<32x64xf32, #tpu.memory_space<vmem>>, vector<1x16xf32>,
      %get3A_118 = vector.shape_cast %get3A_117 : vector<1x16xf32> to vector<16xf32>
      %mul3A_119 = arith.mulf %get3A_101, %get3A_118 : vector<16xf32>
      %add3A_120 = arith.addf %mul3A_114, %mul3A_119 : vector<16xf32>
      %get3A_121 = arith.index_cast %scan3A_94 : i32 to index
      %get3A_122 = arith.constant 32 : index
      %get3A_123 = tpu.vector_load %arg14[%get3A_121, %get3A_122] {strides = array<i32>} : memref<32x64xf32, #tpu.memory_space<vmem>>, vector<1x16xf32>,
      %get3A_124 = vector.shape_cast %get3A_123 : vector<1x16xf32> to vector<16xf32>
      %mul3A_125 = arith.mulf %get3A_105, %get3A_124 : vector<16xf32>
      %add3A_126 = arith.addf %add3A_120, %mul3A_125 : vector<16xf32>
      %get3A_127 = arith.index_cast %scan3A_94 : i32 to index
      %get3A_128 = arith.constant 48 : index
      %get3A_129 = tpu.vector_load %arg14[%get3A_127, %get3A_128] {strides = array<i32>} : memref<32x64xf32, #tpu.memory_space<vmem>>, vector<1x16xf32>,
      %get3A_130 = vector.shape_cast %get3A_129 : vector<1x16xf32> to vector<16xf32>
      %mul3A_131 = arith.mulf %get3A_109, %get3A_130 : vector<16xf32>
      %add3A_132 = arith.addf %add3A_126, %mul3A_131 : vector<16xf32>
      %get3A_133 = arith.index_cast %scan3A_94 : i32 to index
      %get3A_134 = arith.constant 0 : index
      %get3A_135 = tpu.vector_load %arg16[%get3A_133, %get3A_134] {strides = array<i32>} : memref<32x64xf32, #tpu.memory_space<vmem>>, vector<1x16xf32>,
      %get3A_136 = vector.shape_cast %get3A_135 : vector<1x16xf32> to vector<16xf32>
      %mul3A_137 = arith.mulf %get3A_97, %get3A_136 : vector<16xf32>
      %get3A_138 = arith.index_cast %scan3A_94 : i32 to index
      %get3A_139 = arith.constant 16 : index
      %get3A_140 = tpu.vector_load %arg16[%get3A_138, %get3A_139] {strides = array<i32>} : memref<32x64xf32, #tpu.memory_space<vmem>>, vector<1x16xf32>,
      %get3A_141 = vector.shape_cast %get3A_140 : vector<1x16xf32> to vector<16xf32>
      %mul3A_142 = arith.mulf %get3A_101, %get3A_141 : vector<16xf32>
      %add3A_143 = arith.addf %mul3A_137, %mul3A_142 : vector<16xf32>
      %get3A_144 = arith.index_cast %scan3A_94 : i32 to index
      %get3A_145 = arith.constant 32 : index
      %get3A_146 = tpu.vector_load %arg16[%get3A_144, %get3A_145] {strides = array<i32>} : memref<32x64xf32, #tpu.memory_space<vmem>>, vector<1x16xf32>,
      %get3A_147 = vector.shape_cast %get3A_146 : vector<1x16xf32> to vector<16xf32>
      %mul3A_148 = arith.mulf %get3A_105, %get3A_147 : vector<16xf32>
      %add3A_149 = arith.addf %add3A_143, %mul3A_148 : vector<16xf32>
      %get3A_150 = arith.index_cast %scan3A_94 : i32 to index
      %get3A_151 = arith.constant 48 : index
      %get3A_152 = tpu.vector_load %arg16[%get3A_150, %get3A_151] {strides = array<i32>} : memref<32x64xf32, #tpu.memory_space<vmem>>, vector<1x16xf32>,
      %get3A_153 = vector.shape_cast %get3A_152 : vector<1x16xf32> to vector<16xf32>
      %mul3A_154 = arith.mulf %get3A_109, %get3A_153 : vector<16xf32>
      %add3A_155 = arith.addf %add3A_149, %mul3A_154 : vector<16xf32>
      %jit3A = arith.constant 8 : i32
      %div3A = arith.divsi %scan3A_94, %jit3A : i32
      %sign3A = arith.constant 0 : i32
      %sign3A_156 = arith.cmpi sgt, %scan3A_94, %sign3A : i32
      %sign3A_157 = arith.extui %sign3A_156 : i1 to i32
      %sign3A_158 = arith.constant 0 : i32
      %sign3A_159 = arith.cmpi slt, %scan3A_94, %sign3A_158 : i32
      %sign3A_160 = arith.extui %sign3A_159 : i1 to i32
      %sign3A_161 = arith.subi %sign3A_157, %sign3A_160 : i32
      %sign3A_162 = arith.constant 0 : i32
      %sign3A_163 = arith.cmpi sgt, %jit3A, %sign3A_162 : i32
      %sign3A_164 = arith.extui %sign3A_163 : i1 to i32
      %sign3A_165 = arith.constant 0 : i32
      %sign3A_166 = arith.cmpi slt, %jit3A, %sign3A_165 : i32
      %sign3A_167 = arith.extui %sign3A_166 : i1 to i32
      %sign3A_168 = arith.subi %sign3A_164, %sign3A_167 : i32
      %ne3A = arith.cmpi ne, %sign3A_161, %sign3A_168 : i32
      %rem3A = arith.remsi %scan3A_94, %jit3A : i32
      %ne3A_169 = arith.constant 0 : i32
      %ne3A_170 = arith.cmpi ne, %rem3A, %ne3A_169 : i32
      %and3A = arith.andi %ne3A, %ne3A_170 : i1
      %sub3A = arith.constant 1 : i32
      %sub3A_171 = arith.subi %div3A, %sub3A : i32
      %select_n3A = arith.select %and3A, %sub3A_171, %div3A : i32
      %jit3A_172 = arith.constant 8 : i32
      %eq3A = arith.constant 0 : i32
      %eq3A_173 = arith.cmpi eq, %jit3A_172, %eq3A : i32
      %jit3A_174 = arith.constant 1 : i32
      %select_n3A_175 = arith.select %eq3A_173, %jit3A_174, %jit3A_172 : i32
      %rem3A_176 = arith.remsi %scan3A_94, %select_n3A_175 : i32
      %ne3A_177 = arith.constant 0 : i32
      %ne3A_178 = arith.cmpi ne, %rem3A_176, %ne3A_177 : i32
      %lt3A = arith.constant 0 : i32
      %lt3A_179 = arith.cmpi slt, %rem3A_176, %lt3A : i32
      %lt3A_180 = arith.constant 0 : i32
      %lt3A_181 = arith.cmpi slt, %select_n3A_175, %lt3A_180 : i32
      %ne3A_182 = arith.xori %lt3A_179, %lt3A_181 : i1
      %and3A_183 = arith.andi %ne3A_182, %ne3A_178 : i1
      %add3A_184 = arith.addi %rem3A_176, %select_n3A_175 : i32
      %select_n3A_185 = arith.select %and3A_183, %add3A_184, %rem3A_176 : i32
      %mul3A_186 = arith.constant 16 : i32
      %mul3A_187 = arith.muli %select_n3A_185, %mul3A_186 : i32
      %swap3A = arith.index_cast %select_n3A : i32 to index
      %swap3A_188 = arith.index_cast %mul3A_187 : i32 to index
      %swap3A_189 = tpu.vector_load %arg17[%swap3A, %swap3A_188] {strides = array<i32>} : memref<4x128xf32, #tpu.memory_space<vmem>>, vector<1x16xf32>,
      %swap3A_190 = vector.shape_cast %swap3A_189 : vector<1x16xf32> to vector<16xf32>
      %swap3A_191 = vector.shape_cast %add3A_132 : vector<16xf32> to vector<1x16xf32>
      tpu.vector_store %arg17[%swap3A, %swap3A_188], %swap3A_191 {strides = array<i32>} : memref<4x128xf32, #tpu.memory_space<vmem>>, vector<1x16xf32>,
      %swap3A_192 = arith.index_cast %select_n3A : i32 to index
      %swap3A_193 = arith.index_cast %mul3A_187 : i32 to index
      %swap3A_194 = tpu.vector_load %arg18[%swap3A_192, %swap3A_193] {strides = array<i32>} : memref<4x128xf32, #tpu.memory_space<vmem>>, vector<1x16xf32>,
      %swap3A_195 = vector.shape_cast %swap3A_194 : vector<1x16xf32> to vector<16xf32>
      %swap3A_196 = vector.shape_cast %add3A_155 : vector<16xf32> to vector<1x16xf32>
      tpu.vector_store %arg18[%swap3A_192, %swap3A_193], %swap3A_196 {strides = array<i32>} : memref<4x128xf32, #tpu.memory_space<vmem>>, vector<1x16xf32>,
    }
    %scan3A_89 = arith.constant 32 : i32
    %mul3A_90 = arith.constant 64 : i32
    %mul3A_91 = arith.muli %add3A, %mul3A_90 : i32
    %add3A_92 = arith.constant 60 : i32
    %add3A_93 = arith.addi %mul3A_91, %add3A_92 : i32
    "tpu.region"() ({
      %run_scoped3A = tpu.sem_alloc : memref<!tpu.dma_semaphore, #tpu.memory_space<semaphore_mem>>
      %dma_start3A_94 = arith.constant 0 : i32
      %dma_start3A_95 = tpu.memref_slice %arg7[%add3A_93, %dma_start3A_94] : memref<2048x128xf32, #tpu.memory_space<hbm>> -> memref<4x128xf32, #tpu.memory_space<hbm>>
      %dma_start3A_96 = arith.constant 0 : i32
      %dma_start3A_97 = tpu.memref_slice %arg7[%add3A_93, %dma_start3A_96] : memref<2048x128xf32, #tpu.memory_space<hbm>> -> memref<4x128xf32, #tpu.memory_space<hbm>>
      tpu.enqueue_dma source(%arg17 : memref<4x128xf32, #tpu.memory_space<vmem>>) target(%dma_start3A_97 : memref<4x128xf32, #tpu.memory_space<hbm>>) target_semaphore(%run_scoped3A : memref<!tpu.dma_semaphore, #tpu.memory_space<semaphore_mem>>)
      %dma_wait3A_98 = arith.constant 0 : i32
      %dma_wait3A_99 = tpu.memref_slice %arg7[%add3A_93, %dma_wait3A_98] : memref<2048x128xf32, #tpu.memory_space<hbm>> -> memref<4x128xf32, #tpu.memory_space<hbm>>
      %dma_wait3A_100 = arith.constant 0 : i32
      %dma_wait3A_101 = tpu.memref_slice %arg7[%add3A_93, %dma_wait3A_100] : memref<2048x128xf32, #tpu.memory_space<hbm>> -> memref<4x128xf32, #tpu.memory_space<hbm>>
      tpu.wait_dma2 semaphore(%run_scoped3A : memref<!tpu.dma_semaphore, #tpu.memory_space<semaphore_mem>>) src(%arg17 : memref<4x128xf32, #tpu.memory_space<vmem>>) dst(%dma_wait3A_101 : memref<4x128xf32, #tpu.memory_space<hbm>>)
      tpu.yield
    }) : () -> ()
    "tpu.region"() ({
      %run_scoped3A = tpu.sem_alloc : memref<!tpu.dma_semaphore, #tpu.memory_space<semaphore_mem>>
      %dma_start3A_94 = arith.constant 0 : i32
      %dma_start3A_95 = tpu.memref_slice %arg8[%add3A_93, %dma_start3A_94] : memref<2048x128xf32, #tpu.memory_space<hbm>> -> memref<4x128xf32, #tpu.memory_space<hbm>>
      %dma_start3A_96 = arith.constant 0 : i32
      %dma_start3A_97 = tpu.memref_slice %arg8[%add3A_93, %dma_start3A_96] : memref<2048x128xf32, #tpu.memory_space<hbm>> -> memref<4x128xf32, #tpu.memory_space<hbm>>
      tpu.enqueue_dma source(%arg18 : memref<4x128xf32, #tpu.memory_space<vmem>>) target(%dma_start3A_97 : memref<4x128xf32, #tpu.memory_space<hbm>>) target_semaphore(%run_scoped3A : memref<!tpu.dma_semaphore, #tpu.memory_space<semaphore_mem>>)
      %dma_wait3A_98 = arith.constant 0 : i32
      %dma_wait3A_99 = tpu.memref_slice %arg8[%add3A_93, %dma_wait3A_98] : memref<2048x128xf32, #tpu.memory_space<hbm>> -> memref<4x128xf32, #tpu.memory_space<hbm>>
      %dma_wait3A_100 = arith.constant 0 : i32
      %dma_wait3A_101 = tpu.memref_slice %arg8[%add3A_93, %dma_wait3A_100] : memref<2048x128xf32, #tpu.memory_space<hbm>> -> memref<4x128xf32, #tpu.memory_space<hbm>>
      tpu.wait_dma2 semaphore(%run_scoped3A : memref<!tpu.dma_semaphore, #tpu.memory_space<semaphore_mem>>) src(%arg18 : memref<4x128xf32, #tpu.memory_space<vmem>>) dst(%dma_wait3A_101 : memref<4x128xf32, #tpu.memory_space<hbm>>)
      tpu.yield
    }) : () -> ()
    return
  }
}

module attributes {stable_mosaic.version = 14 : i64} {
  func.func @body(%arg0: i32, %arg1: memref<64x32768xf32, #tpu.memory_space<vmem>>, %arg2: memref<16384x128xf32, #tpu.memory_space<vmem>>) attributes {dimension_semantics = [#tpu.dimension_semantics<arbitrary>], iteration_bounds = array<i64: 31>, scalar_prefetch = 0 : i64, scratch_operands = 0 : i64, tpu.core_type = #tpu.core_type<tc>, window_params = [{transform_indices = @transform_0, window_bounds = array<i64: 64, 32768>}, {transform_indices = @transform_1, window_bounds = array<i64: 16384, 128>}]} {
    %get3A = arith.constant 0 : index
    %get3A_0 = arith.constant 0 : index
    %get3A_1 = vector.load %arg1[%get3A, %get3A_0] : memref<64x32768xf32, #tpu.memory_space<vmem>>, vector<64x32768xf32>
    %slice3A = vector.extract_strided_slice %get3A_1 {offsets = [0, 0], sizes = [64, 16384], strides = [1, 1]} : vector<64x32768xf32> to vector<64x16384xf32>
    %slice3A_2 = vector.extract_strided_slice %get3A_1 {offsets = [0, 16384], sizes = [64, 16384], strides = [1, 1]} : vector<64x32768xf32> to vector<64x16384xf32>
    %concatenate3A = tpu.concatenate %slice3A, %slice3A_2 in 0 : vector<64x16384xf32>, vector<64x16384xf32> -> vector<128x16384xf32>
    %transpose3A = tpu.transpose %concatenate3A, [1, 0] : vector<128x16384xf32> -> vector<16384x128xf32>
    %swap3A = arith.constant 0 : index
    %swap3A_3 = arith.constant 0 : index
    %swap3A_4 = vector.load %arg2[%swap3A, %swap3A_3] : memref<16384x128xf32, #tpu.memory_space<vmem>>, vector<16384x128xf32>
    tpu.vector_store %arg2[%swap3A, %swap3A_3], %transpose3A {strides = array<i32>} : memref<16384x128xf32, #tpu.memory_space<vmem>>, vector<16384x128xf32>,
    return
  }
  func.func @transform_0(%arg0: i32) -> (i32, i32) {
    %c0_i32 = arith.constant 0 : i32
    %c0_i32_0 = arith.constant 0 : i32
    return %c0_i32, %arg0 : i32, i32
  }
  func.func @transform_1(%arg0: i32) -> (i32, i32) {
    %c0_i32 = arith.constant 0 : i32
    %c0_i32_0 = arith.constant 0 : i32
    return %arg0, %c0_i32 : i32, i32
  }
}

module attributes {stable_mosaic.version = 14 : i64} {
  func.func @body(%arg0: memref<2048x128xf32, #tpu.memory_space<vmem>>, %arg1: memref<2048x128xf32, #tpu.memory_space<vmem>>, %arg2: memref<1x1xf32, #tpu.memory_space<vmem>>) attributes {dimension_semantics = [], scalar_prefetch = 0 : i64, scratch_operands = 0 : i64, tpu.core_type = #tpu.core_type<tc>} {
    %get3A = arith.constant 0 : index
    %get3A_0 = arith.constant 0 : index
    %get3A_1 = vector.load %arg0[%get3A, %get3A_0] : memref<2048x128xf32, #tpu.memory_space<vmem>>, vector<2048x128xf32>
    %get3A_2 = arith.constant 0 : index
    %get3A_3 = arith.constant 0 : index
    %get3A_4 = vector.load %arg1[%get3A_2, %get3A_3] : memref<2048x128xf32, #tpu.memory_space<vmem>>, vector<2048x128xf32>
    %iota3A = tpu.iota {dimensions = array<i32: 0>} : vector<128x8xi32>
    %iota3A_5 = tpu.iota {dimensions = array<i32: 1>} : vector<128x8xi32>
    %jit3A = arith.constant 16 : i32
    %div3A = vector.broadcast %jit3A : i32 to vector<128x8xi32>
    %div3A_6 = arith.divsi %iota3A, %div3A : vector<128x8xi32>
    %sign3A = arith.constant 0 : i32
    %sign3A_7 = vector.broadcast %sign3A : i32 to vector<128x8xi32>
    %sign3A_8 = arith.cmpi sgt, %iota3A, %sign3A_7 : vector<128x8xi32>
    %sign3A_9 = arith.extui %sign3A_8 : vector<128x8xi1> to vector<128x8xi32>
    %sign3A_10 = arith.constant 0 : i32
    %sign3A_11 = vector.broadcast %sign3A_10 : i32 to vector<128x8xi32>
    %sign3A_12 = arith.cmpi slt, %iota3A, %sign3A_11 : vector<128x8xi32>
    %sign3A_13 = arith.extui %sign3A_12 : vector<128x8xi1> to vector<128x8xi32>
    %sign3A_14 = arith.subi %sign3A_9, %sign3A_13 : vector<128x8xi32>
    %sign3A_15 = arith.constant 0 : i32
    %sign3A_16 = arith.cmpi sgt, %jit3A, %sign3A_15 : i32
    %sign3A_17 = arith.extui %sign3A_16 : i1 to i32
    %sign3A_18 = arith.constant 0 : i32
    %sign3A_19 = arith.cmpi slt, %jit3A, %sign3A_18 : i32
    %sign3A_20 = arith.extui %sign3A_19 : i1 to i32
    %sign3A_21 = arith.subi %sign3A_17, %sign3A_20 : i32
    %ne3A = vector.broadcast %sign3A_21 : i32 to vector<128x8xi32>
    %ne3A_22 = arith.cmpi ne, %sign3A_14, %ne3A : vector<128x8xi32>
    %rem3A = vector.broadcast %jit3A : i32 to vector<128x8xi32>
    %rem3A_23 = arith.remsi %iota3A, %rem3A : vector<128x8xi32>
    %ne3A_24 = arith.constant 0 : i32
    %ne3A_25 = vector.broadcast %ne3A_24 : i32 to vector<128x8xi32>
    %ne3A_26 = arith.cmpi ne, %rem3A_23, %ne3A_25 : vector<128x8xi32>
    %and3A = arith.andi %ne3A_22, %ne3A_26 : vector<128x8xi1>
    %sub3A = arith.constant 1 : i32
    %sub3A_27 = vector.broadcast %sub3A : i32 to vector<128x8xi32>
    %sub3A_28 = arith.subi %div3A_6, %sub3A_27 : vector<128x8xi32>
    %select_n3A = arith.select %and3A, %sub3A_28, %div3A_6 : vector<128x8xi1>, vector<128x8xi32>
    %eq3A = arith.cmpi eq, %select_n3A, %iota3A_5 : vector<128x8xi32>
    %convert_element_type3A = arith.extui %eq3A : vector<128x8xi1> to vector<128x8xi32>
    %convert_element_type3A_29 = arith.sitofp %convert_element_type3A : vector<128x8xi32> to vector<128x8xf32>
    %dot_general3A = arith.constant dense<0.000000e+00> : vector<2048x8xf32>
    %dot_general3A_30 = tpu.matmul %get3A_1, %convert_element_type3A_29, %dot_general3A {dimension_numbers = #tpu.dot_dimension_numbers<[1], [0], [0], [1], [0, 0, 1, 1], [], []>, transpose_lhs_hint = false} : vector<2048x128xf32>, vector<128x8xf32>, vector<2048x8xf32> -> vector<2048x8xf32>
    %dot_general3A_31 = arith.constant dense<0.000000e+00> : vector<2048x8xf32>
    %dot_general3A_32 = tpu.matmul %get3A_4, %convert_element_type3A_29, %dot_general3A_31 {dimension_numbers = #tpu.dot_dimension_numbers<[1], [0], [0], [1], [0, 0, 1, 1], [], []>, transpose_lhs_hint = false} : vector<2048x128xf32>, vector<128x8xf32>, vector<2048x8xf32> -> vector<2048x8xf32>
    %neg3A = arith.constant 0.000000e+00 : f32
    %neg3A_33 = vector.broadcast %neg3A : f32 to vector<2048x8xf32>
    %neg3A_34 = arith.subf %neg3A_33, %dot_general3A_30 : vector<2048x8xf32>
    %custom_jvp_call3A = arith.constant 0.000000e+00 : f32
    %max3A = vector.broadcast %custom_jvp_call3A : f32 to vector<2048x8xf32>
    %max3A_35 = arith.maximumf %neg3A_34, %max3A : vector<2048x8xf32>
    %sub3A_36 = vector.broadcast %custom_jvp_call3A : f32 to vector<2048x8xf32>
    %sub3A_37 = arith.subf %neg3A_34, %sub3A_36 : vector<2048x8xf32>
    %ne3A_38 = arith.cmpf one, %sub3A_37, %sub3A_37 : vector<2048x8xf32>
    %add3A = vector.broadcast %custom_jvp_call3A : f32 to vector<2048x8xf32>
    %add3A_39 = arith.addf %neg3A_34, %add3A : vector<2048x8xf32>
    %abs3A = math.absf %sub3A_37 : vector<2048x8xf32>
    %neg3A_40 = arith.constant 0.000000e+00 : f32
    %neg3A_41 = vector.broadcast %neg3A_40 : f32 to vector<2048x8xf32>
    %neg3A_42 = arith.subf %neg3A_41, %abs3A : vector<2048x8xf32>
    %exp3A = math.exp %neg3A_42 : vector<2048x8xf32>
    %log1p3A = math.log1p %exp3A : vector<2048x8xf32>
    %add3A_43 = arith.addf %max3A_35, %log1p3A : vector<2048x8xf32>
    %select_n3A_44 = arith.select %ne3A_38, %add3A_39, %add3A_43 : vector<2048x8xi1>, vector<2048x8xf32>
    %neg3A_45 = arith.constant 0.000000e+00 : f32
    %neg3A_46 = vector.broadcast %neg3A_45 : f32 to vector<2048x8xf32>
    %neg3A_47 = arith.subf %neg3A_46, %select_n3A_44 : vector<2048x8xf32>
    %neg3A_48 = arith.constant 0.000000e+00 : f32
    %neg3A_49 = vector.broadcast %neg3A_48 : f32 to vector<2048x8xf32>
    %neg3A_50 = arith.subf %neg3A_49, %dot_general3A_32 : vector<2048x8xf32>
    %neg3A_51 = arith.constant 0.000000e+00 : f32
    %neg3A_52 = vector.broadcast %neg3A_51 : f32 to vector<2048x8xf32>
    %neg3A_53 = arith.subf %neg3A_52, %neg3A_50 : vector<2048x8xf32>
    %custom_jvp_call3A_54 = arith.constant 0.000000e+00 : f32
    %max3A_55 = vector.broadcast %custom_jvp_call3A_54 : f32 to vector<2048x8xf32>
    %max3A_56 = arith.maximumf %neg3A_53, %max3A_55 : vector<2048x8xf32>
    %sub3A_57 = vector.broadcast %custom_jvp_call3A_54 : f32 to vector<2048x8xf32>
    %sub3A_58 = arith.subf %neg3A_53, %sub3A_57 : vector<2048x8xf32>
    %ne3A_59 = arith.cmpf one, %sub3A_58, %sub3A_58 : vector<2048x8xf32>
    %add3A_60 = vector.broadcast %custom_jvp_call3A_54 : f32 to vector<2048x8xf32>
    %add3A_61 = arith.addf %neg3A_53, %add3A_60 : vector<2048x8xf32>
    %abs3A_62 = math.absf %sub3A_58 : vector<2048x8xf32>
    %neg3A_63 = arith.constant 0.000000e+00 : f32
    %neg3A_64 = vector.broadcast %neg3A_63 : f32 to vector<2048x8xf32>
    %neg3A_65 = arith.subf %neg3A_64, %abs3A_62 : vector<2048x8xf32>
    %exp3A_66 = math.exp %neg3A_65 : vector<2048x8xf32>
    %log1p3A_67 = math.log1p %exp3A_66 : vector<2048x8xf32>
    %add3A_68 = arith.addf %max3A_56, %log1p3A_67 : vector<2048x8xf32>
    %select_n3A_69 = arith.select %ne3A_59, %add3A_61, %add3A_68 : vector<2048x8xi1>, vector<2048x8xf32>
    %neg3A_70 = arith.constant 0.000000e+00 : f32
    %neg3A_71 = vector.broadcast %neg3A_70 : f32 to vector<2048x8xf32>
    %neg3A_72 = arith.subf %neg3A_71, %select_n3A_69 : vector<2048x8xf32>
    %add3A_73 = arith.addf %neg3A_47, %neg3A_72 : vector<2048x8xf32>
    %reduce_sum3A = vector.shape_cast %add3A_73 : vector<2048x8xf32> to vector<1x2048x8xf32>
    %reduce_sum3A_74 = arith.constant dense<0.000000e+00> : vector<1xf32>
    %reduce_sum3A_75 = vector.multi_reduction <add>, %reduce_sum3A, %reduce_sum3A_74 [1, 2] : vector<1x2048x8xf32> to vector<1xf32>
    %reduce_sum3A_76 = vector.shape_cast %reduce_sum3A_75 : vector<1xf32> to vector<1x1x1xf32>
    %reduce_sum3A_77 = vector.extract %reduce_sum3A_76[0, 0, 0] : f32 from vector<1x1x1xf32>
    %neg3A_78 = arith.constant 0.000000e+00 : f32
    %neg3A_79 = arith.subf %neg3A_78, %reduce_sum3A_77 : f32
    %div3A_80 = arith.constant 1.638400e+04 : f32
    %div3A_81 = arith.divf %neg3A_79, %div3A_80 : f32
    %reshape3A = vector.broadcast %div3A_81 : f32 to vector<1x1xf32>
    %swap3A = arith.constant 0 : index
    %swap3A_82 = arith.constant 0 : index
    %swap3A_83 = vector.load %arg2[%swap3A, %swap3A_82] : memref<1x1xf32, #tpu.memory_space<vmem>>, vector<1x1xf32>
    tpu.vector_store %arg2[%swap3A, %swap3A_82], %reshape3A {strides = array<i32>} : memref<1x1xf32, #tpu.memory_space<vmem>>, vector<1x1xf32>,
    return
  }
}

</mosaic_0001>

<sc_bundles>
// kernel: kernel.10.cloned.1.call-start
scs
__scs_entry_jumppad:
0x0: {  	(pc) =	sbr.rel $0x88, $3  }
0x1: {  	(tag) =	ssettag $0x0;
	lr =	simm.s32 $0x1  }
0x2: {  	[smem:$0x3F9C] =	sst lr;
	_ =	strace $0xD0000000  }
0x3: {  	_ = 	snop  }
0x4: {  	_ = 	snop  }
0x5: {  	_ = 	snop  }
0x6: {  	_ = 	snop  }
0x7: {  	_ = 	snop  }
__scs_overlays_trampoline_lowered:
0x8: {  	[smem:$0x3FAB] =	sst s0  }
0x9: {  	[smem:$0x3FAC] =	sst s1  }
0xa: {  	[smem:$0x3FAD] =	sst s2  }
0xb: {  	[smem:$0x3FAE] =	sst s3  }
0xc: {  	[smem:$0x3FAF] =	sst s4  }
0xd: {  	[smem:$0x3FB0] =	sst s5  }
0xe: {  	[smem:$0x3FB1] =	sst s6  }
0xf: {  	[smem:$0x3FB2] =	sst s7  }
0x10: {  	[smem:$0x3FB3] =	sst s8  }
0x11: {  	[smem:$0x3FB4] =	sst s9;
	s0 =	simm.s32 @!p0 $0x0  }
0x12: {  	s1 =	sld [smem:$0x3F9A];
	s0 =	simm.s32 @p0 $0x1  }
0x13: {  	[smem:$0x3FB5] =	sst s0;
	s0 =	simm.s32 @!p1 $0x0  }
0x14: {  	s2 =	sld [smem:$0x3F99];
	s0 =	simm.s32 @p1 $0x1  }
0x15: {  	[smem:$0x3FB6] =	sst s0;
	s0 =	simm.s32 @!p2 $0x0  }
0x16: {  	s3 =	sld [smem:$0x3FDB];
	s0 =	simm.s32 @p2 $0x1  }
0x17: {  	s4 =	simm.s32 $0x1BF5;
	[smem:$0x3FB8] =	sst s0  }
0x18: {  	s0 =	sld [smem:$0x3F9B];
	_ =	swait.ge [sflag:s4], $0x0  }
0x19: {  	s7 =	sld [smem:$0x3F9C]  }
0x1a: {  	s8 =	sadd.s32 $0xFFFFE003, lr  }
0x1b: {  	s9 =	sadd.s32 $0xFFFFFEF7, lr;
	s5 =	simm.s32 $0xFFFFFFFF;
	p2 =	slt.u32 s8, $0xFFFFF086  }
0x1c: {  	p1 =	slt.u32 s9, $0xF7A;
	s5 =	simm.s32 @!p2 $0x0  }
0x1d: {  	s5 =	simm.s32 @p1 $0x1;
	p0 =	seq.s32 s7, s2  }
0x1e: {  	s7 =	smul.u32 @!p0 $0xF7A, s2;
	p2 =	seq.s32 @!p0 s5, $0x0  }
0x1f: {  	s9 =	smul.u32 $0xF7A, s1;
	s8 =	simm.s32 @!p0 $0x1BF5;
	p2 =	por !p2, p0  }
0x20: {  	[sflag:s8] =	ssyncset.s32 @!p0 $0xFFFFF086;
	s6 =	sadd.s32 @!p0 s3, s7;
	s7 =	simm.s32 @!p0 $0x108  }
0x21: {  	s3 =	sadd.s32 s3, s9;
	s6 =	sadd.s32 @!p0 $0x88, s6;
	s7 =	simm.s32 @p2 $0x1082  }
0x22: {  	[simem:s7], [sflag:s8] =	dma.local @!p0 [hbm:s6], $0xF7A  }
0x23: {  	s9 =	sor.u32 $0xD0000000, s2;
	s6 =	simm.s32 $0x108;
	_ =	swait.ge @!p0 [sflag:s8], $0x0  }
0x24: {  	s3 =	sadd.s32 $0x88, s3;
	s6 =	simm.s32 @!p1 $0x1082;
	[sflag:s4] =	ssyncset.s32 $0xFFFFF086  }
0x25: {  	[simem:s6], [sflag:s4] =	dma.local [hbm:s3], $0xF7A  }
0x26: {  	[smem:$0x3F9C] =	sst s1;
	(tag) =	ssettag s2;
	_ =	strace s9  }
0x27: {  	s1 =	sld [smem:$0x3FAC]  }
0x28: {  	s2 =	sld [smem:$0x3FAD]  }
0x29: {  	s4 =	sld [smem:$0x3FAF]  }
0x2a: {  	p0 =	seq.s32 s5, $0x0;
	s5 =	sld [smem:$0x3FB0]  }
0x2b: {  	s6 =	sld [smem:$0x3FB1]  }
0x2c: {  	s7 =	sld [smem:$0x3FB2]  }
0x2d: {  	s3 =	simm.s32 $0x108;
	s8 =	sld [smem:$0x3FB3]  }
0x2e: {  	s3 =	simm.s32 @!p0 $0x1082;
	s9 =	sld [smem:$0x3FB4]  }
0x2f: {  	lr =	sadd.s32 s0, s3;
	s0 =	sld [smem:$0x3FAB]  }
0x30: {  	s3 =	sld [smem:$0x3FAE]  }
0x31: {  	[smem:$0x3FB7] =	sst s10  }
0x32: {  	s10 =	sld [smem:$0x3FB5];
	_ =	sdelay $0x3  }
0x33: {  	p0 =	seq.s32 s10, $0x1;
	s10 =	sld [smem:$0x3FB7];
	_ =	sdelay $0x3  }
0x34: {  	[smem:$0x3FB7] =	sst s10  }
0x35: {  	s10 =	sld [smem:$0x3FB6];
	_ =	sdelay $0x3  }
0x36: {  	p1 =	seq.s32 s10, $0x1;
	s10 =	sld [smem:$0x3FB7];
	_ =	sdelay $0x3  }
0x37: {  	[smem:$0x3FB7] =	sst s10  }
0x38: {  	s10 =	sld [smem:$0x3FB8]  }
0x39: {  	_ = 	snop;
	(pc) =	sbr.ind lr, $3  }
0x3a: {  	_ = 	snop  }
0x3b: {  	_ = 	snop  }
0x3c: {  	p2 =	seq.s32 s10, $0x1;
	s10 =	sld [smem:$0x3FB7]  }
0x3d: {  	_ =	shalt  }
0x3e: {  	_ =	shalt  }
0x3f: {  	_ =	shalt  }
0x40: {  	_ =	shalt  }
0x41: {  	_ =	shalt  }
0x42: {  	_ =	shalt  }
0x43: {  	_ =	shalt  }
0x44: {  	_ =	shalt  }
0x45: {  	_ =	shalt  }
0x46: {  	_ =	shalt  }
0x47: {  	_ =	shalt  }
0x48: {  	_ =	shalt  }
0x49: {  	_ =	shalt  }
0x4a: {  	_ =	shalt  }
0x4b: {  	_ =	shalt  }
0x4c: {  	_ =	shalt  }
0x4d: {  	_ =	shalt  }
0x4e: {  	_ =	shalt  }
0x4f: {  	_ =	shalt  }
0x50: {  	_ =	shalt  }
0x51: {  	_ =	shalt  }
0x52: {  	_ =	shalt  }
0x53: {  	_ =	shalt  }
0x54: {  	_ =	shalt  }
0x55: {  	_ =	shalt  }
0x56: {  	_ =	shalt  }
0x57: {  	_ =	shalt  }
0x58: {  	_ =	shalt  }
0x59: {  	_ =	shalt  }
0x5a: {  	_ =	shalt  }
0x5b: {  	_ =	shalt  }
0x5c: {  	_ =	shalt  }
0x5d: {  	_ =	shalt  }
0x5e: {  	_ =	shalt  }
0x5f: {  	_ =	shalt  }
0x60: {  	_ =	shalt  }
0x61: {  	_ =	shalt  }
0x62: {  	_ =	shalt  }
0x63: {  	_ =	shalt  }
0x64: {  	_ =	shalt  }
0x65: {  	_ =	shalt  }
0x66: {  	_ =	shalt  }
0x67: {  	_ =	shalt  }
0x68: {  	_ =	shalt  }
0x69: {  	_ =	shalt  }
0x6a: {  	_ =	shalt  }
0x6b: {  	_ =	shalt  }
0x6c: {  	_ =	shalt  }
0x6d: {  	_ =	shalt  }
0x6e: {  	_ =	shalt  }
0x6f: {  	_ =	shalt  }
0x70: {  	_ =	shalt  }
0x71: {  	_ =	shalt  }
0x72: {  	_ =	shalt  }
0x73: {  	_ =	shalt  }
0x74: {  	_ =	shalt  }
0x75: {  	_ =	shalt  }
0x76: {  	_ =	shalt  }
0x77: {  	_ =	shalt  }
0x78: {  	_ =	shalt  }
0x79: {  	_ =	shalt  }
0x7a: {  	_ =	shalt  }
0x7b: {  	_ =	shalt  }
0x7c: {  	_ =	shalt  }
0x7d: {  	_ =	shalt  }
0x7e: {  	_ =	shalt  }
0x7f: {  	_ =	shalt  }
0x80: {  	_ =	shalt  }
0x81: {  	_ =	shalt  }
0x82: {  	_ =	shalt  }
0x83: {  	_ =	shalt  }
0x84: {  	_ =	shalt  }
0x85: {  	_ =	shalt  }
0x86: {  	_ =	shalt  }
0x87: {  	_ =	shalt  }
.Lfunc_end0:
.L_simem_size_0:
called_computation.1_lowered:
.L_overlay_start_0:
0x88: {  	s2 =	sld [smem:$0x3FD9]  }
0x89: {  	s3 =	sld [smem:$0x3FFE];
	_ =	sdelay $0x1  }
0x8a: {  	s1 =	srdreg.scid  }
0x8b: {  	s0 =	sand.u32 $0x1, s1  }
0x8c: {  	s16 =	sshll.u32 s0, $0xA;
	s2 =	sadd.s32 s3, s2  }
0x8d: {  	s2 =	sadd.s32 s2, s16  }
0x8e: {  	[smem:$0x3FC3] =	sst s2  }
0x8f: {  	_ = 	snop  }
0x90: {  	(tm) =	ssettm $0x1  }
0x91: {  	s17 =	sld [smem:$0x3FFB];
	_ =	sdelay $0x3  }
0x92: {  	_ =	strace s17  }
0x93: {  	s2 =	sld [smem:$0x3FFC];
	_ =	sdelay $0x3  }
0x94: {  	_ =	strace s2  }
0x95: {  	s2 =	sld [smem:$0x3FFD];
	_ =	sdelay $0x3  }
0x96: {  	_ =	strace s2  }
0x97: {  	_ =	strace $0x8FFFFFFF  }
0x98: {  	s18 =	sld [smem:$0x3FDB];
	_ =	sdelay $0x1  }
0x99: {  	s19 =	simm.s32 $_scs_section_size  }
0x9a: {  	s4 =	simm.s32 $_size__tile_overlayer_lowered;
	s5 =	simm.s32 $_tile_overlayer_lowered  }
0x9b: {  	s22 =	simm.s32 $0x1BFF;
	s21 =	sshll.u32 s5, $0x1;
	s2 =	sadd.s32 s19, s18  }
0x9c: {  	s6 =	simm.s32 $0x0;
	s20 =	sshll.u32 s4, $0x1;
	s4 =	sadd.s32 s21, s2  }
0x9d: {  	[timem:s6], [sflag:s22] =	dma.local [hbm:s4], s20  }
0x9e: {  	_ =	swait.ge [sflag:s22], s20  }
0x9f: {  	s3 =	ssub.s32 $0x0, s20;
	[sflag:s22] =	ssyncset.done $0x0  }
0xa0: {  	[sflag:s22] =	ssyncadd.s32 s3;
	_ =	sdelay $0x1  }
0xa1: {  	s23 =	simm.s32 $0x1B8B  }
0xa2: {  	_ =	swait.ge [sflag:s23], $0x1  }
0xa3: {  	[sflag:s23] =	ssyncset.done $0x0  }
0xa4: {  	s25 =	simm.s32 $0x1B8E;
	s24 =	sld [smem:$0x3FFE];
	[sflag:s23] =	ssyncadd.s32 $0xFFFFFFFF  }
0xa5: {  	s26 =	simm.s32 $execute0_lowered;
	[smem:$0x3FD2] =	sst s25  }
0xa6: {  	s4 =	sshll.u32 s26, $0x1;
	_ =	strace $0x80000049;
	[dreg:$0x1] =	wrdreg $0xFFFFFFFF  }
0xa7: {  	s28 =	simm.s32 $_size_execute0_lowered;
	s2 =	sadd.s32 s2, s4;
	[dreg:$0x0] =	wrdreg $0x0  }
0xa8: {  	s4 =	sshll.u32 s28, $0x1;
	[dreg:$0x2] =	wrdreg s2  }
0xa9: {  	[dreg:$0x3] =	wrdreg s4  }
0xaa: {  	[dreg:$0x4] =	wrdreg $0xC0  }
0xab: {  	_ =	task [dreg:s6], $0x5FFFF  }
0xac: {  	[dreg:$0x1] =	wrdreg $0xFFFFFFFF  }
0xad: {  	[dreg:$0x0] =	wrdreg $0x60  }
0xae: {  	[dreg:$0x2] =	wrdreg s24  }
0xaf: {  	[dreg:$0x3] =	wrdreg $0x9  }
0xb0: {  	_ =	task.clear_ibuf [dreg:s6], $0x4FFFF;
	_ =	strace $0x90000049  }
0xb1: {  	s29 =	simm.s32 $0x9;
	_ =	strace $0x8000004B  }
0xb2: {  	_ =	swait.ge [sflag:s29], $0x1  }
0xb3: {  	[sflag:s29] =	ssyncadd.s32 $0xFFFFFFFF  }
0xb4: {  	_ =	strace $0x9000004B  }
0xb5: {  	_ =	sfence  }
0xb6: {  	s30 =	sld [smem:$0x0];
	_ =	sdelay $0x2  }
0xb7: {  	s31 =	sshll.u32 s1, $0xD;
	s1 =	sshrl.u32 s1, $0x2  }
0xb8: {  	s3 =	sand.u32 $0x4000, s31;
	s1 =	sadd.s32 s1, s30  }
0xb9: {  	s0 =	sor.u32 s3, s0;
	s1 =	sshll.u32 s1, $0x11  }
0xba: {  	s0 =	sor.u32 s1, s0  }
0xbb: {  	s0 =	sadd.s32 $0x8F2B, s0  }
0xbc: {  	[sflag:s0] =	ssyncadd.remote.s32 $0x1  }
0xbd: {  	_ =	sfence.sel $0xFFFF  }
0xbe: {  	[dreg:$0x0] =	wrdreg $0xFFFFFFFF;
	(pc) =	sbr.abs _section_cstart, $3  }
0xbf: {  	[dreg:$0x1] =	wrdreg $0xFFFFFFFF  }
0xc0: {  	_ =	task.clear_ibuf [dreg:s6], $0x2FFFF;
	_ =	strace $0x9FFFFFFF  }
0xc1: {  	(tm) =	ssettm $0x7FFFFFFF  }
tec
execute0_lowered:
.L_overlay_start_1:
0x0: {  	(tag) =	ssettag $0x1  }
0x1: {  	s0 =	rddreg [dreg:$0x0]  }
0x2: {  	s1 =	srdreg.scid;
	s3 =	stileid.u32;
	s2 =	simm.s32 $0x0  }
0x3: {  	s29 =	simm.s32 $0x1C00;
	s30 =	simm.s32 $0x2C00;
	s31 =	simm.s32 $0x1  }
0x4: {  	s28 =	simm.s32 $0x3600;
	s1 =	sand.u32 $0x1, s1;
	s3 =	sshll.u32 s3, $0x1  }
0x5: {  	[smem:$0x7FF] =	sst s2;
	s4 =	sadd.s32 $0xB400, s0;
	s5 =	sadd.s32 $0x7AC600, s0  }
0x6: {  	s6 =	sadd.s32 $0x1400, s0;
	s7 =	sadd.s32 $0xF6E800, s0;
	s9 =	sor.u32 s1, s3  }
0x7: {  	_ =	strace $0x8000004A;
	s1 =	ssub.s32 $0x2, s1;
	s3 =	sshll.u32 s9, $0x6  }
0x8: {  	s8 =	sshrl.u32 s1, $0x1;
	s22 =	sshll.u32 s9, $0xC;
	s12 =	sshll.u32 s9, $0xA  }
0x9: {  	s10 =	sadd.s32 s3, s0;
	s3 =	sadd.s32 $0x7CC600, s0;
	s20 =	ssub.s32 s1, s8  }
0xa: {  	s8 =	sshll.u32 s9, $0x9;
	s11 =	sadd.s32 s5, s22;
	s21 =	sadd.s32 $0xF6D800, s10  }
0xb: {  	s14 =	sor.u32 $0x40, s12;
	s10 =	sadd.s32 $0xF6E000, s10;
	[dreg:$0x2] =	wrdreg s21  }
0xc: {  	s23 =	sor.u32 $0x380, s12;
	s1 =	sadd.s32 $0x100, s11;
	[dreg:$0x3] =	wrdreg s10  }
0xd: {  	s25 =	sor.u32 $0x3C0, s12;
	s24 =	sadd.s32 s6, s23;
	[dreg:$0x4] =	wrdreg s1  }
0xe: {  	s22 =	simm.s32 $0x20;
	s26 =	sadd.s32 s6, s25;
	[dreg:$0x5] =	wrdreg s24  }
0xf: {  	s9 =	simm.s32 $0x0;
	s0 =	smax.u32 s20, $0x1;
	[dreg:$0x7] =	wrdreg s26  }
0x10: {  	s20 =	simm.s32 $0x3;
	s1 =	sadd.s32 s7, s23;
	[dreg:$0x9] =	wrdreg s0  }
0x11: {  	s23 =	simm.s32 $0x400;
	s24 =	simm.s32 $0x1400;
	s26 =	simm.s32 $0xC00  }
0x12: {  	s0 =	simm.s32 $0x2;
	[dreg:$0x6] =	wrdreg s1;
	s1 =	sadd.s32 s7, s25  }
0x13: {  	s25 =	simm.s32 $0x2400;
	[dreg:$0x8] =	wrdreg s1;
	s1 =	simm.s32 $0x3400  }
.LBB2_1:
0x14: {  	s10 =	rddreg [dreg:$0x2]  }
0x15: {  	[tilespmem:s2], [sflag:$0x3] =	stream.linear.gather [hbm4b:s10+s2], $0x200, $0x38;
	[tilespmem:$0x3800] =	vst v63  }
0x16: {  	_ =	swait.ge [sflag:s20], $0x200  }
0x17: {  	[sflag:s20] =	ssyncset.done $0x0  }
0x18: {  	s13 =	simm.s32 $0x200;
	s18 =	rddreg [dreg:$0x3];
	[sflag:s20] =	ssyncadd.s32 $0xFFFFFE00  }
0x19: {  	[tilespmem:s13], [sflag:$0x3] =	stream.linear.gather [hbm4b:s18+s2], $0x200, $0x38;
	[tilespmem:$0x3800] =	vst v63  }
0x1a: {  	_ =	swait.ge [sflag:s20], $0x200  }
0x1b: {  	[sflag:s20] =	ssyncset.done $0x0  }
0x1c: {  	[sflag:s20] =	ssyncadd.s32 $0xFFFFFE00  }
0x1d: {  	[tilespmem:s23], [sflag:$0x1] =	stream.indirect.gather [hbm4b:s3+s22], $0x40, s2, s22, $0xb8;
	[tilespmem:$0x3800] =	vst v63  }
0x1e: {  	_ = 	snop  }
0x1f: {  	[tilespmem:s24], [sflag:$0x1] =	stream.indirect.gather [hbm4b:s4+s22], $0x40, s13, s22, $0xb8;
	[tilespmem:$0x3800] =	vst v63  }
0x20: {  	_ = 	snop  }
0x21: {  	[tilespmem:s25], [sflag:$0x1] =	stream.linear.gather [hbm4b:s11+s2], $0x800, $0x38;
	[tilespmem:$0x3800] =	vst v63  }
0x22: {  	_ = 	snop  }
0x23: {  	[tilespmem:s26], [sflag:$0x2] =	stream.indirect.gather [hbm4b:s3+s22], $0x40, s22, s22, $0xb8;
	[tilespmem:$0x3800] =	vst v63  }
0x24: {  	s19 =	simm.s32 $0x220  }
0x25: {  	[tilespmem:s29], [sflag:$0x2] =	stream.indirect.gather [hbm4b:s4+s22], $0x40, s19, s22, $0xb8;
	[tilespmem:$0x3800] =	vst v63  }
0x26: {  	s10 =	simm.s32 $0x0;
	s21 =	rddreg [dreg:$0x4]  }
0x27: {  	[tilespmem:s30], [sflag:$0x2] =	stream.linear.gather [hbm4b:s21+s2], $0x800, $0x38;
	[tilespmem:$0x3800] =	vst v63  }
.LBB2_2:
0x28: {  	_ =	swait.ge [sflag:s31], $0x800  }
0x29: {  	[sflag:s31] =	ssyncset.done $0x0  }
0x2a: {  	[sflag:s31] =	ssyncadd.s32 $0xFFFFF800  }
0x2b: {  	_ =	swait.ge [sflag:s31], $0x800  }
0x2c: {  	[sflag:s31] =	ssyncset.done $0x0  }
0x2d: {  	[sflag:s31] =	ssyncadd.s32 $0xFFFFF800  }
0x2e: {  	_ =	swait.ge [sflag:s31], $0x800  }
0x2f: {  	[sflag:s31] =	ssyncset.done $0x0  }
0x30: {  	s13 =	simm.s32 $0x0;
	[sflag:s31] =	ssyncadd.s32 $0xFFFFF800  }
0x31: {  	v0 =	vld [tilespmem:s13+$0x1430]  }
0x32: {  	v1 =	vld [tilespmem:s13+$0x1420]  }
0x33: {  	v2 =	vld [tilespmem:s13+$0x2400]  }
0x34: {  	v3 =	vld [tilespmem:s13+$0x1400]  }
0x35: {  	v4 =	vld [tilespmem:s13+$0x1410]  }
0x36: {  	v5 =	vld [tilespmem:s13+$0x400]  }
0x37: {  	v6 =	vld [tilespmem:s13+$0x410]  }
0x38: {  	v7 =	vld [tilespmem:s13+$0x2410]  }
0x39: {  	v8 =	vld [tilespmem:s13+$0x420]  }
0x3a: {  	v9 =	vld [tilespmem:s13+$0x2420]  }
0x3b: {  	v10 =	vld [tilespmem:s13+$0x430]  }
0x3c: {  	v11 =	vld [tilespmem:s13+$0x2430];
	v3 =	vmul.f32 v3, v5;
	v4 =	vmul.f32 v4, v6  }
0x3d: {  	v2 =	vmul.f32 v2, v5;
	v5 =	vmul.f32 v7, v6  }
0x3e: {  	v1 =	vmul.f32 v1, v8;
	v3 =	vadd.f32 v4, v3  }
0x3f: {  	v2 =	vadd.f32 v5, v2;
	v4 =	vmul.f32 v9, v8  }
0x40: {  	v0 =	vmul.f32 v0, v10;
	v1 =	vadd.f32 v1, v3  }
0x41: {  	v2 =	vadd.f32 v4, v2;
	v3 =	vmul.f32 v11, v10  }
0x42: {  	v0 =	vadd.f32 v0, v1  }
0x43: {  	s13 =	simm.s32 $0x3400;
	v1 =	vadd.f32 v3, v2  }
0x44: {  	s15 =	simm.s32 $0x3600;
	[tilespmem:s13+$0x0] =	vst v0  }
0x45: {  	s17 =	simm.s32 $0x40;
	[tilespmem:s15+$0x0] =	vst v1  }
0x46: {  	v0 =	vld [tilespmem:s17+$0x1430]  }
0x47: {  	v1 =	vld [tilespmem:s17+$0x1420]  }
0x48: {  	v2 =	vld [tilespmem:s17+$0x2400]  }
0x49: {  	v4 =	vld [tilespmem:s17+$0x1400]  }
0x4a: {  	v6 =	vld [tilespmem:s17+$0x1410]  }
0x4b: {  	v3 =	vld [tilespmem:s17+$0x400]  }
0x4c: {  	s16 =	simm.s32 $0x200;
	v5 =	vld [tilespmem:s17+$0x410]  }
.LBB2_3:
0x4d: {  	p0 =	sne.s32 s16, $0x1F00;
	v7 =	vld [tilespmem:s17+$0x2410]  }
0x4e: {  	v8 =	vld [tilespmem:s17+$0x420]  }
0x4f: {  	v9 =	vld [tilespmem:s17+$0x2420]  }
0x50: {  	v10 =	vld [tilespmem:s17+$0x430]  }
0x51: {  	v4 =	vmul.f32 v4, v3;
	v6 =	vmul.f32 v6, v5;
	v11 =	vld [tilespmem:s17+$0x2430]  }
0x52: {  	v2 =	vmul.f32 v2, v3;
	v3 =	vmul.f32 v7, v5  }
0x53: {  	v4 =	vadd.f32 v6, v4;
	v1 =	vmul.f32 v1, v8  }
0x54: {  	v2 =	vadd.f32 v3, v2;
	v3 =	vmul.f32 v9, v8  }
0x55: {  	v1 =	vadd.f32 v1, v4;
	v0 =	vmul.f32 v0, v10  }
0x56: {  	v2 =	vadd.f32 v3, v2;
	v3 =	vmul.f32 v11, v10  }
0x57: {  	v0 =	vadd.f32 v0, v1  }
0x58: {  	s13 =	sadd.s32 $0x10, s13;
	v1 =	vadd.f32 v3, v2  }
0x59: {  	s15 =	sadd.s32 $0x10, s15;
	[tilespmem:s13+$0x0] =	vst v0  }
0x5a: {  	s17 =	sshra.s32 s16, $0x2;
	[tilespmem:s15+$0x0] =	vst v1  }
0x5b: {  	v0 =	vld [tilespmem:s17+$0x1430]  }
0x5c: {  	v1 =	vld [tilespmem:s17+$0x1420]  }
.Ltmp0:
0x5d: {  	v2 =	vld [tilespmem:s17+$0x2400];
	(pc) =	sbr.rel @p0 .LBB2_3-.Ltmp0, $4  }
0x5e: {  	v4 =	vld [tilespmem:s17+$0x1400]  }
0x5f: {  	v6 =	vld [tilespmem:s17+$0x1410]  }
0x60: {  	v3 =	vld [tilespmem:s17+$0x400]  }
0x61: {  	s16 =	sadd.s32 $0x100, s16;
	v5 =	vld [tilespmem:s17+$0x410]  }
0x62: {  	v7 =	vld [tilespmem:s17+$0x2410]  }
0x63: {  	v8 =	vld [tilespmem:s17+$0x420]  }
0x64: {  	v9 =	vld [tilespmem:s17+$0x2420]  }
0x65: {  	v10 =	vld [tilespmem:s17+$0x430]  }
0x66: {  	v11 =	vld [tilespmem:s17+$0x2430];
	v4 =	vmul.f32 v4, v3;
	v6 =	vmul.f32 v6, v5  }
0x67: {  	v2 =	vmul.f32 v2, v3;
	v3 =	vmul.f32 v7, v5  }
0x68: {  	v1 =	vmul.f32 v1, v8;
	v4 =	vadd.f32 v6, v4  }
0x69: {  	v2 =	vadd.f32 v3, v2;
	v3 =	vmul.f32 v9, v8  }
0x6a: {  	v0 =	vmul.f32 v0, v10;
	v1 =	vadd.f32 v1, v4  }
0x6b: {  	v2 =	vadd.f32 v3, v2;
	v3 =	vmul.f32 v11, v10  }
0x6c: {  	v0 =	vadd.f32 v0, v1  }
0x6d: {  	s16 =	sadd.s32 $0x10, s13;
	s13 =	sshll.u32 s10, $0x7;
	v1 =	vadd.f32 v3, v2  }
0x6e: {  	s15 =	sadd.s32 $0x10, s15;
	s21 =	sor.u32 s12, s13;
	[tilespmem:s16+$0x0] =	vst v0  }
0x6f: {  	s18 =	simm.s32 $0x0;
	s19 =	sadd.s32 s6, s21;
	[tilespmem:s15+$0x0] =	vst v1;
	s15 =	simm.s32 $0x3400  }
0x70: {  	[hbm4b:s19+s18] =	stream.linear.scatter [tilespmem:s15], [sflag:$0x3], $0x200, $0x38;
	[tilespmem:$0x3800] =	vst v63  }
0x71: {  	_ =	swait.ge [sflag:s20], $0x200  }
0x72: {  	[sflag:s20] =	ssyncset.done $0x0  }
0x73: {  	s21 =	sadd.s32 s7, s21;
	s16 =	simm.s32 $0x3600;
	[sflag:s20] =	ssyncadd.s32 $0xFFFFFE00  }
0x74: {  	[hbm4b:s21+s18] =	stream.linear.scatter [tilespmem:s16], [sflag:$0x3], $0x200, $0x38;
	[tilespmem:$0x3800] =	vst v63  }
0x75: {  	_ =	swait.ge [sflag:s20], $0x200  }
0x76: {  	s21 =	sshll.u32 s10, $0x6;
	[sflag:s20] =	ssyncset.done $0x0  }
0x77: {  	s17 =	sadd.s32 $0x40, s21;
	[sflag:s20] =	ssyncadd.s32 $0xFFFFFE00  }
0x78: {  	[tilespmem:s23], [sflag:$0x1] =	stream.indirect.gather [hbm4b:s3+s22], $0x40, s17, s22, $0xb8;
	[tilespmem:$0x3800] =	vst v63  }
0x79: {  	s17 =	sadd.s32 s8, s17  }
0x7a: {  	s19 =	sadd.s32 $0x240, s21;
	s17 =	sshll.u32 s17, $0x3  }
0x7b: {  	[tilespmem:s24], [sflag:$0x1] =	stream.indirect.gather [hbm4b:s4+s22], $0x40, s19, s22, $0xb8;
	[tilespmem:$0x3800] =	vst v63  }
0x7c: {  	s17 =	sand.u32 $0x1FFFFE00, s17  }
0x7d: {  	s17 =	sadd.s32 s5, s17  }
0x7e: {  	[tilespmem:s25], [sflag:$0x1] =	stream.linear.gather [hbm4b:s17+s18], $0x800, $0x38;
	[tilespmem:$0x3800] =	vst v63  }
0x7f: {  	_ =	swait.ge [sflag:s0], $0x800  }
0x80: {  	[sflag:s0] =	ssyncset.done $0x0  }
0x81: {  	[sflag:s0] =	ssyncadd.s32 $0xFFFFF800  }
0x82: {  	_ =	swait.ge [sflag:s0], $0x800  }
0x83: {  	[sflag:s0] =	ssyncset.done $0x0  }
0x84: {  	[sflag:s0] =	ssyncadd.s32 $0xFFFFF800  }
0x85: {  	_ =	swait.ge [sflag:s0], $0x800  }
0x86: {  	[sflag:s0] =	ssyncset.done $0x0  }
0x87: {  	s19 =	simm.s32 $0x0;
	[sflag:s0] =	ssyncadd.s32 $0xFFFFF800  }
0x88: {  	v0 =	vld [tilespmem:s19+$0x1C30]  }
0x89: {  	v1 =	vld [tilespmem:s19+$0x1C20]  }
0x8a: {  	v2 =	vld [tilespmem:s19+$0x2C00]  }
0x8b: {  	v3 =	vld [tilespmem:s19+$0x1C00]  }
0x8c: {  	v4 =	vld [tilespmem:s19+$0x1C10]  }
0x8d: {  	v5 =	vld [tilespmem:s19+$0xC00]  }
0x8e: {  	v6 =	vld [tilespmem:s19+$0xC10]  }
0x8f: {  	v7 =	vld [tilespmem:s19+$0x2C10]  }
0x90: {  	v8 =	vld [tilespmem:s19+$0xC20]  }
0x91: {  	v61 =	vld [tilespmem:s19+$0x2C20]  }
0x92: {  	v62 =	vld [tilespmem:s19+$0xC30]  }
0x93: {  	v63 =	vld [tilespmem:s19+$0x2C30];
	v3 =	vmul.f32 v3, v5;
	v4 =	vmul.f32 v4, v6  }
0x94: {  	v2 =	vmul.f32 v2, v5;
	v5 =	vmul.f32 v7, v6  }
0x95: {  	v1 =	vmul.f32 v1, v8;
	v3 =	vadd.f32 v4, v3  }
0x96: {  	v2 =	vadd.f32 v5, v2;
	v4 =	vmul.f32 v61, v8  }
0x97: {  	v0 =	vmul.f32 v0, v62;
	v1 =	vadd.f32 v1, v3  }
0x98: {  	v2 =	vadd.f32 v4, v2;
	v3 =	vmul.f32 v63, v62  }
0x99: {  	v0 =	vadd.f32 v0, v1  }
0x9a: {  	v1 =	vadd.f32 v3, v2  }
0x9b: {  	[tilespmem:s15+$0x0] =	vst v0  }
0x9c: {  	s18 =	simm.s32 $0x40;
	[tilespmem:s16+$0x0] =	vst v1  }
0x9d: {  	v0 =	vld [tilespmem:s18+$0x1C30]  }
0x9e: {  	v1 =	vld [tilespmem:s18+$0x1C20]  }
0x9f: {  	v2 =	vld [tilespmem:s18+$0x2C00]  }
0xa0: {  	v4 =	vld [tilespmem:s18+$0x1C00]  }
0xa1: {  	v6 =	vld [tilespmem:s18+$0x1C10]  }
0xa2: {  	v3 =	vld [tilespmem:s18+$0xC00]  }
0xa3: {  	s17 =	simm.s32 $0x200;
	v5 =	vld [tilespmem:s18+$0xC10]  }
.LBB2_5:
0xa4: {  	p0 =	sne.s32 s17, $0x1F00;
	v7 =	vld [tilespmem:s18+$0x2C10]  }
0xa5: {  	v8 =	vld [tilespmem:s18+$0xC20]  }
0xa6: {  	v9 =	vld [tilespmem:s18+$0x2C20]  }
0xa7: {  	v10 =	vld [tilespmem:s18+$0xC30]  }
0xa8: {  	v4 =	vmul.f32 v4, v3;
	v6 =	vmul.f32 v6, v5;
	v11 =	vld [tilespmem:s18+$0x2C30]  }
0xa9: {  	v2 =	vmul.f32 v2, v3;
	v3 =	vmul.f32 v7, v5  }
0xaa: {  	v4 =	vadd.f32 v6, v4;
	v1 =	vmul.f32 v1, v8  }
0xab: {  	v2 =	vadd.f32 v3, v2;
	v3 =	vmul.f32 v9, v8  }
0xac: {  	v1 =	vadd.f32 v1, v4;
	v0 =	vmul.f32 v0, v10  }
0xad: {  	v2 =	vadd.f32 v3, v2;
	v3 =	vmul.f32 v11, v10  }
0xae: {  	v0 =	vadd.f32 v0, v1  }
0xaf: {  	s15 =	sadd.s32 $0x10, s15;
	v1 =	vadd.f32 v3, v2  }
0xb0: {  	s16 =	sadd.s32 $0x10, s16;
	[tilespmem:s15+$0x0] =	vst v0  }
0xb1: {  	s18 =	sshra.s32 s17, $0x2;
	[tilespmem:s16+$0x0] =	vst v1  }
0xb2: {  	v0 =	vld [tilespmem:s18+$0x1C30]  }
0xb3: {  	v1 =	vld [tilespmem:s18+$0x1C20]  }
.Ltmp1:
0xb4: {  	v2 =	vld [tilespmem:s18+$0x2C00];
	(pc) =	sbr.rel @p0 .LBB2_5-.Ltmp1, $4  }
0xb5: {  	v4 =	vld [tilespmem:s18+$0x1C00]  }
0xb6: {  	v6 =	vld [tilespmem:s18+$0x1C10]  }
0xb7: {  	v3 =	vld [tilespmem:s18+$0xC00]  }
0xb8: {  	s17 =	sadd.s32 $0x100, s17;
	v5 =	vld [tilespmem:s18+$0xC10]  }
0xb9: {  	v7 =	vld [tilespmem:s18+$0x2C10]  }
0xba: {  	v8 =	vld [tilespmem:s18+$0xC20]  }
0xbb: {  	v9 =	vld [tilespmem:s18+$0x2C20]  }
0xbc: {  	v10 =	vld [tilespmem:s18+$0xC30]  }
0xbd: {  	v11 =	vld [tilespmem:s18+$0x2C30];
	v4 =	vmul.f32 v4, v3;
	v6 =	vmul.f32 v6, v5  }
0xbe: {  	v2 =	vmul.f32 v2, v3;
	v60 =	vmul.f32 v7, v5  }
0xbf: {  	v1 =	vmul.f32 v1, v8;
	v4 =	vadd.f32 v6, v4  }
0xc0: {  	v61 =	vmul.f32 v9, v8;
	v2 =	vadd.f32 v60, v2  }
0xc1: {  	v0 =	vmul.f32 v0, v10;
	v1 =	vadd.f32 v1, v4  }
0xc2: {  	v62 =	vmul.f32 v11, v10;
	v2 =	vadd.f32 v61, v2  }
0xc3: {  	v0 =	vadd.f32 v0, v1  }
0xc4: {  	s15 =	sadd.s32 $0x10, s15;
	v63 =	vadd.f32 v62, v2  }
0xc5: {  	s17 =	sadd.s32 $0x10, s16;
	s13 =	sor.u32 s14, s13;
	[tilespmem:s15+$0x0] =	vst v0  }
0xc6: {  	s18 =	sadd.s32 s6, s13;
	[tilespmem:s17+$0x0] =	vst v63  }
0xc7: {  	[hbm4b:s18+s2] =	stream.linear.scatter [tilespmem:s1], [sflag:$0x3], $0x200, $0x38;
	[tilespmem:$0x3800] =	vst v63  }
0xc8: {  	_ =	swait.ge [sflag:s20], $0x200  }
0xc9: {  	[sflag:s20] =	ssyncset.done $0x0  }
0xca: {  	s13 =	sadd.s32 s7, s13;
	[sflag:s20] =	ssyncadd.s32 $0xFFFFFE00  }
0xcb: {  	[hbm4b:s13+s2] =	stream.linear.scatter [tilespmem:s28], [sflag:$0x3], $0x200, $0x38;
	[tilespmem:$0x3800] =	vst v63  }
0xcc: {  	_ =	swait.ge [sflag:s20], $0x200  }
0xcd: {  	s19 =	sadd.s32 $0x60, s21;
	s10 =	sadd.s32 $0x1, s10;
	[sflag:s20] =	ssyncset.done $0x0  }
0xce: {  	p0 =	sne.s32 s10, $0x7;
	s13 =	sadd.s32 s8, s19;
	[sflag:s20] =	ssyncadd.s32 $0xFFFFFE00  }
0xcf: {  	[tilespmem:s26], [sflag:$0x2] =	stream.indirect.gather [hbm4b:s3+s22], $0x40, s19, s22, $0xb8;
	[tilespmem:$0x3800] =	vst v63  }
.Ltmp2:
0xd0: {  	s13 =	sshll.u32 s13, $0x3;
	(pc) =	sbr.rel @p0 .LBB2_2-.Ltmp2, $4  }
0xd1: {  	s21 =	sadd.s32 $0x260, s21;
	s13 =	sand.u32 $0x1FFFFF00, s13  }
0xd2: {  	[tilespmem:s29], [sflag:$0x2] =	stream.indirect.gather [hbm4b:s4+s22], $0x40, s21, s22, $0xb8;
	[tilespmem:$0x3800] =	vst v63  }
0xd3: {  	s13 =	sadd.s32 s5, s13  }
0xd4: {  	[tilespmem:s30], [sflag:$0x2] =	stream.linear.gather [hbm4b:s13+s2], $0x800, $0x38;
	[tilespmem:$0x3800] =	vst v63  }
0xd5: {  	_ =	swait.ge [sflag:s31], $0x800  }
0xd6: {  	[sflag:s31] =	ssyncset.done $0x0  }
0xd7: {  	[sflag:s31] =	ssyncadd.s32 $0xFFFFF800  }
0xd8: {  	_ =	swait.ge [sflag:s31], $0x800  }
0xd9: {  	[sflag:s31] =	ssyncset.done $0x0  }
0xda: {  	[sflag:s31] =	ssyncadd.s32 $0xFFFFF800  }
0xdb: {  	_ =	swait.ge [sflag:s31], $0x800  }
0xdc: {  	[sflag:s31] =	ssyncset.done $0x0  }
0xdd: {  	s10 =	simm.s32 $0x0;
	[sflag:s31] =	ssyncadd.s32 $0xFFFFF800  }
0xde: {  	v0 =	vld [tilespmem:s10+$0x1430]  }
0xdf: {  	v1 =	vld [tilespmem:s10+$0x1420]  }
0xe0: {  	v2 =	vld [tilespmem:s10+$0x2400]  }
0xe1: {  	v3 =	vld [tilespmem:s10+$0x1400]  }
0xe2: {  	v4 =	vld [tilespmem:s10+$0x1410]  }
0xe3: {  	v5 =	vld [tilespmem:s10+$0x400]  }
0xe4: {  	v6 =	vld [tilespmem:s10+$0x410]  }
0xe5: {  	v7 =	vld [tilespmem:s10+$0x2410]  }
0xe6: {  	v8 =	vld [tilespmem:s10+$0x420]  }
0xe7: {  	v9 =	vld [tilespmem:s10+$0x2420]  }
0xe8: {  	v10 =	vld [tilespmem:s10+$0x430]  }
0xe9: {  	v11 =	vld [tilespmem:s10+$0x2430];
	v3 =	vmul.f32 v3, v5;
	v4 =	vmul.f32 v4, v6  }
0xea: {  	v2 =	vmul.f32 v2, v5;
	v5 =	vmul.f32 v7, v6  }
0xeb: {  	v1 =	vmul.f32 v1, v8;
	v3 =	vadd.f32 v4, v3  }
0xec: {  	v2 =	vadd.f32 v5, v2;
	v4 =	vmul.f32 v9, v8  }
0xed: {  	v0 =	vmul.f32 v0, v10;
	v1 =	vadd.f32 v1, v3  }
0xee: {  	v2 =	vadd.f32 v4, v2;
	v3 =	vmul.f32 v11, v10  }
0xef: {  	v0 =	vadd.f32 v0, v1  }
0xf0: {  	s10 =	simm.s32 $0x3400;
	v1 =	vadd.f32 v3, v2  }
0xf1: {  	s13 =	simm.s32 $0x3600;
	[tilespmem:s10+$0x0] =	vst v0  }
0xf2: {  	s16 =	simm.s32 $0x40;
	[tilespmem:s13+$0x0] =	vst v1  }
0xf3: {  	v0 =	vld [tilespmem:s16+$0x1430]  }
0xf4: {  	v1 =	vld [tilespmem:s16+$0x1420]  }
0xf5: {  	v2 =	vld [tilespmem:s16+$0x2400]  }
0xf6: {  	v4 =	vld [tilespmem:s16+$0x1400]  }
0xf7: {  	v6 =	vld [tilespmem:s16+$0x1410]  }
0xf8: {  	v3 =	vld [tilespmem:s16+$0x400]  }
0xf9: {  	s15 =	simm.s32 $0x200;
	v5 =	vld [tilespmem:s16+$0x410]  }
.LBB2_8:
0xfa: {  	p0 =	sne.s32 s15, $0x1F00;
	v7 =	vld [tilespmem:s16+$0x2410]  }
0xfb: {  	v8 =	vld [tilespmem:s16+$0x420]  }
0xfc: {  	v9 =	vld [tilespmem:s16+$0x2420]  }
0xfd: {  	v10 =	vld [tilespmem:s16+$0x430]  }
0xfe: {  	v4 =	vmul.f32 v4, v3;
	v6 =	vmul.f32 v6, v5;
	v11 =	vld [tilespmem:s16+$0x2430]  }
0xff: {  	v2 =	vmul.f32 v2, v3;
	v3 =	vmul.f32 v7, v5  }
0x100: {  	v4 =	vadd.f32 v6, v4;
	v1 =	vmul.f32 v1, v8  }
0x101: {  	v2 =	vadd.f32 v3, v2;
	v3 =	vmul.f32 v9, v8  }
0x102: {  	v1 =	vadd.f32 v1, v4;
	v0 =	vmul.f32 v0, v10  }
0x103: {  	v2 =	vadd.f32 v3, v2;
	v3 =	vmul.f32 v11, v10  }
0x104: {  	v0 =	vadd.f32 v0, v1  }
0x105: {  	s10 =	sadd.s32 $0x10, s10;
	v1 =	vadd.f32 v3, v2  }
0x106: {  	s13 =	sadd.s32 $0x10, s13;
	[tilespmem:s10+$0x0] =	vst v0  }
0x107: {  	s16 =	sshra.s32 s15, $0x2;
	[tilespmem:s13+$0x0] =	vst v1  }
0x108: {  	v0 =	vld [tilespmem:s16+$0x1430]  }
0x109: {  	v1 =	vld [tilespmem:s16+$0x1420]  }
.Ltmp3:
0x10a: {  	v2 =	vld [tilespmem:s16+$0x2400];
	(pc) =	sbr.rel @p0 .LBB2_8-.Ltmp3, $4  }
0x10b: {  	v4 =	vld [tilespmem:s16+$0x1400]  }
0x10c: {  	v6 =	vld [tilespmem:s16+$0x1410]  }
0x10d: {  	v3 =	vld [tilespmem:s16+$0x400]  }
0x10e: {  	s15 =	sadd.s32 $0x100, s15;
	v5 =	vld [tilespmem:s16+$0x410]  }
0x10f: {  	v7 =	vld [tilespmem:s16+$0x2410]  }
0x110: {  	v8 =	vld [tilespmem:s16+$0x420]  }
0x111: {  	v9 =	vld [tilespmem:s16+$0x2420]  }
0x112: {  	v10 =	vld [tilespmem:s16+$0x430]  }
0x113: {  	v11 =	vld [tilespmem:s16+$0x2430];
	v4 =	vmul.f32 v4, v3;
	v6 =	vmul.f32 v6, v5  }
0x114: {  	v2 =	vmul.f32 v2, v3;
	v3 =	vmul.f32 v7, v5  }
0x115: {  	v1 =	vmul.f32 v1, v8;
	v4 =	vadd.f32 v6, v4  }
0x116: {  	v2 =	vadd.f32 v3, v2;
	v3 =	vmul.f32 v9, v8  }
0x117: {  	v0 =	vmul.f32 v0, v10;
	v1 =	vadd.f32 v1, v4  }
0x118: {  	v2 =	vadd.f32 v3, v2;
	v3 =	vmul.f32 v11, v10  }
0x119: {  	v0 =	vadd.f32 v0, v1  }
0x11a: {  	s10 =	sadd.s32 $0x10, s10;
	v1 =	vadd.f32 v3, v2  }
0x11b: {  	s17 =	sadd.s32 $0x10, s13;
	[tilespmem:s10+$0x0] =	vst v0  }
0x11c: {  	s15 =	simm.s32 $0x0;
	s18 =	rddreg [dreg:$0x5];
	s10 =	simm.s32 $0x3400;
	[tilespmem:s17+$0x0] =	vst v1  }
0x11d: {  	[hbm4b:s18+s15] =	stream.linear.scatter [tilespmem:s10], [sflag:$0x3], $0x200, $0x38;
	[tilespmem:$0x3800] =	vst v63  }
0x11e: {  	_ =	swait.ge [sflag:s20], $0x200  }
0x11f: {  	[sflag:s20] =	ssyncset.done $0x0  }
0x120: {  	s13 =	simm.s32 $0x3600;
	s19 =	rddreg [dreg:$0x6];
	[sflag:s20] =	ssyncadd.s32 $0xFFFFFE00  }
0x121: {  	[hbm4b:s19+s15] =	stream.linear.scatter [tilespmem:s13], [sflag:$0x3], $0x200, $0x38;
	[tilespmem:$0x3800] =	vst v63  }
0x122: {  	_ =	swait.ge [sflag:s20], $0x200  }
0x123: {  	[sflag:s20] =	ssyncset.done $0x0  }
0x124: {  	[sflag:s20] =	ssyncadd.s32 $0xFFFFFE00  }
0x125: {  	_ =	swait.ge [sflag:s0], $0x800  }
0x126: {  	[sflag:s0] =	ssyncset.done $0x0  }
0x127: {  	[sflag:s0] =	ssyncadd.s32 $0xFFFFF800  }
0x128: {  	_ =	swait.ge [sflag:s0], $0x800  }
0x129: {  	[sflag:s0] =	ssyncset.done $0x0  }
0x12a: {  	[sflag:s0] =	ssyncadd.s32 $0xFFFFF800  }
0x12b: {  	_ =	swait.ge [sflag:s0], $0x800  }
0x12c: {  	[sflag:s0] =	ssyncset.done $0x0  }
0x12d: {  	s21 =	simm.s32 $0x0;
	[sflag:s0] =	ssyncadd.s32 $0xFFFFF800  }
0x12e: {  	v0 =	vld [tilespmem:s21+$0x1C30]  }
0x12f: {  	v1 =	vld [tilespmem:s21+$0x1C20]  }
0x130: {  	v2 =	vld [tilespmem:s21+$0x2C00]  }
0x131: {  	v3 =	vld [tilespmem:s21+$0x1C00]  }
0x132: {  	v4 =	vld [tilespmem:s21+$0x1C10]  }
0x133: {  	v5 =	vld [tilespmem:s21+$0xC00]  }
0x134: {  	v6 =	vld [tilespmem:s21+$0xC10]  }
0x135: {  	v7 =	vld [tilespmem:s21+$0x2C10]  }
0x136: {  	v8 =	vld [tilespmem:s21+$0xC20]  }
0x137: {  	v61 =	vld [tilespmem:s21+$0x2C20]  }
0x138: {  	v62 =	vld [tilespmem:s21+$0xC30]  }
0x139: {  	v63 =	vld [tilespmem:s21+$0x2C30];
	v3 =	vmul.f32 v3, v5;
	v4 =	vmul.f32 v4, v6  }
0x13a: {  	v2 =	vmul.f32 v2, v5;
	v5 =	vmul.f32 v7, v6  }
0x13b: {  	v1 =	vmul.f32 v1, v8;
	v3 =	vadd.f32 v4, v3  }
0x13c: {  	v2 =	vadd.f32 v5, v2;
	v4 =	vmul.f32 v61, v8  }
0x13d: {  	v0 =	vmul.f32 v0, v62;
	v1 =	vadd.f32 v1, v3  }
0x13e: {  	v2 =	vadd.f32 v4, v2;
	v3 =	vmul.f32 v63, v62  }
0x13f: {  	v0 =	vadd.f32 v0, v1  }
0x140: {  	v1 =	vadd.f32 v3, v2  }
0x141: {  	[tilespmem:s10+$0x0] =	vst v0  }
0x142: {  	s16 =	simm.s32 $0x40;
	[tilespmem:s13+$0x0] =	vst v1  }
0x143: {  	v0 =	vld [tilespmem:s16+$0x1C30]  }
0x144: {  	v1 =	vld [tilespmem:s16+$0x1C20]  }
0x145: {  	v2 =	vld [tilespmem:s16+$0x2C00]  }
0x146: {  	v4 =	vld [tilespmem:s16+$0x1C00]  }
0x147: {  	v6 =	vld [tilespmem:s16+$0x1C10]  }
0x148: {  	v3 =	vld [tilespmem:s16+$0xC00]  }
0x149: {  	s15 =	simm.s32 $0x200;
	v5 =	vld [tilespmem:s16+$0xC10]  }
.LBB2_10:
0x14a: {  	p0 =	sne.s32 s15, $0x1F00;
	v7 =	vld [tilespmem:s16+$0x2C10]  }
0x14b: {  	v8 =	vld [tilespmem:s16+$0xC20]  }
0x14c: {  	v9 =	vld [tilespmem:s16+$0x2C20]  }
0x14d: {  	v10 =	vld [tilespmem:s16+$0xC30]  }
0x14e: {  	v4 =	vmul.f32 v4, v3;
	v6 =	vmul.f32 v6, v5;
	v11 =	vld [tilespmem:s16+$0x2C30]  }
0x14f: {  	v2 =	vmul.f32 v2, v3;
	v3 =	vmul.f32 v7, v5  }
0x150: {  	v4 =	vadd.f32 v6, v4;
	v1 =	vmul.f32 v1, v8  }
0x151: {  	v2 =	vadd.f32 v3, v2;
	v3 =	vmul.f32 v9, v8  }
0x152: {  	v1 =	vadd.f32 v1, v4;
	v0 =	vmul.f32 v0, v10  }
0x153: {  	v2 =	vadd.f32 v3, v2;
	v3 =	vmul.f32 v11, v10  }
0x154: {  	v0 =	vadd.f32 v0, v1  }
0x155: {  	s10 =	sadd.s32 $0x10, s10;
	v1 =	vadd.f32 v3, v2  }
0x156: {  	s13 =	sadd.s32 $0x10, s13;
	[tilespmem:s10+$0x0] =	vst v0  }
0x157: {  	s16 =	sshra.s32 s15, $0x2;
	[tilespmem:s13+$0x0] =	vst v1  }
0x158: {  	v0 =	vld [tilespmem:s16+$0x1C30]  }
0x159: {  	v1 =	vld [tilespmem:s16+$0x1C20]  }
.Ltmp4:
0x15a: {  	v2 =	vld [tilespmem:s16+$0x2C00];
	(pc) =	sbr.rel @p0 .LBB2_10-.Ltmp4, $4  }
0x15b: {  	v4 =	vld [tilespmem:s16+$0x1C00]  }
0x15c: {  	v6 =	vld [tilespmem:s16+$0x1C10]  }
0x15d: {  	v3 =	vld [tilespmem:s16+$0xC00]  }
0x15e: {  	s15 =	sadd.s32 $0x100, s15;
	v5 =	vld [tilespmem:s16+$0xC10]  }
0x15f: {  	v7 =	vld [tilespmem:s16+$0x2C10]  }
0x160: {  	v8 =	vld [tilespmem:s16+$0xC20]  }
0x161: {  	v9 =	vld [tilespmem:s16+$0x2C20]  }
0x162: {  	v10 =	vld [tilespmem:s16+$0xC30]  }
0x163: {  	v11 =	vld [tilespmem:s16+$0x2C30];
	v4 =	vmul.f32 v4, v3;
	v6 =	vmul.f32 v6, v5  }
0x164: {  	v2 =	vmul.f32 v2, v3;
	v60 =	vmul.f32 v7, v5  }
0x165: {  	v1 =	vmul.f32 v1, v8;
	v4 =	vadd.f32 v6, v4  }
0x166: {  	v61 =	vmul.f32 v9, v8;
	v2 =	vadd.f32 v60, v2  }
0x167: {  	v0 =	vmul.f32 v0, v10;
	v1 =	vadd.f32 v1, v4  }
0x168: {  	v62 =	vmul.f32 v11, v10;
	v2 =	vadd.f32 v61, v2  }
0x169: {  	v0 =	vadd.f32 v0, v1  }
0x16a: {  	s10 =	sadd.s32 $0x10, s10;
	v63 =	vadd.f32 v62, v2  }
0x16b: {  	s17 =	sadd.s32 $0x10, s13;
	[tilespmem:s10+$0x0] =	vst v0  }
0x16c: {  	s18 =	rddreg [dreg:$0x7];
	[tilespmem:s17+$0x0] =	vst v63  }
0x16d: {  	[hbm4b:s18+s2] =	stream.linear.scatter [tilespmem:s1], [sflag:$0x3], $0x200, $0x38;
	[tilespmem:$0x3800] =	vst v63  }
0x16e: {  	_ =	swait.ge [sflag:s20], $0x200  }
0x16f: {  	[sflag:s20] =	ssyncset.done $0x0  }
0x170: {  	s19 =	rddreg [dreg:$0x8];
	[sflag:s20] =	ssyncadd.s32 $0xFFFFFE00  }
0x171: {  	[hbm4b:s19+s2] =	stream.linear.scatter [tilespmem:s28], [sflag:$0x3], $0x200, $0x38;
	[tilespmem:$0x3800] =	vst v63  }
0x172: {  	_ =	swait.ge [sflag:s20], $0x200  }
0x173: {  	s9 =	sadd.s32 $0x1, s9;
	s21 =	rddreg [dreg:$0x9]  }
0x174: {  	p0 =	sne.s32 s9, s21  }
.Ltmp5:
0x175: {  	_ = 	snop;
	(pc) =	sbr.rel @p0 .LBB2_1-.Ltmp5, $3  }
0x176: {  	_ =	sdelay $0x1  }
0x177: {  	[sflag:s20] =	ssyncset.done $0x0  }
0x178: {  	[sflag:s20] =	ssyncadd.s32 $0xFFFFFE00  }
0x179: {  	_ =	sfence.sel $0x180000  }
0x17a: {  	[bflag:$0x0] =	sbarrier.arrive $0xFFFF  }
0x17b: {  	_ =	strace $0x9000004A  }
0x17c: {  	s0 =	stileid.u32;
	[bflag:$0x2] =	sbarrier.arrive $0xFFFF  }
0x17d: {  	p0 =	sne.s32 s0, $0x0;
	s0 =	rddreg [dreg:$0x1]  }
0x17e: {  	s0 =	sadd.s32 @!p0 $0x100000, s0  }
0x17f: {  	[sflag:s0] =	ssyncadd.tile.s32 @!p0 $0x1;
	_ =	shalt  }
.Lfunc_end2:
_tile_overlayer_lowered:
.L_overlay_start_2:
0x180: {  	(tag) =	ssettag $0x2  }
0x181: {  	s0 =	rddreg [dreg:$0x0];
	s2 =	stileid.u32  }
0x182: {  	s1 =	rddreg [dreg:$0x1];
	p0 =	sne.s32 s2, $0x0  }
0x183: {  	s3 =	rddreg [dreg:$0x2];
	[bflag:$0x3] =	sbarrier.arrive $0xFFFF;
	s2 =	simm.s32 @!p0 $0x1C03  }
0x184: {  	[timem:s3], [sflag:s2] =	dma.local @!p0 [hbm:s0], s1  }
0x185: {  	s0 =	simm.s32 @!p0 $0x3  }
0x186: {  	_ =	swait.ge @!p0 [sflag:s0], s1  }
0x187: {  	s1 =	ssub.s32 @!p0 $0x0, s1;
	[sflag:s0] =	ssyncset.done @!p0 $0x0  }
0x188: {  	[sflag:s0] =	ssyncadd.s32 @!p0 s1  }
0x189: {  	[bflag:$0x3] =	sbarrier.arrive $0xFFFF  }
0x18a: {  	_ =	shalt  }

// kernel: kernel.7.cloned.1.call-start
scs
__scs_entry_jumppad:
0x0: {  	(pc) =	sbr.rel $0x88, $3  }
0x1: {  	(tag) =	ssettag $0x0;
	lr =	simm.s32 $0x1  }
0x2: {  	[smem:$0x3F9C] =	sst lr;
	_ =	strace $0xD0000000  }
0x3: {  	_ = 	snop  }
0x4: {  	_ = 	snop  }
0x5: {  	_ = 	snop  }
0x6: {  	_ = 	snop  }
0x7: {  	_ = 	snop  }
__scs_overlays_trampoline_lowered:
0x8: {  	[smem:$0x3FAB] =	sst s0  }
0x9: {  	[smem:$0x3FAC] =	sst s1  }
0xa: {  	[smem:$0x3FAD] =	sst s2  }
0xb: {  	[smem:$0x3FAE] =	sst s3  }
0xc: {  	[smem:$0x3FAF] =	sst s4  }
0xd: {  	[smem:$0x3FB0] =	sst s5  }
0xe: {  	[smem:$0x3FB1] =	sst s6  }
0xf: {  	[smem:$0x3FB2] =	sst s7  }
0x10: {  	[smem:$0x3FB3] =	sst s8  }
0x11: {  	[smem:$0x3FB4] =	sst s9;
	s0 =	simm.s32 @!p0 $0x0  }
0x12: {  	s1 =	sld [smem:$0x3F9A];
	s0 =	simm.s32 @p0 $0x1  }
0x13: {  	[smem:$0x3FB5] =	sst s0;
	s0 =	simm.s32 @!p1 $0x0  }
0x14: {  	s2 =	sld [smem:$0x3F99];
	s0 =	simm.s32 @p1 $0x1  }
0x15: {  	[smem:$0x3FB6] =	sst s0;
	s0 =	simm.s32 @!p2 $0x0  }
0x16: {  	s3 =	sld [smem:$0x3FDB];
	s0 =	simm.s32 @p2 $0x1  }
0x17: {  	s4 =	simm.s32 $0x1BF5;
	[smem:$0x3FB8] =	sst s0  }
0x18: {  	s0 =	sld [smem:$0x3F9B];
	_ =	swait.ge [sflag:s4], $0x0  }
0x19: {  	s7 =	sld [smem:$0x3F9C]  }
0x1a: {  	s8 =	sadd.s32 $0xFFFFE003, lr  }
0x1b: {  	s9 =	sadd.s32 $0xFFFFFEF7, lr;
	s5 =	simm.s32 $0xFFFFFFFF;
	p2 =	slt.u32 s8, $0xFFFFF086  }
0x1c: {  	p1 =	slt.u32 s9, $0xF7A;
	s5 =	simm.s32 @!p2 $0x0  }
0x1d: {  	s5 =	simm.s32 @p1 $0x1;
	p0 =	seq.s32 s7, s2  }
0x1e: {  	s7 =	smul.u32 @!p0 $0xF7A, s2;
	p2 =	seq.s32 @!p0 s5, $0x0  }
0x1f: {  	s9 =	smul.u32 $0xF7A, s1;
	s8 =	simm.s32 @!p0 $0x1BF5;
	p2 =	por !p2, p0  }
0x20: {  	[sflag:s8] =	ssyncset.s32 @!p0 $0xFFFFF086;
	s6 =	sadd.s32 @!p0 s3, s7;
	s7 =	simm.s32 @!p0 $0x108  }
0x21: {  	s3 =	sadd.s32 s3, s9;
	s6 =	sadd.s32 @!p0 $0x88, s6;
	s7 =	simm.s32 @p2 $0x1082  }
0x22: {  	[simem:s7], [sflag:s8] =	dma.local @!p0 [hbm:s6], $0xF7A  }
0x23: {  	s9 =	sor.u32 $0xD0000000, s2;
	s6 =	simm.s32 $0x108;
	_ =	swait.ge @!p0 [sflag:s8], $0x0  }
0x24: {  	s3 =	sadd.s32 $0x88, s3;
	s6 =	simm.s32 @!p1 $0x1082;
	[sflag:s4] =	ssyncset.s32 $0xFFFFF086  }
0x25: {  	[simem:s6], [sflag:s4] =	dma.local [hbm:s3], $0xF7A  }
0x26: {  	[smem:$0x3F9C] =	sst s1;
	(tag) =	ssettag s2;
	_ =	strace s9  }
0x27: {  	s1 =	sld [smem:$0x3FAC]  }
0x28: {  	s2 =	sld [smem:$0x3FAD]  }
0x29: {  	s4 =	sld [smem:$0x3FAF]  }
0x2a: {  	p0 =	seq.s32 s5, $0x0;
	s5 =	sld [smem:$0x3FB0]  }
0x2b: {  	s6 =	sld [smem:$0x3FB1]  }
0x2c: {  	s7 =	sld [smem:$0x3FB2]  }
0x2d: {  	s3 =	simm.s32 $0x108;
	s8 =	sld [smem:$0x3FB3]  }
0x2e: {  	s3 =	simm.s32 @!p0 $0x1082;
	s9 =	sld [smem:$0x3FB4]  }
0x2f: {  	lr =	sadd.s32 s0, s3;
	s0 =	sld [smem:$0x3FAB]  }
0x30: {  	s3 =	sld [smem:$0x3FAE]  }
0x31: {  	[smem:$0x3FB7] =	sst s10  }
0x32: {  	s10 =	sld [smem:$0x3FB5];
	_ =	sdelay $0x3  }
0x33: {  	p0 =	seq.s32 s10, $0x1;
	s10 =	sld [smem:$0x3FB7];
	_ =	sdelay $0x3  }
0x34: {  	[smem:$0x3FB7] =	sst s10  }
0x35: {  	s10 =	sld [smem:$0x3FB6];
	_ =	sdelay $0x3  }
0x36: {  	p1 =	seq.s32 s10, $0x1;
	s10 =	sld [smem:$0x3FB7];
	_ =	sdelay $0x3  }
0x37: {  	[smem:$0x3FB7] =	sst s10  }
0x38: {  	s10 =	sld [smem:$0x3FB8]  }
0x39: {  	_ = 	snop;
	(pc) =	sbr.ind lr, $3  }
0x3a: {  	_ = 	snop  }
0x3b: {  	_ = 	snop  }
0x3c: {  	p2 =	seq.s32 s10, $0x1;
	s10 =	sld [smem:$0x3FB7]  }
0x3d: {  	_ =	shalt  }
0x3e: {  	_ =	shalt  }
0x3f: {  	_ =	shalt  }
0x40: {  	_ =	shalt  }
0x41: {  	_ =	shalt  }
0x42: {  	_ =	shalt  }
0x43: {  	_ =	shalt  }
0x44: {  	_ =	shalt  }
0x45: {  	_ =	shalt  }
0x46: {  	_ =	shalt  }
0x47: {  	_ =	shalt  }
0x48: {  	_ =	shalt  }
0x49: {  	_ =	shalt  }
0x4a: {  	_ =	shalt  }
0x4b: {  	_ =	shalt  }
0x4c: {  	_ =	shalt  }
0x4d: {  	_ =	shalt  }
0x4e: {  	_ =	shalt  }
0x4f: {  	_ =	shalt  }
0x50: {  	_ =	shalt  }
0x51: {  	_ =	shalt  }
0x52: {  	_ =	shalt  }
0x53: {  	_ =	shalt  }
0x54: {  	_ =	shalt  }
0x55: {  	_ =	shalt  }
0x56: {  	_ =	shalt  }
0x57: {  	_ =	shalt  }
0x58: {  	_ =	shalt  }
0x59: {  	_ =	shalt  }
0x5a: {  	_ =	shalt  }
0x5b: {  	_ =	shalt  }
0x5c: {  	_ =	shalt  }
0x5d: {  	_ =	shalt  }
0x5e: {  	_ =	shalt  }
0x5f: {  	_ =	shalt  }
0x60: {  	_ =	shalt  }
0x61: {  	_ =	shalt  }
0x62: {  	_ =	shalt  }
0x63: {  	_ =	shalt  }
0x64: {  	_ =	shalt  }
0x65: {  	_ =	shalt  }
0x66: {  	_ =	shalt  }
0x67: {  	_ =	shalt  }
0x68: {  	_ =	shalt  }
0x69: {  	_ =	shalt  }
0x6a: {  	_ =	shalt  }
0x6b: {  	_ =	shalt  }
0x6c: {  	_ =	shalt  }
0x6d: {  	_ =	shalt  }
0x6e: {  	_ =	shalt  }
0x6f: {  	_ =	shalt  }
0x70: {  	_ =	shalt  }
0x71: {  	_ =	shalt  }
0x72: {  	_ =	shalt  }
0x73: {  	_ =	shalt  }
0x74: {  	_ =	shalt  }
0x75: {  	_ =	shalt  }
0x76: {  	_ =	shalt  }
0x77: {  	_ =	shalt  }
0x78: {  	_ =	shalt  }
0x79: {  	_ =	shalt  }
0x7a: {  	_ =	shalt  }
0x7b: {  	_ =	shalt  }
0x7c: {  	_ =	shalt  }
0x7d: {  	_ =	shalt  }
0x7e: {  	_ =	shalt  }
0x7f: {  	_ =	shalt  }
0x80: {  	_ =	shalt  }
0x81: {  	_ =	shalt  }
0x82: {  	_ =	shalt  }
0x83: {  	_ =	shalt  }
0x84: {  	_ =	shalt  }
0x85: {  	_ =	shalt  }
0x86: {  	_ =	shalt  }
0x87: {  	_ =	shalt  }
.Lfunc_end0:
.L_simem_size_0:
called_computation_lowered:
.L_overlay_start_0:
0x88: {  	s2 =	sld [smem:$0x3FD9]  }
0x89: {  	s3 =	sld [smem:$0x3FFE];
	_ =	sdelay $0x1  }
0x8a: {  	s1 =	srdreg.scid  }
0x8b: {  	s0 =	sand.u32 $0x1, s1  }
0x8c: {  	s16 =	sshll.u32 s0, $0xA;
	s2 =	sadd.s32 s3, s2  }
0x8d: {  	s2 =	sadd.s32 s2, s16  }
0x8e: {  	[smem:$0x3FC3] =	sst s2  }
0x8f: {  	_ = 	snop  }
0x90: {  	(tm) =	ssettm $0x1  }
0x91: {  	s17 =	sld [smem:$0x3FFB];
	_ =	sdelay $0x3  }
0x92: {  	_ =	strace s17  }
0x93: {  	s2 =	sld [smem:$0x3FFC];
	_ =	sdelay $0x3  }
0x94: {  	_ =	strace s2  }
0x95: {  	s2 =	sld [smem:$0x3FFD];
	_ =	sdelay $0x3  }
0x96: {  	_ =	strace s2  }
0x97: {  	_ =	strace $0x8FFFFFFF  }
0x98: {  	s18 =	sld [smem:$0x3FDB];
	_ =	sdelay $0x1  }
0x99: {  	s19 =	simm.s32 $_scs_section_size  }
0x9a: {  	s4 =	simm.s32 $_size__tile_overlayer_lowered;
	s5 =	simm.s32 $_tile_overlayer_lowered  }
0x9b: {  	s22 =	simm.s32 $0x1BFF;
	s21 =	sshll.u32 s5, $0x1;
	s2 =	sadd.s32 s19, s18  }
0x9c: {  	s6 =	simm.s32 $0x0;
	s20 =	sshll.u32 s4, $0x1;
	s4 =	sadd.s32 s21, s2  }
0x9d: {  	[timem:s6], [sflag:s22] =	dma.local [hbm:s4], s20  }
0x9e: {  	_ =	swait.ge [sflag:s22], s20  }
0x9f: {  	s3 =	ssub.s32 $0x0, s20;
	[sflag:s22] =	ssyncset.done $0x0  }
0xa0: {  	[sflag:s22] =	ssyncadd.s32 s3;
	_ =	sdelay $0x1  }
0xa1: {  	s23 =	simm.s32 $0x1B8B  }
0xa2: {  	_ =	swait.ge [sflag:s23], $0x1  }
0xa3: {  	[sflag:s23] =	ssyncset.done $0x0  }
0xa4: {  	s25 =	simm.s32 $0x1B8E;
	s24 =	sld [smem:$0x3FFE];
	[sflag:s23] =	ssyncadd.s32 $0xFFFFFFFF  }
0xa5: {  	s26 =	simm.s32 $execute0_lowered;
	[smem:$0x3FD2] =	sst s25  }
0xa6: {  	s4 =	sshll.u32 s26, $0x1;
	_ =	strace $0x80000046;
	[dreg:$0x1] =	wrdreg $0xFFFFFFFF  }
0xa7: {  	s28 =	simm.s32 $_size_execute0_lowered;
	s2 =	sadd.s32 s2, s4;
	[dreg:$0x0] =	wrdreg $0x0  }
0xa8: {  	s4 =	sshll.u32 s28, $0x1;
	[dreg:$0x2] =	wrdreg s2  }
0xa9: {  	[dreg:$0x3] =	wrdreg s4  }
0xaa: {  	[dreg:$0x4] =	wrdreg $0xC0  }
0xab: {  	_ =	task [dreg:s6], $0x5FFFF  }
0xac: {  	[dreg:$0x1] =	wrdreg $0xFFFFFFFF  }
0xad: {  	[dreg:$0x0] =	wrdreg $0x60  }
0xae: {  	[dreg:$0x2] =	wrdreg s24  }
0xaf: {  	[dreg:$0x3] =	wrdreg $0x9  }
0xb0: {  	_ =	task.clear_ibuf [dreg:s6], $0x4FFFF;
	_ =	strace $0x90000046  }
0xb1: {  	s29 =	simm.s32 $0x9;
	_ =	strace $0x80000048  }
0xb2: {  	_ =	swait.ge [sflag:s29], $0x1  }
0xb3: {  	[sflag:s29] =	ssyncadd.s32 $0xFFFFFFFF  }
0xb4: {  	_ =	strace $0x90000048  }
0xb5: {  	_ =	sfence  }
0xb6: {  	s30 =	sld [smem:$0x0];
	_ =	sdelay $0x2  }
0xb7: {  	s31 =	sshll.u32 s1, $0xD;
	s1 =	sshrl.u32 s1, $0x2  }
0xb8: {  	s3 =	sand.u32 $0x4000, s31;
	s1 =	sadd.s32 s1, s30  }
0xb9: {  	s0 =	sor.u32 s3, s0;
	s1 =	sshll.u32 s1, $0x11  }
0xba: {  	s0 =	sor.u32 s1, s0  }
0xbb: {  	s0 =	sadd.s32 $0x8F2B, s0  }
0xbc: {  	[sflag:s0] =	ssyncadd.remote.s32 $0x1  }
0xbd: {  	_ =	sfence.sel $0xFFFF  }
0xbe: {  	[dreg:$0x0] =	wrdreg $0xFFFFFFFF;
	(pc) =	sbr.abs _section_cstart, $3  }
0xbf: {  	[dreg:$0x1] =	wrdreg $0xFFFFFFFF  }
0xc0: {  	_ =	task.clear_ibuf [dreg:s6], $0x2FFFF;
	_ =	strace $0x9FFFFFFF  }
0xc1: {  	(tm) =	ssettm $0x7FFFFFFF  }
tec
execute0_lowered:
.L_overlay_start_1:
0x0: {  	(tag) =	ssettag $0x1  }
0x1: {  	s0 =	rddreg [dreg:$0x0]  }
0x2: {  	s1 =	srdreg.scid;
	s2 =	stileid.u32  }
0x3: {  	s20 =	simm.s32 $0x0;
	s11 =	simm.s32 $0x3;
	s12 =	simm.s32 $0x20  }
0x4: {  	s8 =	simm.s32 $0xF000;
	s13 =	simm.s32 $0xF800;
	s14 =	simm.s32 $0x10000  }
0x5: {  	s16 =	simm.s32 $0x10800;
	s19 =	simm.s32 $0x11800;
	s21 =	simm.s32 $0x12000  }
0x6: {  	s23 =	simm.s32 $0x12800;
	s10 =	simm.s32 $0x13000;
	s28 =	simm.s32 $0x14000  }
0x7: {  	s30 =	simm.s32 $0x14800;
	s15 =	simm.s32 $0x15800;
	s18 =	simm.s32 $0x16000  }
0x8: {  	s22 =	simm.s32 $0x1;
	s1 =	sand.u32 $0x1, s1;
	s2 =	sshll.u32 s2, $0x1  }
0x9: {  	s31 =	simm.s32 $0x2;
	[smem:$0x7FF] =	sst s20;
	s2 =	sor.u32 s1, s2  }
0xa: {  	_ =	strace $0x80000047;
	s1 =	ssub.s32 $0x2, s1;
	s3 =	sshll.u32 s2, $0x6  }
0xb: {  	s2 =	sshll.u32 s2, $0xC;
	s24 =	sshrl.u32 s1, $0x1;
	s4 =	sadd.s32 s3, s0  }
0xc: {  	s3 =	sadd.s32 $0xB400, s0;
	s0 =	sadd.s32 s2, s0;
	s25 =	sadd.s32 $0x1400, s4  }
0xd: {  	s1 =	ssub.s32 s1, s24;
	s26 =	sadd.s32 $0x7AD400, s0;
	[dreg:$0x2] =	wrdreg s25  }
0xe: {  	s5 =	sadd.s32 $0x7AC600, s0;
	s0 =	sadd.s32 $0x7AD500, s0;
	[dreg:$0x3] =	wrdreg s26  }
0xf: {  	s7 =	simm.s32 $0x4000;
	s29 =	smax.u32 s1, $0x1;
	[dreg:$0x4] =	wrdreg s0  }
0x10: {  	s2 =	simm.s32 $0x11000;
	s4 =	simm.s32 $0x0;
	[dreg:$0x5] =	wrdreg s29  }
0x11: {  	s25 =	simm.s32 $0x13800;
	s0 =	simm.s32 $0x15000;
	s26 =	simm.s32 $0x16800  }
.LBB2_1:
0x12: {  	[dreg:$0x6] =	wrdreg s4  }
0x13: {  	s1 =	rddreg [dreg:$0x2];
	s9 =	simm.s32 $0x200;
	s6 =	simm.s32 $0x4000  }
0x14: {  	[tilespmem:s20], [sflag:$0x3] =	stream.strided.gather [hbm4b:s1+s9], $0x2800, s6, s9, $0x38;
	[tilespmem:$0x17000] =	vst v63  }
0x15: {  	_ =	swait.ge [sflag:s11], $0x2800  }
0x16: {  	[sflag:s11] =	ssyncset.done $0x0  }
0x17: {  	s17 =	simm.s32 $0x2800;
	[sflag:s11] =	ssyncadd.s32 $0xFFFFD800  }
0x18: {  	[tilespmem:s17], [sflag:$0x1] =	stream.indirect.gather [hbm4b:s3+s12], $0x40, s20, s12, $0xb8;
	[tilespmem:$0x17000] =	vst v63  }
0x19: {  	s20 =	simm.s32 $0x3000  }
0x1a: {  	[tilespmem:s20], [sflag:$0x1] =	stream.indirect.gather [hbm4b:s3+s12], $0x40, s9, s12, $0xb8;
	[tilespmem:$0x17000] =	vst v63  }
0x1b: {  	s24 =	simm.s32 $0x400;
	s29 =	simm.s32 $0x3800  }
0x1c: {  	[tilespmem:s29], [sflag:$0x1] =	stream.indirect.gather [hbm4b:s3+s12], $0x40, s24, s12, $0xb8;
	[tilespmem:$0x17000] =	vst v63  }
0x1d: {  	s9 =	simm.s32 $0x600  }
0x1e: {  	[tilespmem:s6], [sflag:$0x1] =	stream.indirect.gather [hbm4b:s3+s12], $0x40, s9, s12, $0xb8;
	[tilespmem:$0x17000] =	vst v63  }
0x1f: {  	s17 =	simm.s32 $0x800;
	s20 =	simm.s32 $0x4800  }
0x20: {  	[tilespmem:s20], [sflag:$0x1] =	stream.indirect.gather [hbm4b:s3+s12], $0x40, s17, s12, $0xb8;
	[tilespmem:$0x17000] =	vst v63  }
0x21: {  	s24 =	simm.s32 $0xA00;
	s29 =	simm.s32 $0x5000  }
0x22: {  	[tilespmem:s29], [sflag:$0x1] =	stream.indirect.gather [hbm4b:s3+s12], $0x40, s24, s12, $0xb8;
	[tilespmem:$0x17000] =	vst v63  }
0x23: {  	s6 =	simm.s32 $0xC00;
	s9 =	simm.s32 $0x5800  }
0x24: {  	[tilespmem:s9], [sflag:$0x1] =	stream.indirect.gather [hbm4b:s3+s12], $0x40, s6, s12, $0xb8;
	[tilespmem:$0x17000] =	vst v63  }
0x25: {  	s17 =	simm.s32 $0xE00;
	s20 =	simm.s32 $0x6000  }
0x26: {  	[tilespmem:s20], [sflag:$0x1] =	stream.indirect.gather [hbm4b:s3+s12], $0x40, s17, s12, $0xb8;
	[tilespmem:$0x17000] =	vst v63  }
0x27: {  	s24 =	simm.s32 $0x1000;
	s29 =	simm.s32 $0x6800  }
0x28: {  	[tilespmem:s29], [sflag:$0x1] =	stream.indirect.gather [hbm4b:s3+s12], $0x40, s24, s12, $0xb8;
	[tilespmem:$0x17000] =	vst v63  }
0x29: {  	s6 =	simm.s32 $0x1200;
	s9 =	simm.s32 $0x7000  }
0x2a: {  	[tilespmem:s9], [sflag:$0x1] =	stream.indirect.gather [hbm4b:s3+s12], $0x40, s6, s12, $0xb8;
	[tilespmem:$0x17000] =	vst v63  }
0x2b: {  	s17 =	simm.s32 $0x1400;
	s20 =	simm.s32 $0x7800  }
0x2c: {  	[tilespmem:s20], [sflag:$0x1] =	stream.indirect.gather [hbm4b:s3+s12], $0x40, s17, s12, $0xb8;
	[tilespmem:$0x17000] =	vst v63  }
0x2d: {  	s24 =	simm.s32 $0x1600;
	s29 =	simm.s32 $0x8000  }
0x2e: {  	[tilespmem:s29], [sflag:$0x1] =	stream.indirect.gather [hbm4b:s3+s12], $0x40, s24, s12, $0xb8;
	[tilespmem:$0x17000] =	vst v63  }
0x2f: {  	s6 =	simm.s32 $0x1800;
	s9 =	simm.s32 $0x8800  }
0x30: {  	[tilespmem:s9], [sflag:$0x1] =	stream.indirect.gather [hbm4b:s3+s12], $0x40, s6, s12, $0xb8;
	[tilespmem:$0x17000] =	vst v63  }
0x31: {  	s17 =	simm.s32 $0x1A00;
	s20 =	simm.s32 $0x9000  }
0x32: {  	[tilespmem:s20], [sflag:$0x1] =	stream.indirect.gather [hbm4b:s3+s12], $0x40, s17, s12, $0xb8;
	[tilespmem:$0x17000] =	vst v63  }
0x33: {  	s24 =	simm.s32 $0x1C00;
	s29 =	simm.s32 $0x9800  }
0x34: {  	[tilespmem:s29], [sflag:$0x1] =	stream.indirect.gather [hbm4b:s3+s12], $0x40, s24, s12, $0xb8;
	[tilespmem:$0x17000] =	vst v63  }
0x35: {  	s6 =	simm.s32 $0x1E00;
	s9 =	simm.s32 $0xA000  }
0x36: {  	[tilespmem:s9], [sflag:$0x1] =	stream.indirect.gather [hbm4b:s3+s12], $0x40, s6, s12, $0xb8;
	[tilespmem:$0x17000] =	vst v63  }
0x37: {  	s17 =	simm.s32 $0x2000;
	s20 =	simm.s32 $0xA800  }
0x38: {  	[tilespmem:s20], [sflag:$0x1] =	stream.indirect.gather [hbm4b:s3+s12], $0x40, s17, s12, $0xb8;
	[tilespmem:$0x17000] =	vst v63  }
0x39: {  	s24 =	simm.s32 $0x2200;
	s29 =	simm.s32 $0xB000  }
0x3a: {  	[tilespmem:s29], [sflag:$0x1] =	stream.indirect.gather [hbm4b:s3+s12], $0x40, s24, s12, $0xb8;
	[tilespmem:$0x17000] =	vst v63  }
0x3b: {  	s4 =	simm.s32 $0x2400;
	s6 =	simm.s32 $0xB800  }
0x3c: {  	[tilespmem:s6], [sflag:$0x1] =	stream.indirect.gather [hbm4b:s3+s12], $0x40, s4, s12, $0xb8;
	[tilespmem:$0x17000] =	vst v63  }
0x3d: {  	s9 =	simm.s32 $0x2600;
	s17 =	simm.s32 $0xC000  }
0x3e: {  	[tilespmem:s17], [sflag:$0x1] =	stream.indirect.gather [hbm4b:s3+s12], $0x40, s9, s12, $0xb8;
	[tilespmem:$0x17000] =	vst v63  }
0x3f: {  	s20 =	simm.s32 $0xC800  }
0x40: {  	[tilespmem:s20], [sflag:$0x2] =	stream.indirect.gather [hbm4b:s3+s12], $0x40, s12, s12, $0xb8;
	[tilespmem:$0x17000] =	vst v63  }
0x41: {  	s24 =	simm.s32 $0x220;
	s29 =	simm.s32 $0xD000  }
0x42: {  	[tilespmem:s29], [sflag:$0x2] =	stream.indirect.gather [hbm4b:s3+s12], $0x40, s24, s12, $0xb8;
	[tilespmem:$0x17000] =	vst v63  }
0x43: {  	s4 =	simm.s32 $0x420;
	s6 =	simm.s32 $0xD800  }
0x44: {  	[tilespmem:s6], [sflag:$0x2] =	stream.indirect.gather [hbm4b:s3+s12], $0x40, s4, s12, $0xb8;
	[tilespmem:$0x17000] =	vst v63  }
0x45: {  	s9 =	simm.s32 $0x620;
	s17 =	simm.s32 $0xE000  }
0x46: {  	[tilespmem:s17], [sflag:$0x2] =	stream.indirect.gather [hbm4b:s3+s12], $0x40, s9, s12, $0xb8;
	[tilespmem:$0x17000] =	vst v63  }
0x47: {  	s20 =	simm.s32 $0x820;
	s24 =	simm.s32 $0xE800  }
0x48: {  	[tilespmem:s24], [sflag:$0x2] =	stream.indirect.gather [hbm4b:s3+s12], $0x40, s20, s12, $0xb8;
	[tilespmem:$0x17000] =	vst v63  }
0x49: {  	s29 =	simm.s32 $0xA20  }
0x4a: {  	[tilespmem:s8], [sflag:$0x2] =	stream.indirect.gather [hbm4b:s3+s12], $0x40, s29, s12, $0xb8;
	[tilespmem:$0x17000] =	vst v63  }
0x4b: {  	s4 =	simm.s32 $0xC20  }
0x4c: {  	[tilespmem:s13], [sflag:$0x2] =	stream.indirect.gather [hbm4b:s3+s12], $0x40, s4, s12, $0xb8;
	[tilespmem:$0x17000] =	vst v63  }
0x4d: {  	s6 =	simm.s32 $0xE20  }
0x4e: {  	[tilespmem:s14], [sflag:$0x2] =	stream.indirect.gather [hbm4b:s3+s12], $0x40, s6, s12, $0xb8;
	[tilespmem:$0x17000] =	vst v63  }
0x4f: {  	s9 =	simm.s32 $0x1020  }
0x50: {  	[tilespmem:s16], [sflag:$0x2] =	stream.indirect.gather [hbm4b:s3+s12], $0x40, s9, s12, $0xb8;
	[tilespmem:$0x17000] =	vst v63  }
0x51: {  	s17 =	simm.s32 $0x1220  }
0x52: {  	[tilespmem:s2], [sflag:$0x2] =	stream.indirect.gather [hbm4b:s3+s12], $0x40, s17, s12, $0xb8;
	[tilespmem:$0x17000] =	vst v63  }
0x53: {  	s20 =	simm.s32 $0x1420  }
0x54: {  	[tilespmem:s19], [sflag:$0x2] =	stream.indirect.gather [hbm4b:s3+s12], $0x40, s20, s12, $0xb8;
	[tilespmem:$0x17000] =	vst v63  }
0x55: {  	s24 =	simm.s32 $0x1620  }
0x56: {  	[tilespmem:s21], [sflag:$0x2] =	stream.indirect.gather [hbm4b:s3+s12], $0x40, s24, s12, $0xb8;
	[tilespmem:$0x17000] =	vst v63  }
0x57: {  	s29 =	simm.s32 $0x1820  }
0x58: {  	[tilespmem:s23], [sflag:$0x2] =	stream.indirect.gather [hbm4b:s3+s12], $0x40, s29, s12, $0xb8;
	[tilespmem:$0x17000] =	vst v63  }
0x59: {  	s4 =	simm.s32 $0x1A20  }
0x5a: {  	[tilespmem:s10], [sflag:$0x2] =	stream.indirect.gather [hbm4b:s3+s12], $0x40, s4, s12, $0xb8;
	[tilespmem:$0x17000] =	vst v63  }
0x5b: {  	s6 =	simm.s32 $0x1C20  }
0x5c: {  	[tilespmem:s25], [sflag:$0x2] =	stream.indirect.gather [hbm4b:s3+s12], $0x40, s6, s12, $0xb8;
	[tilespmem:$0x17000] =	vst v63  }
0x5d: {  	s9 =	simm.s32 $0x1E20  }
0x5e: {  	[tilespmem:s28], [sflag:$0x2] =	stream.indirect.gather [hbm4b:s3+s12], $0x40, s9, s12, $0xb8;
	[tilespmem:$0x17000] =	vst v63  }
0x5f: {  	s17 =	simm.s32 $0x2020  }
0x60: {  	[tilespmem:s30], [sflag:$0x2] =	stream.indirect.gather [hbm4b:s3+s12], $0x40, s17, s12, $0xb8;
	[tilespmem:$0x17000] =	vst v63  }
0x61: {  	s20 =	simm.s32 $0x2220  }
0x62: {  	[tilespmem:s0], [sflag:$0x2] =	stream.indirect.gather [hbm4b:s3+s12], $0x40, s20, s12, $0xb8;
	[tilespmem:$0x17000] =	vst v63  }
0x63: {  	s24 =	simm.s32 $0x2420  }
0x64: {  	[tilespmem:s15], [sflag:$0x2] =	stream.indirect.gather [hbm4b:s3+s12], $0x40, s24, s12, $0xb8;
	[tilespmem:$0x17000] =	vst v63  }
0x65: {  	s29 =	simm.s32 $0x2620;
	s17 =	simm.s32 $0x0  }
0x66: {  	[tilespmem:s18], [sflag:$0x2] =	stream.indirect.gather [hbm4b:s3+s12], $0x40, s29, s12, $0xb8;
	[tilespmem:$0x17000] =	vst v63  }
.LBB2_2:
0x67: {  	_ =	swait.ge [sflag:s22], $0xA000  }
0x68: {  	[sflag:s22] =	ssyncset.done $0x0  }
0x69: {  	s1 =	simm.s32 $0x0;
	s24 =	simm.s32 $0x2820;
	[sflag:s22] =	ssyncadd.s32 $0xFFFF6000  }
.LBB2_3:
0x6a: {  	v2 =	vmov s24;
	_ =	sdelay $0x3  }
0x6b: {  	s4 =	simm.s32 $0x0  }
0x6c: {  	v0 =	vld.idx.msk [tilespmem:v2+s4+$0x10 ss:$0x1], $0xffff  }
0x6d: {  	v3 =	vld.idx.msk [tilespmem:v2+s4+$0xFFFFFFE0 ss:$0x1], $0xffff  }
0x6e: {  	v1 =	vimm.f32 $0.0e+00;
	v4 =	vld.idx.msk [tilespmem:v2+s4+$0xFFFFFFF0 ss:$0x1], $0xffff  }
0x6f: {  	s20 =	sshll.u32 s1, $0x8;
	s9 =	simm.s32 $0x2000;
	v7 =	vimm.f32 $0.0e+00;
	v8 =	vimm.f32 $0.0e+00;
	v6 =	vimm.f32 $0.0e+00;
	v5 =	vld.idx.msk [tilespmem:v2+s4+$0x0 ss:$0x1], $0xffff  }
.LBB2_4:
0x70: {  	p0 =	sne.s32 s9, $0x26000  }
.Ltmp0:
0x71: {  	s4 =	sshra.s32 s9, $0x2;
	s9 =	sadd.s32 $0x2000, s9;
	(pc) =	sbr.rel @p0 .LBB2_4-.Ltmp0, $4  }
0x72: {  	v1 =	vadd.f32 v0, v1;
	v0 =	vld.idx.msk [tilespmem:v2+s4+$0x10 ss:$0x1], $0xffff  }
0x73: {  	v7 =	vadd.f32 v3, v7;
	v3 =	vld.idx.msk [tilespmem:v2+s4+$0xFFFFFFE0 ss:$0x1], $0xffff  }
0x74: {  	v8 =	vadd.f32 v4, v8;
	v4 =	vld.idx.msk [tilespmem:v2+s4+$0xFFFFFFF0 ss:$0x1], $0xffff  }
0x75: {  	v6 =	vadd.f32 v5, v6;
	v5 =	vld.idx.msk [tilespmem:v2+s4+$0x0 ss:$0x1], $0xffff  }
0x76: {  	s1 =	sadd.s32 $0x1, s1  }
0x77: {  	v0 =	vadd.f32 v0, v1;
	p0 =	sne.s32 s1, $0x20  }
.Ltmp1:
0x78: {  	s4 =	sshrl.u32 s20, $0x2;
	v2 =	vadd.f32 v3, v7;
	(pc) =	sbr.rel @p0 .LBB2_3-.Ltmp1, $4  }
0x79: {  	v62 =	vadd.f32 v4, v8;
	[tilespmem:s4+$0x16830] =	vst v0  }
0x7a: {  	v63 =	vadd.f32 v5, v6;
	[tilespmem:s4+$0x16800] =	vst v2  }
0x7b: {  	[tilespmem:s4+$0x16810] =	vst v62  }
0x7c: {  	s24 =	sadd.s32 $0x40, s24;
	[tilespmem:s4+$0x16820] =	vst v63  }
0x7d: {  	s1 =	sshll.u32 s17, $0x9  }
0x7e: {  	s24 =	sadd.s32 s1, s5;
	s1 =	simm.s32 $0x0  }
0x7f: {  	[hbm4b:s24+s1] =	stream.linear.scatter [tilespmem:s26], [sflag:$0x3], $0x800, $0x38;
	[tilespmem:$0x17000] =	vst v63  }
0x80: {  	s4 =	sshll.u32 s17, $0x6;
	_ =	swait.ge [sflag:s11], $0x800  }
0x81: {  	s4 =	sadd.s32 $0x40, s4;
	[sflag:s11] =	ssyncset.done $0x0  }
0x82: {  	s6 =	simm.s32 $0x2800;
	s4 =	sand.u32 $0x3C0, s4;
	[sflag:s11] =	ssyncadd.s32 $0xFFFFF800  }
0x83: {  	[tilespmem:s6], [sflag:$0x1] =	stream.indirect.gather [hbm4b:s3+s12], $0x40, s4, s12, $0xb8;
	[tilespmem:$0x17000] =	vst v63  }
0x84: {  	s20 =	simm.s32 $0x3000;
	s9 =	sadd.s32 $0x200, s4  }
0x85: {  	[tilespmem:s20], [sflag:$0x1] =	stream.indirect.gather [hbm4b:s3+s12], $0x40, s9, s12, $0xb8;
	[tilespmem:$0x17000] =	vst v63  }
0x86: {  	s6 =	sor.u32 $0x400, s4;
	s20 =	simm.s32 $0x3800  }
0x87: {  	[tilespmem:s20], [sflag:$0x1] =	stream.indirect.gather [hbm4b:s3+s12], $0x40, s6, s12, $0xb8;
	[tilespmem:$0x17000] =	vst v63  }
0x88: {  	s20 =	sadd.s32 $0x600, s4  }
0x89: {  	[tilespmem:s7], [sflag:$0x1] =	stream.indirect.gather [hbm4b:s3+s12], $0x40, s20, s12, $0xb8;
	[tilespmem:$0x17000] =	vst v63  }
0x8a: {  	s6 =	sor.u32 $0x800, s4;
	s20 =	simm.s32 $0x4800  }
0x8b: {  	[tilespmem:s20], [sflag:$0x1] =	stream.indirect.gather [hbm4b:s3+s12], $0x40, s6, s12, $0xb8;
	[tilespmem:$0x17000] =	vst v63  }
0x8c: {  	s6 =	sadd.s32 $0xA00, s4;
	s20 =	simm.s32 $0x5000  }
0x8d: {  	[tilespmem:s20], [sflag:$0x1] =	stream.indirect.gather [hbm4b:s3+s12], $0x40, s6, s12, $0xb8;
	[tilespmem:$0x17000] =	vst v63  }
0x8e: {  	s6 =	sor.u32 $0xC00, s4;
	s20 =	simm.s32 $0x5800  }
0x8f: {  	[tilespmem:s20], [sflag:$0x1] =	stream.indirect.gather [hbm4b:s3+s12], $0x40, s6, s12, $0xb8;
	[tilespmem:$0x17000] =	vst v63  }
0x90: {  	s6 =	sadd.s32 $0xE00, s4;
	s20 =	simm.s32 $0x6000  }
0x91: {  	[tilespmem:s20], [sflag:$0x1] =	stream.indirect.gather [hbm4b:s3+s12], $0x40, s6, s12, $0xb8;
	[tilespmem:$0x17000] =	vst v63  }
0x92: {  	s6 =	sor.u32 $0x1000, s4;
	s20 =	simm.s32 $0x6800  }
0x93: {  	[tilespmem:s20], [sflag:$0x1] =	stream.indirect.gather [hbm4b:s3+s12], $0x40, s6, s12, $0xb8;
	[tilespmem:$0x17000] =	vst v63  }
0x94: {  	s6 =	sadd.s32 $0x1200, s4;
	s20 =	simm.s32 $0x7000  }
0x95: {  	[tilespmem:s20], [sflag:$0x1] =	stream.indirect.gather [hbm4b:s3+s12], $0x40, s6, s12, $0xb8;
	[tilespmem:$0x17000] =	vst v63  }
0x96: {  	s6 =	sor.u32 $0x1400, s4;
	s20 =	simm.s32 $0x7800  }
0x97: {  	[tilespmem:s20], [sflag:$0x1] =	stream.indirect.gather [hbm4b:s3+s12], $0x40, s6, s12, $0xb8;
	[tilespmem:$0x17000] =	vst v63  }
0x98: {  	s6 =	sadd.s32 $0x1600, s4;
	s20 =	simm.s32 $0x8000  }
0x99: {  	[tilespmem:s20], [sflag:$0x1] =	stream.indirect.gather [hbm4b:s3+s12], $0x40, s6, s12, $0xb8;
	[tilespmem:$0x17000] =	vst v63  }
0x9a: {  	s6 =	sor.u32 $0x1800, s4;
	s20 =	simm.s32 $0x8800  }
0x9b: {  	[tilespmem:s20], [sflag:$0x1] =	stream.indirect.gather [hbm4b:s3+s12], $0x40, s6, s12, $0xb8;
	[tilespmem:$0x17000] =	vst v63  }
0x9c: {  	s6 =	sadd.s32 $0x1A00, s4;
	s20 =	simm.s32 $0x9000  }
0x9d: {  	[tilespmem:s20], [sflag:$0x1] =	stream.indirect.gather [hbm4b:s3+s12], $0x40, s6, s12, $0xb8;
	[tilespmem:$0x17000] =	vst v63  }
0x9e: {  	s6 =	sor.u32 $0x1C00, s4;
	s20 =	simm.s32 $0x9800  }
0x9f: {  	[tilespmem:s20], [sflag:$0x1] =	stream.indirect.gather [hbm4b:s3+s12], $0x40, s6, s12, $0xb8;
	[tilespmem:$0x17000] =	vst v63  }
0xa0: {  	s6 =	sadd.s32 $0x1E00, s4;
	s20 =	simm.s32 $0xA000  }
0xa1: {  	[tilespmem:s20], [sflag:$0x1] =	stream.indirect.gather [hbm4b:s3+s12], $0x40, s6, s12, $0xb8;
	[tilespmem:$0x17000] =	vst v63  }
0xa2: {  	s6 =	sor.u32 $0x2000, s4;
	s20 =	simm.s32 $0xA800  }
0xa3: {  	[tilespmem:s20], [sflag:$0x1] =	stream.indirect.gather [hbm4b:s3+s12], $0x40, s6, s12, $0xb8;
	[tilespmem:$0x17000] =	vst v63  }
0xa4: {  	s6 =	sadd.s32 $0x2200, s4;
	s20 =	simm.s32 $0xB000  }
0xa5: {  	[tilespmem:s20], [sflag:$0x1] =	stream.indirect.gather [hbm4b:s3+s12], $0x40, s6, s12, $0xb8;
	[tilespmem:$0x17000] =	vst v63  }
0xa6: {  	s6 =	sor.u32 $0x2400, s4;
	s20 =	simm.s32 $0xB800  }
0xa7: {  	[tilespmem:s20], [sflag:$0x1] =	stream.indirect.gather [hbm4b:s3+s12], $0x40, s6, s12, $0xb8;
	[tilespmem:$0x17000] =	vst v63  }
0xa8: {  	s4 =	sadd.s32 $0x2600, s4;
	s20 =	simm.s32 $0xC000  }
0xa9: {  	[tilespmem:s20], [sflag:$0x1] =	stream.indirect.gather [hbm4b:s3+s12], $0x40, s4, s12, $0xb8;
	[tilespmem:$0x17000] =	vst v63  }
0xaa: {  	_ =	swait.ge [sflag:s31], $0xA000  }
0xab: {  	[sflag:s31] =	ssyncset.done $0x0  }
0xac: {  	s29 =	sshll.u32 s17, $0x1;
	s20 =	simm.s32 $0xC820;
	[sflag:s31] =	ssyncadd.s32 $0xFFFF6000  }
.LBB2_7:
0xad: {  	v2 =	vmov s20;
	_ =	sdelay $0x3  }
0xae: {  	s6 =	simm.s32 $0x0  }
0xaf: {  	v0 =	vld.idx.msk [tilespmem:v2+s6+$0x10 ss:$0x1], $0xffff  }
0xb0: {  	v3 =	vld.idx.msk [tilespmem:v2+s6+$0xFFFFFFE0 ss:$0x1], $0xffff  }
0xb1: {  	v1 =	vimm.f32 $0.0e+00;
	v4 =	vld.idx.msk [tilespmem:v2+s6+$0xFFFFFFF0 ss:$0x1], $0xffff  }
0xb2: {  	s9 =	sshll.u32 s1, $0x8;
	s4 =	simm.s32 $0x2000;
	v7 =	vimm.f32 $0.0e+00;
	v8 =	vimm.f32 $0.0e+00;
	v6 =	vimm.f32 $0.0e+00;
	v5 =	vld.idx.msk [tilespmem:v2+s6+$0x0 ss:$0x1], $0xffff  }
.LBB2_8:
0xb3: {  	p0 =	sne.s32 s4, $0x26000  }
.Ltmp2:
0xb4: {  	s6 =	sshra.s32 s4, $0x2;
	s4 =	sadd.s32 $0x2000, s4;
	(pc) =	sbr.rel @p0 .LBB2_8-.Ltmp2, $4  }
0xb5: {  	v1 =	vadd.f32 v0, v1;
	v0 =	vld.idx.msk [tilespmem:v2+s6+$0x10 ss:$0x1], $0xffff  }
0xb6: {  	v7 =	vadd.f32 v3, v7;
	v3 =	vld.idx.msk [tilespmem:v2+s6+$0xFFFFFFE0 ss:$0x1], $0xffff  }
0xb7: {  	v8 =	vadd.f32 v4, v8;
	v4 =	vld.idx.msk [tilespmem:v2+s6+$0xFFFFFFF0 ss:$0x1], $0xffff  }
0xb8: {  	v6 =	vadd.f32 v5, v6;
	v5 =	vld.idx.msk [tilespmem:v2+s6+$0x0 ss:$0x1], $0xffff  }
0xb9: {  	s1 =	sadd.s32 $0x1, s1  }
0xba: {  	v0 =	vadd.f32 v0, v1;
	p0 =	sne.s32 s1, $0x20  }
.Ltmp3:
0xbb: {  	s4 =	sshrl.u32 s9, $0x2;
	v2 =	vadd.f32 v3, v7;
	(pc) =	sbr.rel @p0 .LBB2_7-.Ltmp3, $4  }
0xbc: {  	v62 =	vadd.f32 v4, v8;
	[tilespmem:s4+$0x16830] =	vst v0  }
0xbd: {  	v63 =	vadd.f32 v5, v6;
	[tilespmem:s4+$0x16800] =	vst v2  }
0xbe: {  	[tilespmem:s4+$0x16810] =	vst v62  }
0xbf: {  	s20 =	sadd.s32 $0x40, s20;
	[tilespmem:s4+$0x16820] =	vst v63  }
0xc0: {  	s1 =	sadd.s32 $0x100, s24;
	s20 =	simm.s32 $0x0  }
0xc1: {  	[hbm4b:s1+s20] =	stream.linear.scatter [tilespmem:s26], [sflag:$0x3], $0x800, $0x38;
	[tilespmem:$0x17000] =	vst v63  }
0xc2: {  	s24 =	sshll.u32 s29, $0x5;
	_ =	swait.ge [sflag:s11], $0x800  }
0xc3: {  	s1 =	sadd.s32 $0x60, s24;
	[sflag:s11] =	ssyncset.done $0x0  }
0xc4: {  	s4 =	simm.s32 $0xC800;
	s1 =	sand.u32 $0x3E0, s1;
	[sflag:s11] =	ssyncadd.s32 $0xFFFFF800  }
0xc5: {  	[tilespmem:s4], [sflag:$0x2] =	stream.indirect.gather [hbm4b:s3+s12], $0x40, s1, s12, $0xb8;
	[tilespmem:$0x17000] =	vst v63  }
0xc6: {  	s6 =	simm.s32 $0xD000;
	s29 =	sadd.s32 $0x200, s1  }
0xc7: {  	[tilespmem:s6], [sflag:$0x2] =	stream.indirect.gather [hbm4b:s3+s12], $0x40, s29, s12, $0xb8;
	[tilespmem:$0x17000] =	vst v63  }
0xc8: {  	s9 =	simm.s32 $0xD800;
	s6 =	sor.u32 $0x400, s1  }
0xc9: {  	[tilespmem:s9], [sflag:$0x2] =	stream.indirect.gather [hbm4b:s3+s12], $0x40, s6, s12, $0xb8;
	[tilespmem:$0x17000] =	vst v63  }
0xca: {  	s24 =	sadd.s32 $0x600, s1;
	s29 =	simm.s32 $0xE000  }
0xcb: {  	[tilespmem:s29], [sflag:$0x2] =	stream.indirect.gather [hbm4b:s3+s12], $0x40, s24, s12, $0xb8;
	[tilespmem:$0x17000] =	vst v63  }
0xcc: {  	s6 =	sor.u32 $0x800, s1;
	s9 =	simm.s32 $0xE800  }
0xcd: {  	[tilespmem:s9], [sflag:$0x2] =	stream.indirect.gather [hbm4b:s3+s12], $0x40, s6, s12, $0xb8;
	[tilespmem:$0x17000] =	vst v63  }
0xce: {  	s24 =	sadd.s32 $0xA00, s1  }
0xcf: {  	[tilespmem:s8], [sflag:$0x2] =	stream.indirect.gather [hbm4b:s3+s12], $0x40, s24, s12, $0xb8;
	[tilespmem:$0x17000] =	vst v63  }
0xd0: {  	s29 =	sor.u32 $0xC00, s1  }
0xd1: {  	[tilespmem:s13], [sflag:$0x2] =	stream.indirect.gather [hbm4b:s3+s12], $0x40, s29, s12, $0xb8;
	[tilespmem:$0x17000] =	vst v63  }
0xd2: {  	s6 =	sadd.s32 $0xE00, s1  }
0xd3: {  	[tilespmem:s14], [sflag:$0x2] =	stream.indirect.gather [hbm4b:s3+s12], $0x40, s6, s12, $0xb8;
	[tilespmem:$0x17000] =	vst v63  }
0xd4: {  	s9 =	sor.u32 $0x1000, s1  }
0xd5: {  	[tilespmem:s16], [sflag:$0x2] =	stream.indirect.gather [hbm4b:s3+s12], $0x40, s9, s12, $0xb8;
	[tilespmem:$0x17000] =	vst v63  }
0xd6: {  	s24 =	sadd.s32 $0x1200, s1  }
0xd7: {  	[tilespmem:s2], [sflag:$0x2] =	stream.indirect.gather [hbm4b:s3+s12], $0x40, s24, s12, $0xb8;
	[tilespmem:$0x17000] =	vst v63  }
0xd8: {  	s29 =	sor.u32 $0x1400, s1  }
0xd9: {  	[tilespmem:s19], [sflag:$0x2] =	stream.indirect.gather [hbm4b:s3+s12], $0x40, s29, s12, $0xb8;
	[tilespmem:$0x17000] =	vst v63  }
0xda: {  	s6 =	sadd.s32 $0x1600, s1  }
0xdb: {  	[tilespmem:s21], [sflag:$0x2] =	stream.indirect.gather [hbm4b:s3+s12], $0x40, s6, s12, $0xb8;
	[tilespmem:$0x17000] =	vst v63  }
0xdc: {  	s9 =	sor.u32 $0x1800, s1  }
0xdd: {  	[tilespmem:s23], [sflag:$0x2] =	stream.indirect.gather [hbm4b:s3+s12], $0x40, s9, s12, $0xb8;
	[tilespmem:$0x17000] =	vst v63  }
0xde: {  	s24 =	sadd.s32 $0x1A00, s1  }
0xdf: {  	[tilespmem:s10], [sflag:$0x2] =	stream.indirect.gather [hbm4b:s3+s12], $0x40, s24, s12, $0xb8;
	[tilespmem:$0x17000] =	vst v63  }
0xe0: {  	s29 =	sor.u32 $0x1C00, s1  }
0xe1: {  	[tilespmem:s25], [sflag:$0x2] =	stream.indirect.gather [hbm4b:s3+s12], $0x40, s29, s12, $0xb8;
	[tilespmem:$0x17000] =	vst v63  }
0xe2: {  	s6 =	sadd.s32 $0x1E00, s1  }
0xe3: {  	[tilespmem:s28], [sflag:$0x2] =	stream.indirect.gather [hbm4b:s3+s12], $0x40, s6, s12, $0xb8;
	[tilespmem:$0x17000] =	vst v63  }
0xe4: {  	s17 =	sadd.s32 $0x1, s17;
	s9 =	sor.u32 $0x2000, s1  }
0xe5: {  	[tilespmem:s30], [sflag:$0x2] =	stream.indirect.gather [hbm4b:s3+s12], $0x40, s9, s12, $0xb8;
	[tilespmem:$0x17000] =	vst v63  }
0xe6: {  	p0 =	sne.s32 s17, $0x7;
	s24 =	sadd.s32 $0x2200, s1  }
0xe7: {  	[tilespmem:s0], [sflag:$0x2] =	stream.indirect.gather [hbm4b:s3+s12], $0x40, s24, s12, $0xb8;
	[tilespmem:$0x17000] =	vst v63  }
.Ltmp4:
0xe8: {  	_ = 	snop;
	(pc) =	sbr.rel @p0 .LBB2_2-.Ltmp4, $4  }
0xe9: {  	s29 =	sor.u32 $0x2400, s1  }
0xea: {  	[tilespmem:s15], [sflag:$0x2] =	stream.indirect.gather [hbm4b:s3+s12], $0x40, s29, s12, $0xb8;
	[tilespmem:$0x17000] =	vst v63  }
0xeb: {  	s1 =	sadd.s32 $0x2600, s1  }
0xec: {  	[tilespmem:s18], [sflag:$0x2] =	stream.indirect.gather [hbm4b:s3+s12], $0x40, s1, s12, $0xb8;
	[tilespmem:$0x17000] =	vst v63  }
0xed: {  	_ =	swait.ge [sflag:s22], $0xA000  }
0xee: {  	[sflag:s22] =	ssyncset.done $0x0  }
0xef: {  	s1 =	simm.s32 $0x0;
	s17 =	simm.s32 $0x2820;
	[sflag:s22] =	ssyncadd.s32 $0xFFFF6000  }
.LBB2_12:
0xf0: {  	v2 =	vmov s17;
	_ =	sdelay $0x3  }
0xf1: {  	s6 =	simm.s32 $0x0  }
0xf2: {  	v0 =	vld.idx.msk [tilespmem:v2+s6+$0x10 ss:$0x1], $0xffff  }
0xf3: {  	v3 =	vld.idx.msk [tilespmem:v2+s6+$0xFFFFFFE0 ss:$0x1], $0xffff  }
0xf4: {  	v1 =	vimm.f32 $0.0e+00;
	v4 =	vld.idx.msk [tilespmem:v2+s6+$0xFFFFFFF0 ss:$0x1], $0xffff  }
0xf5: {  	s9 =	sshll.u32 s1, $0x8;
	s4 =	simm.s32 $0x2000;
	v7 =	vimm.f32 $0.0e+00;
	v8 =	vimm.f32 $0.0e+00;
	v6 =	vimm.f32 $0.0e+00;
	v5 =	vld.idx.msk [tilespmem:v2+s6+$0x0 ss:$0x1], $0xffff  }
.LBB2_13:
0xf6: {  	p0 =	sne.s32 s4, $0x26000  }
.Ltmp5:
0xf7: {  	s6 =	sshra.s32 s4, $0x2;
	s4 =	sadd.s32 $0x2000, s4;
	(pc) =	sbr.rel @p0 .LBB2_13-.Ltmp5, $4  }
0xf8: {  	v1 =	vadd.f32 v0, v1;
	v0 =	vld.idx.msk [tilespmem:v2+s6+$0x10 ss:$0x1], $0xffff  }
0xf9: {  	v7 =	vadd.f32 v3, v7;
	v3 =	vld.idx.msk [tilespmem:v2+s6+$0xFFFFFFE0 ss:$0x1], $0xffff  }
0xfa: {  	v8 =	vadd.f32 v4, v8;
	v4 =	vld.idx.msk [tilespmem:v2+s6+$0xFFFFFFF0 ss:$0x1], $0xffff  }
0xfb: {  	v6 =	vadd.f32 v5, v6;
	v5 =	vld.idx.msk [tilespmem:v2+s6+$0x0 ss:$0x1], $0xffff  }
0xfc: {  	s1 =	sadd.s32 $0x1, s1  }
0xfd: {  	v0 =	vadd.f32 v0, v1;
	p0 =	sne.s32 s1, $0x20  }
.Ltmp6:
0xfe: {  	s4 =	sshrl.u32 s9, $0x2;
	v2 =	vadd.f32 v3, v7;
	(pc) =	sbr.rel @p0 .LBB2_12-.Ltmp6, $4  }
0xff: {  	v62 =	vadd.f32 v4, v8;
	[tilespmem:s4+$0x16830] =	vst v0  }
0x100: {  	v63 =	vadd.f32 v5, v6;
	[tilespmem:s4+$0x16800] =	vst v2  }
0x101: {  	[tilespmem:s4+$0x16810] =	vst v62  }
0x102: {  	s17 =	sadd.s32 $0x40, s17;
	[tilespmem:s4+$0x16820] =	vst v63  }
0x103: {  	s1 =	simm.s32 $0x0;
	s4 =	rddreg [dreg:$0x3]  }
0x104: {  	[hbm4b:s4+s1] =	stream.linear.scatter [tilespmem:s26], [sflag:$0x3], $0x800, $0x38;
	[tilespmem:$0x17000] =	vst v63  }
0x105: {  	_ =	swait.ge [sflag:s11], $0x800  }
0x106: {  	[sflag:s11] =	ssyncset.done $0x0  }
0x107: {  	[sflag:s11] =	ssyncadd.s32 $0xFFFFF800  }
0x108: {  	_ =	swait.ge [sflag:s31], $0xA000  }
0x109: {  	[sflag:s31] =	ssyncset.done $0x0  }
0x10a: {  	s17 =	simm.s32 $0xC820;
	[sflag:s31] =	ssyncadd.s32 $0xFFFF6000  }
.LBB2_16:
0x10b: {  	v2 =	vmov s17;
	_ =	sdelay $0x3  }
0x10c: {  	s6 =	simm.s32 $0x0  }
0x10d: {  	v0 =	vld.idx.msk [tilespmem:v2+s6+$0x10 ss:$0x1], $0xffff  }
0x10e: {  	v3 =	vld.idx.msk [tilespmem:v2+s6+$0xFFFFFFE0 ss:$0x1], $0xffff  }
0x10f: {  	v1 =	vimm.f32 $0.0e+00;
	v4 =	vld.idx.msk [tilespmem:v2+s6+$0xFFFFFFF0 ss:$0x1], $0xffff  }
0x110: {  	s9 =	sshll.u32 s1, $0x8;
	s4 =	simm.s32 $0x2000;
	v7 =	vimm.f32 $0.0e+00;
	v8 =	vimm.f32 $0.0e+00;
	v6 =	vimm.f32 $0.0e+00;
	v5 =	vld.idx.msk [tilespmem:v2+s6+$0x0 ss:$0x1], $0xffff  }
.LBB2_17:
0x111: {  	p0 =	sne.s32 s4, $0x26000  }
.Ltmp7:
0x112: {  	s6 =	sshra.s32 s4, $0x2;
	s4 =	sadd.s32 $0x2000, s4;
	(pc) =	sbr.rel @p0 .LBB2_17-.Ltmp7, $4  }
0x113: {  	v1 =	vadd.f32 v0, v1;
	v0 =	vld.idx.msk [tilespmem:v2+s6+$0x10 ss:$0x1], $0xffff  }
0x114: {  	v7 =	vadd.f32 v3, v7;
	v3 =	vld.idx.msk [tilespmem:v2+s6+$0xFFFFFFE0 ss:$0x1], $0xffff  }
0x115: {  	v8 =	vadd.f32 v4, v8;
	v4 =	vld.idx.msk [tilespmem:v2+s6+$0xFFFFFFF0 ss:$0x1], $0xffff  }
0x116: {  	v6 =	vadd.f32 v5, v6;
	v5 =	vld.idx.msk [tilespmem:v2+s6+$0x0 ss:$0x1], $0xffff  }
0x117: {  	s1 =	sadd.s32 $0x1, s1  }
0x118: {  	v0 =	vadd.f32 v0, v1;
	p0 =	sne.s32 s1, $0x20  }
.Ltmp8:
0x119: {  	s4 =	sshrl.u32 s9, $0x2;
	v2 =	vadd.f32 v3, v7;
	(pc) =	sbr.rel @p0 .LBB2_16-.Ltmp8, $4  }
0x11a: {  	v62 =	vadd.f32 v4, v8;
	[tilespmem:s4+$0x16830] =	vst v0  }
0x11b: {  	v63 =	vadd.f32 v5, v6;
	[tilespmem:s4+$0x16800] =	vst v2  }
0x11c: {  	[tilespmem:s4+$0x16810] =	vst v62  }
0x11d: {  	s17 =	sadd.s32 $0x40, s17;
	[tilespmem:s4+$0x16820] =	vst v63  }
0x11e: {  	s1 =	rddreg [dreg:$0x4]  }
0x11f: {  	[hbm4b:s1+s20] =	stream.linear.scatter [tilespmem:s26], [sflag:$0x3], $0x800, $0x38;
	[tilespmem:$0x17000] =	vst v63  }
0x120: {  	_ =	swait.ge [sflag:s11], $0x800  }
0x121: {  	s4 =	rddreg [dreg:$0x6]  }
0x122: {  	s29 =	rddreg [dreg:$0x5];
	s4 =	sadd.s32 $0x1, s4  }
0x123: {  	p0 =	sne.s32 s4, s29  }
.Ltmp9:
0x124: {  	_ = 	snop;
	(pc) =	sbr.rel @p0 .LBB2_1-.Ltmp9, $3  }
0x125: {  	_ =	sdelay $0x1  }
0x126: {  	[sflag:s11] =	ssyncset.done $0x0  }
0x127: {  	[sflag:s11] =	ssyncadd.s32 $0xFFFFF800  }
0x128: {  	_ =	sfence.sel $0x180000  }
0x129: {  	[bflag:$0x0] =	sbarrier.arrive $0xFFFF  }
0x12a: {  	_ =	strace $0x90000047  }
0x12b: {  	s0 =	stileid.u32;
	[bflag:$0x2] =	sbarrier.arrive $0xFFFF  }
0x12c: {  	p0 =	sne.s32 s0, $0x0;
	s0 =	rddreg [dreg:$0x1]  }
0x12d: {  	s0 =	sadd.s32 @!p0 $0x100000, s0  }
0x12e: {  	[sflag:s0] =	ssyncadd.tile.s32 @!p0 $0x1;
	_ =	shalt  }
.Lfunc_end2:
_tile_overlayer_lowered:
.L_overlay_start_2:
0x12f: {  	(tag) =	ssettag $0x2  }
0x130: {  	s0 =	rddreg [dreg:$0x0];
	s2 =	stileid.u32  }
0x131: {  	s1 =	rddreg [dreg:$0x1];
	p0 =	sne.s32 s2, $0x0  }
0x132: {  	s3 =	rddreg [dreg:$0x2];
	[bflag:$0x3] =	sbarrier.arrive $0xFFFF;
	s2 =	simm.s32 @!p0 $0x1C03  }
0x133: {  	[timem:s3], [sflag:s2] =	dma.local @!p0 [hbm:s0], s1  }
0x134: {  	s0 =	simm.s32 @!p0 $0x3  }
0x135: {  	_ =	swait.ge @!p0 [sflag:s0], s1  }
0x136: {  	s1 =	ssub.s32 @!p0 $0x0, s1;
	[sflag:s0] =	ssyncset.done @!p0 $0x0  }
0x137: {  	[sflag:s0] =	ssyncadd.s32 @!p0 s1  }
0x138: {  	[bflag:$0x3] =	sbarrier.arrive $0xFFFF  }
0x139: {  	_ =	shalt  }

</sc_bundles>
